<compile_context>
chip_gen: v7x
topology: tpu7x:2x2x1
jax: 0.10.2.dev20260603
libtpu: 0.0.44.dev20260713+nightly
codegen_flags: <defaults>
</compile_context>

<pallas_src>
import functools

import jax
import jax.numpy as jnp
from jax import lax
from jax.experimental import pallas as pl
from jax.experimental.pallas import tpu as pltpu
from jax.experimental.pallas import tpu_sc as plsc

N = 8192
D = 64
K = 10
OUT = 128


_BR = 256


def _topk_body(pcdT_ref, pcd_blk_ref, idx_ref):
    pcdT = pcdT_ref[...]
    a = pcd_blk_ref[...]
    sq_col = jnp.sum(pcdT * pcdT, axis=0, keepdims=True)
    sq_row = jnp.sum(a * a, axis=1, keepdims=True)
    dot = jnp.dot(a, pcdT, preferred_element_type=jnp.float32)
    dd = (sq_row + sq_col) - 2.0 * dot

    iota_row = lax.broadcasted_iota(jnp.int32, (1, N), 1)
    big = jnp.int32(N)
    cols = []
    for _ in range(K):
        m = jnp.min(dd, axis=1, keepdims=True)
        cand = jnp.where(dd == m, iota_row, big)
        j = jnp.min(cand, axis=1, keepdims=True)
        cols.append(j)
        dd = jnp.where(iota_row == j, jnp.inf, dd)
    idx_ref[...] = jnp.concatenate(cols, axis=1)


def _topk(pcdT, pcd):
    grid = (N // _BR,)
    return pl.pallas_call(
        _topk_body,
        grid=grid,
        in_specs=[
            pl.BlockSpec((D, N), lambda i: (0, 0)),
            pl.BlockSpec((_BR, D), lambda i: (i, 0)),
        ],
        out_specs=pl.BlockSpec((_BR, K), lambda i: (i, 0)),
        out_shape=jax.ShapeDtypeStruct((N, K), jnp.int32),
    )(pcdT, pcd)



_DEPTH = 4
_G = N // 128


def _topk_fast_body(pcdT_ref, pcd_blk_ref, out_ref):
    pcdT = pcdT_ref[...]
    a = pcd_blk_ref[...]
    sq_col = jnp.sum(pcdT * pcdT, axis=0, keepdims=True)
    dot = jnp.dot(a, pcdT, preferred_element_type=jnp.float32)
    dd = sq_col - 2.0 * dot

    lane = lax.broadcasted_iota(jnp.int32, (1, 128), 1)
    inf = jnp.float32(jnp.inf)
    big = jnp.int32(1 << 30)

    def _ce(av, ai, bv, bi):
        c = bv < av
        return (jnp.where(c, bv, av), jnp.where(c, bi, ai),
                jnp.where(c, av, bv), jnp.where(c, ai, bi))

    sv = [jnp.full((_BR, 128), inf, jnp.float32) for _ in range(_DEPTH)]
    sa = [jnp.zeros((_BR, 128), jnp.int32) for _ in range(_DEPTH)]
    rej = jnp.full((_BR, 128), inf, jnp.float32)
    for q in range(_G // 4):
        vs = [dd[:, (4 * q + r) * 128:(4 * q + r + 1) * 128] for r in range(4)]
        ids = [jnp.full((1, 1), 4 * q + r, jnp.int32) for r in range(4)]
        v0, v1, v2, v3 = vs
        i0, i1, i2, i3 = ids
        v0, i0, v1, i1 = _ce(v0, i0, v1, i1)
        v2, i2, v3, i3 = _ce(v2, i2, v3, i3)
        v0, i0, v2, i2 = _ce(v0, i0, v2, i2)
        v1, i1, v3, i3 = _ce(v1, i1, v3, i3)
        v1, i1, v2, i2 = _ce(v1, i1, v2, i2)
        m1, mi1, x1, _ = _ce(sv[0], sa[0], v3, i3)
        m2, mi2, x2, _ = _ce(sv[1], sa[1], v2, i2)
        m3, mi3, x3, _ = _ce(sv[2], sa[2], v1, i1)
        m4, mi4, x4, _ = _ce(sv[3], sa[3], v0, i0)
        rej = jnp.minimum(rej, jnp.minimum(jnp.minimum(x1, x2),
                                           jnp.minimum(x3, x4)))
        m1, mi1, m3, mi3 = _ce(m1, mi1, m3, mi3)
        m2, mi2, m4, mi4 = _ce(m2, mi2, m4, mi4)
        m1, mi1, m2, mi2 = _ce(m1, mi1, m2, mi2)
        m3, mi3, m4, mi4 = _ce(m3, mi3, m4, mi4)
        sv = [m1, m2, m3, m4]
        sa = [mi1, mi2, mi3, mi4]

    gid = [sa[t] * 128 + lane for t in range(_DEPTH)]
    cv = jnp.concatenate(sv, axis=1)
    ci = jnp.concatenate(gid, axis=1)
    ct = cv.T
    it = ci.T

    rows = []
    m = None
    for _ in range(K):
        m = jnp.min(ct, axis=0, keepdims=True)
        cand = jnp.where(ct == m, it, big)
        j = jnp.min(cand, axis=0, keepdims=True)
        rows.append(j)
        ct = jnp.where(it == j, inf, ct)

    rejt = rej.T
    rejmin = jnp.min(rejt, axis=0, keepdims=True)
    rowflag = (rejmin <= m).astype(jnp.int32)
    for _ in range(16 - K):
        rows.append(rowflag)
    out_ref[...] = jnp.concatenate(rows, axis=0).T


def _topk_fast(pcdT, pcd):
    grid = (N // _BR,)
    return pl.pallas_call(
        _topk_fast_body,
        grid=grid,
        in_specs=[
            pl.BlockSpec((D, N), lambda i: (0, 0)),
            pl.BlockSpec((_BR, D), lambda i: (i, 0)),
        ],
        out_specs=pl.BlockSpec((_BR, 16), lambda i: (i, 0)),
        out_shape=jax.ShapeDtypeStruct((N, 16), jnp.int32),
    )(pcdT, pcd)



_B = N * K
_CHUNK = 1280


def _make_sc_gather():
    info = plsc.get_sparse_core_info()
    nc, ns = info.num_cores, info.num_subcores
    nw = nc * ns
    b_per_w = _B // nw
    n_chunks = b_per_w // _CHUNK
    mesh = plsc.VectorSubcoreMesh(core_axis_name="c", subcore_axis_name="s")

    @functools.partial(
        pl.kernel,
        mesh=mesh,
        compiler_params=pltpu.CompilerParams(use_tc_tiling_on_sc=False),
        out_type=jax.ShapeDtypeStruct((_B, D), jnp.float32),
        scratch_types=[
            pltpu.VMEM((_CHUNK,), jnp.int32),
            pltpu.VMEM((_CHUNK, D), jnp.float32),
            pltpu.SemaphoreType.DMA,
        ],
    )
    def gather(table_hbm, idx_hbm, out_hbm, idx_v, rows_v, sem):
        wid = lax.axis_index("s") * nc + lax.axis_index("c")
        base = wid * b_per_w
        for c in range(n_chunks):
            off = base + c * _CHUNK
            pltpu.sync_copy(idx_hbm.at[pl.ds(off, _CHUNK)], idx_v)
            pltpu.async_copy(table_hbm.at[idx_v], rows_v, sem).wait()
            pltpu.sync_copy(rows_v, out_hbm.at[pl.ds(off, _CHUNK)])

    return gather



_BR3 = 512


def _conv_body(v_ref, w2_ref, b_ref, out_ref):
    v = v_ref[...]
    w2 = w2_ref[...]
    acc = jnp.dot(v, w2, preferred_element_type=jnp.float32)
    res = acc[:, 0:OUT]
    for l in range(1, K):
        res = jnp.maximum(res, acc[:, l * OUT:(l + 1) * OUT])
    out_ref[...] = res + b_ref[...]


def _conv(v, w2, brow):
    grid = (N // _BR3,)
    return pl.pallas_call(
        _conv_body,
        grid=grid,
        in_specs=[
            pl.BlockSpec((_BR3, K * D), lambda i: (i, 0)),
            pl.BlockSpec((K * D, K * OUT), lambda i: (0, 0)),
            pl.BlockSpec((1, OUT), lambda i: (0, 0)),
        ],
        out_specs=pl.BlockSpec((_BR3, OUT), lambda i: (i, 0)),
        out_shape=jax.ShapeDtypeStruct((N, OUT), jnp.float32),
    )(v, w2, brow)




def kernel(x, W, b):
    pcdT = x[0]
    pcd = pcdT.T

    idx16 = _topk_fast(pcdT, pcd)
    idx_fast = idx16[:, :K]
    overflow = jnp.max(idx16[:, K]) > 0
    idx = lax.cond(overflow,
                   lambda: _topk(pcdT, pcd),
                   lambda: idx_fast)

    g = _make_sc_gather()(pcd, idx.reshape(-1))
    v = g.reshape(N, K * D)

    wm = W[:, :, 0].T
    eye = jnp.eye(K, dtype=jnp.float32)
    w2 = (wm[:, None, None, :] * eye[None, :, :, None]).reshape(D * K, K * OUT)

    return _conv(v, w2, b.reshape(1, OUT))

# --- scband reference (transcript-rebuilt; emitter-appended) ---
"""Pipeline reference for scband-edge-conv-54417235640997 (READ-ONLY COPY).

The authoritative reference and input builder live on the scoring server;
editing this copy changes nothing except your own understanding.
"""

import jax, jax.numpy as jnp
import numpy as np

N = 8192
D = 64
K = 10
OUT = 128


def setup_inputs(seed: int = 0) -> dict:
    key = jax.random.key(seed)
    k1, k2, k3 = jax.random.split(key, 3)
    x = jax.random.normal(k1, (1, D, N), dtype=jnp.float32)
    # Conv1d(in_dim=64, out_dim=128, kernel_size=1) parameters
    W = jax.random.normal(k2, (OUT, D, 1), dtype=jnp.float32) * 0.05
    b = jax.random.normal(k3, (OUT,), dtype=jnp.float32) * 0.05
    return {"x": x, "W": W, "b": b}


def reference(x, W, b):
    # kdtree(): _pcd = pcd.squeeze().T -> [N, D]; exact kNN with k=10 (self included)
    pcd = jnp.squeeze(x).T  # [N, D]
    sq = jnp.sum(pcd * pcd, axis=1)
    d2 = sq[:, None] + sq[None, :] - 2.0 * (pcd @ pcd.T)  # [N, N] squared distances
    _, idx = jax.lax.top_k(-d2, K)  # nearest K indices per point (ascending distance)
    xknn = pcd[idx]  # gather -> [N, K, D]
    # faithful to torch: reshape (NOT transpose) [N, K, D] -> [N, D, K]
    xknn = xknn.reshape(xknn.shape[0], xknn.shape[2], xknn.shape[1])
    # Conv1d with kernel_size=1: out[n, o, l] = sum_c W[o, c, 0] * xknn[n, c, l] + b[o]
    xg = jnp.einsum('ncl,oc->nol', xknn, W[:, :, 0]) + b[None, :, None]  # [N, OUT, K]
    xpool = jnp.max(xg, axis=2)  # max over neighbors -> [N, OUT]
    return xpool

if __name__ == "__main__":
    import jax
    _d = setup_inputs()
    print(jax.jit(kernel)(*tuple(_d.values())))

</pallas_src>

<mosaic_0001>
#map = affine_map<(d0, d1) -> (0, 0)>
#map1 = affine_map<(d0, d1) -> (0)>
module attributes {stable_mosaic.version = 14 : i64} {
  func.func @gather(%arg0: i32, %arg1: i32, %arg2: memref<8192x64xf32, #tpu.memory_space<hbm>>, %arg3: memref<81920xi32, #tpu.memory_space<hbm>>, %arg4: memref<81920x64xf32, #tpu.memory_space<hbm>>, %arg5: memref<1280xi32, #tpu.memory_space<vmem>>, %arg6: memref<1280x64xf32, #tpu.memory_space<vmem>>, %arg7: memref<!tpu.dma_semaphore, #tpu.memory_space<semaphore_mem>>) attributes {dimension_semantics = [#tpu.dimension_semantics<core_parallel>, #tpu.dimension_semantics<subcore_parallel>], iteration_bounds = array<i64: 2, 16>, scalar_prefetch = 0 : i64, scratch_operands = 3 : i64, tpu.core_type = #tpu.core_type<sc_vector_subcore>, window_params = [{transform_indices = #map}, {transform_indices = #map1}, {transform_indices = #map}]} {
    %mul3A = arith.constant 2 : i32
    %mul3A_0 = arith.muli %arg1, %mul3A : i32
    %add3A = arith.addi %mul3A_0, %arg0 : i32
    %mul3A_1 = arith.constant 2560 : i32
    %mul3A_2 = arith.muli %add3A, %mul3A_1 : i32
    %add3A_3 = arith.constant 0 : i32
    %add3A_4 = arith.addi %mul3A_2, %add3A_3 : i32
    "tpu.region"() ({
      %run_scoped3A = tpu.sem_alloc : memref<!tpu.dma_semaphore, #tpu.memory_space<semaphore_mem>>
      %dma_start3A_17 = tpu.memref_slice %arg3[%add3A_4] : memref<81920xi32, #tpu.memory_space<hbm>> -> memref<1280xi32, #tpu.memory_space<hbm>>
      %dma_start3A_18 = tpu.memref_slice %arg3[%add3A_4] : memref<81920xi32, #tpu.memory_space<hbm>> -> memref<1280xi32, #tpu.memory_space<hbm>>
      tpu.enqueue_dma source(%dma_start3A_18 : memref<1280xi32, #tpu.memory_space<hbm>>) target(%arg5 : memref<1280xi32, #tpu.memory_space<vmem>>) target_semaphore(%run_scoped3A : memref<!tpu.dma_semaphore, #tpu.memory_space<semaphore_mem>>)
      %dma_wait3A_19 = tpu.memref_slice %arg3[%add3A_4] : memref<81920xi32, #tpu.memory_space<hbm>> -> memref<1280xi32, #tpu.memory_space<hbm>>
      %dma_wait3A_20 = tpu.memref_slice %arg3[%add3A_4] : memref<81920xi32, #tpu.memory_space<hbm>> -> memref<1280xi32, #tpu.memory_space<hbm>>
      tpu.wait_dma2 semaphore(%run_scoped3A : memref<!tpu.dma_semaphore, #tpu.memory_space<semaphore_mem>>) src(%dma_wait3A_20 : memref<1280xi32, #tpu.memory_space<hbm>>) dst(%arg5 : memref<1280xi32, #tpu.memory_space<vmem>>)
      tpu.yield
    }) : () -> ()
    %dma_start3A = arith.constant 0 : i32
    %dma_start3A_5 = arith.constant 0 : i32
    %dma_start3A_6 = tpu.memref_slice %arg2[%dma_start3A, %dma_start3A_5] : memref<8192x64xf32, #tpu.memory_space<hbm>> -> memref<8192x64xf32, #tpu.memory_space<hbm>>
    tpu.enqueue_indirect_dma source(%dma_start3A_6 : memref<8192x64xf32, #tpu.memory_space<hbm>>) target(%arg6 : memref<1280x64xf32, #tpu.memory_space<vmem>>) offsets(%arg5 : memref<1280xi32, #tpu.memory_space<vmem>>) semaphore(%arg7 : memref<!tpu.dma_semaphore, #tpu.memory_space<semaphore_mem>>)
    %dma_wait3A = arith.constant 0 : i32
    %dma_wait3A_7 = arith.constant 0 : i32
    %dma_wait3A_8 = tpu.memref_slice %arg2[%dma_wait3A, %dma_wait3A_7] : memref<8192x64xf32, #tpu.memory_space<hbm>> -> memref<8192x64xf32, #tpu.memory_space<hbm>>
    tpu.wait_indirect_dma semaphore(%arg7 : memref<!tpu.dma_semaphore, #tpu.memory_space<semaphore_mem>>) src(%dma_wait3A_8 : memref<8192x64xf32, #tpu.memory_space<hbm>>) dst(%arg6 : memref<1280x64xf32, #tpu.memory_space<vmem>>)
    "tpu.region"() ({
      %run_scoped3A = tpu.sem_alloc : memref<!tpu.dma_semaphore, #tpu.memory_space<semaphore_mem>>
      %dma_start3A_17 = arith.constant 0 : i32
      %dma_start3A_18 = tpu.memref_slice %arg4[%add3A_4, %dma_start3A_17] : memref<81920x64xf32, #tpu.memory_space<hbm>> -> memref<1280x64xf32, #tpu.memory_space<hbm>>
      %dma_start3A_19 = arith.constant 0 : i32
      %dma_start3A_20 = tpu.memref_slice %arg4[%add3A_4, %dma_start3A_19] : memref<81920x64xf32, #tpu.memory_space<hbm>> -> memref<1280x64xf32, #tpu.memory_space<hbm>>
      tpu.enqueue_dma source(%arg6 : memref<1280x64xf32, #tpu.memory_space<vmem>>) target(%dma_start3A_20 : memref<1280x64xf32, #tpu.memory_space<hbm>>) target_semaphore(%run_scoped3A : memref<!tpu.dma_semaphore, #tpu.memory_space<semaphore_mem>>)
      %dma_wait3A_21 = arith.constant 0 : i32
      %dma_wait3A_22 = tpu.memref_slice %arg4[%add3A_4, %dma_wait3A_21] : memref<81920x64xf32, #tpu.memory_space<hbm>> -> memref<1280x64xf32, #tpu.memory_space<hbm>>
      %dma_wait3A_23 = arith.constant 0 : i32
      %dma_wait3A_24 = tpu.memref_slice %arg4[%add3A_4, %dma_wait3A_23] : memref<81920x64xf32, #tpu.memory_space<hbm>> -> memref<1280x64xf32, #tpu.memory_space<hbm>>
      tpu.wait_dma2 semaphore(%run_scoped3A : memref<!tpu.dma_semaphore, #tpu.memory_space<semaphore_mem>>) src(%arg6 : memref<1280x64xf32, #tpu.memory_space<vmem>>) dst(%dma_wait3A_24 : memref<1280x64xf32, #tpu.memory_space<hbm>>)
      tpu.yield
    }) : () -> ()
    %add3A_9 = arith.constant 1280 : i32
    %add3A_10 = arith.addi %mul3A_2, %add3A_9 : i32
    "tpu.region"() ({
      %run_scoped3A = tpu.sem_alloc : memref<!tpu.dma_semaphore, #tpu.memory_space<semaphore_mem>>
      %dma_start3A_17 = tpu.memref_slice %arg3[%add3A_10] : memref<81920xi32, #tpu.memory_space<hbm>> -> memref<1280xi32, #tpu.memory_space<hbm>>
      %dma_start3A_18 = tpu.memref_slice %arg3[%add3A_10] : memref<81920xi32, #tpu.memory_space<hbm>> -> memref<1280xi32, #tpu.memory_space<hbm>>
      tpu.enqueue_dma source(%dma_start3A_18 : memref<1280xi32, #tpu.memory_space<hbm>>) target(%arg5 : memref<1280xi32, #tpu.memory_space<vmem>>) target_semaphore(%run_scoped3A : memref<!tpu.dma_semaphore, #tpu.memory_space<semaphore_mem>>)
      %dma_wait3A_19 = tpu.memref_slice %arg3[%add3A_10] : memref<81920xi32, #tpu.memory_space<hbm>> -> memref<1280xi32, #tpu.memory_space<hbm>>
      %dma_wait3A_20 = tpu.memref_slice %arg3[%add3A_10] : memref<81920xi32, #tpu.memory_space<hbm>> -> memref<1280xi32, #tpu.memory_space<hbm>>
      tpu.wait_dma2 semaphore(%run_scoped3A : memref<!tpu.dma_semaphore, #tpu.memory_space<semaphore_mem>>) src(%dma_wait3A_20 : memref<1280xi32, #tpu.memory_space<hbm>>) dst(%arg5 : memref<1280xi32, #tpu.memory_space<vmem>>)
      tpu.yield
    }) : () -> ()
    %dma_start3A_11 = arith.constant 0 : i32
    %dma_start3A_12 = arith.constant 0 : i32
    %dma_start3A_13 = tpu.memref_slice %arg2[%dma_start3A_11, %dma_start3A_12] : memref<8192x64xf32, #tpu.memory_space<hbm>> -> memref<8192x64xf32, #tpu.memory_space<hbm>>
    tpu.enqueue_indirect_dma source(%dma_start3A_13 : memref<8192x64xf32, #tpu.memory_space<hbm>>) target(%arg6 : memref<1280x64xf32, #tpu.memory_space<vmem>>) offsets(%arg5 : memref<1280xi32, #tpu.memory_space<vmem>>) semaphore(%arg7 : memref<!tpu.dma_semaphore, #tpu.memory_space<semaphore_mem>>)
    %dma_wait3A_14 = arith.constant 0 : i32
    %dma_wait3A_15 = arith.constant 0 : i32
    %dma_wait3A_16 = tpu.memref_slice %arg2[%dma_wait3A_14, %dma_wait3A_15] : memref<8192x64xf32, #tpu.memory_space<hbm>> -> memref<8192x64xf32, #tpu.memory_space<hbm>>
    tpu.wait_indirect_dma semaphore(%arg7 : memref<!tpu.dma_semaphore, #tpu.memory_space<semaphore_mem>>) src(%dma_wait3A_16 : memref<8192x64xf32, #tpu.memory_space<hbm>>) dst(%arg6 : memref<1280x64xf32, #tpu.memory_space<vmem>>)
    "tpu.region"() ({
      %run_scoped3A = tpu.sem_alloc : memref<!tpu.dma_semaphore, #tpu.memory_space<semaphore_mem>>
      %dma_start3A_17 = arith.constant 0 : i32
      %dma_start3A_18 = tpu.memref_slice %arg4[%add3A_10, %dma_start3A_17] : memref<81920x64xf32, #tpu.memory_space<hbm>> -> memref<1280x64xf32, #tpu.memory_space<hbm>>
      %dma_start3A_19 = arith.constant 0 : i32
      %dma_start3A_20 = tpu.memref_slice %arg4[%add3A_10, %dma_start3A_19] : memref<81920x64xf32, #tpu.memory_space<hbm>> -> memref<1280x64xf32, #tpu.memory_space<hbm>>
      tpu.enqueue_dma source(%arg6 : memref<1280x64xf32, #tpu.memory_space<vmem>>) target(%dma_start3A_20 : memref<1280x64xf32, #tpu.memory_space<hbm>>) target_semaphore(%run_scoped3A : memref<!tpu.dma_semaphore, #tpu.memory_space<semaphore_mem>>)
      %dma_wait3A_21 = arith.constant 0 : i32
      %dma_wait3A_22 = tpu.memref_slice %arg4[%add3A_10, %dma_wait3A_21] : memref<81920x64xf32, #tpu.memory_space<hbm>> -> memref<1280x64xf32, #tpu.memory_space<hbm>>
      %dma_wait3A_23 = arith.constant 0 : i32
      %dma_wait3A_24 = tpu.memref_slice %arg4[%add3A_10, %dma_wait3A_23] : memref<81920x64xf32, #tpu.memory_space<hbm>> -> memref<1280x64xf32, #tpu.memory_space<hbm>>
      tpu.wait_dma2 semaphore(%run_scoped3A : memref<!tpu.dma_semaphore, #tpu.memory_space<semaphore_mem>>) src(%arg6 : memref<1280x64xf32, #tpu.memory_space<vmem>>) dst(%dma_wait3A_24 : memref<1280x64xf32, #tpu.memory_space<hbm>>)
      tpu.yield
    }) : () -> ()
    return
  }
}

module attributes {stable_mosaic.version = 14 : i64} {
  func.func @_topk_fast_body(%arg0: i32, %arg1: memref<64x8192xf32, #tpu.memory_space<vmem>>, %arg2: memref<256x64xf32, #tpu.memory_space<vmem>>, %arg3: memref<256x16xi32, #tpu.memory_space<vmem>>) attributes {dimension_semantics = [#tpu.dimension_semantics<arbitrary>], iteration_bounds = array<i64: 32>, scalar_prefetch = 0 : i64, scratch_operands = 0 : i64, tpu.core_type = #tpu.core_type<tc>, window_params = [{pipeline_mode = #tpu.pipeline_mode<synchronous>, transform_indices = @transform_0, window_bounds = array<i64: 64, 8192>}, {transform_indices = @transform_1, window_bounds = array<i64: 256, 64>}, {transform_indices = @transform_2, window_bounds = array<i64: 256, 16>}]} {
    %get3A = arith.constant 0 : index
    %get3A_0 = arith.constant 0 : index
    %get3A_1 = vector.load %arg1[%get3A, %get3A_0] : memref<64x8192xf32, #tpu.memory_space<vmem>>, vector<64x8192xf32>
    %get3A_2 = arith.constant 0 : index
    %get3A_3 = arith.constant 0 : index
    %get3A_4 = vector.load %arg2[%get3A_2, %get3A_3] : memref<256x64xf32, #tpu.memory_space<vmem>>, vector<256x64xf32>
    %mul3A = arith.mulf %get3A_1, %get3A_1 : vector<64x8192xf32>
    %reduce_sum3A = arith.constant dense<0.000000e+00> : vector<8192xf32>
    %reduce_sum3A_5 = vector.multi_reduction <add>, %mul3A, %reduce_sum3A [0] : vector<64x8192xf32> to vector<8192xf32>
    %broadcast_in_dim3A = vector.shape_cast %reduce_sum3A_5 : vector<8192xf32> to vector<1x8192xf32>
    %dot_general3A = arith.constant dense<0.000000e+00> : vector<256x8192xf32>
    %dot_general3A_6 = tpu.matmul %get3A_4, %get3A_1, %dot_general3A {dimension_numbers = #tpu.dot_dimension_numbers<[1], [0], [0], [1], [0, 0, 1, 1], [], []>, transpose_lhs_hint = false} : vector<256x64xf32>, vector<64x8192xf32>, vector<256x8192xf32> -> vector<256x8192xf32>
    %mul3A_7 = arith.constant 2.000000e+00 : f32
    %mul3A_8 = vector.broadcast %mul3A_7 : f32 to vector<256x8192xf32>
    %mul3A_9 = arith.mulf %mul3A_8, %dot_general3A_6 : vector<256x8192xf32>
    %sub3A = vector.broadcast %broadcast_in_dim3A : vector<1x8192xf32> to vector<256x8192xf32>
    %sub3A_10 = arith.subf %sub3A, %mul3A_9 : vector<256x8192xf32>
    %iota3A = tpu.iota {dimensions = array<i32: 1>} : vector<1x128xi32>
    %broadcast_in_dim3A_11 = arith.constant 0x7F800000 : f32
    %broadcast_in_dim3A_12 = vector.broadcast %broadcast_in_dim3A_11 : f32 to vector<256x128xf32>
    %broadcast_in_dim3A_13 = arith.constant 0x7F800000 : f32
    %broadcast_in_dim3A_14 = vector.broadcast %broadcast_in_dim3A_13 : f32 to vector<256x128xf32>
    %broadcast_in_dim3A_15 = arith.constant 0x7F800000 : f32
    %broadcast_in_dim3A_16 = vector.broadcast %broadcast_in_dim3A_15 : f32 to vector<256x128xf32>
    %broadcast_in_dim3A_17 = arith.constant 0x7F800000 : f32
    %broadcast_in_dim3A_18 = vector.broadcast %broadcast_in_dim3A_17 : f32 to vector<256x128xf32>
    %broadcast_in_dim3A_19 = arith.constant 0 : i32
    %broadcast_in_dim3A_20 = vector.broadcast %broadcast_in_dim3A_19 : i32 to vector<256x128xi32>
    %broadcast_in_dim3A_21 = arith.constant 0 : i32
    %broadcast_in_dim3A_22 = vector.broadcast %broadcast_in_dim3A_21 : i32 to vector<256x128xi32>
    %broadcast_in_dim3A_23 = arith.constant 0 : i32
    %broadcast_in_dim3A_24 = vector.broadcast %broadcast_in_dim3A_23 : i32 to vector<256x128xi32>
    %broadcast_in_dim3A_25 = arith.constant 0 : i32
    %broadcast_in_dim3A_26 = vector.broadcast %broadcast_in_dim3A_25 : i32 to vector<256x128xi32>
    %broadcast_in_dim3A_27 = arith.constant 0x7F800000 : f32
    %broadcast_in_dim3A_28 = vector.broadcast %broadcast_in_dim3A_27 : f32 to vector<256x128xf32>
    %slice3A = vector.extract_strided_slice %sub3A_10 {offsets = [0, 0], sizes = [256, 128], strides = [1, 1]} : vector<256x8192xf32> to vector<256x128xf32>
    %slice3A_29 = vector.extract_strided_slice %sub3A_10 {offsets = [0, 128], sizes = [256, 128], strides = [1, 1]} : vector<256x8192xf32> to vector<256x128xf32>
    %slice3A_30 = vector.extract_strided_slice %sub3A_10 {offsets = [0, 256], sizes = [256, 128], strides = [1, 1]} : vector<256x8192xf32> to vector<256x128xf32>
    %slice3A_31 = vector.extract_strided_slice %sub3A_10 {offsets = [0, 384], sizes = [256, 128], strides = [1, 1]} : vector<256x8192xf32> to vector<256x128xf32>
    %broadcast_in_dim3A_32 = arith.constant 0 : i32
    %broadcast_in_dim3A_33 = vector.broadcast %broadcast_in_dim3A_32 : i32 to vector<1x1xi32>
    %broadcast_in_dim3A_34 = arith.constant 1 : i32
    %broadcast_in_dim3A_35 = vector.broadcast %broadcast_in_dim3A_34 : i32 to vector<1x1xi32>
    %broadcast_in_dim3A_36 = arith.constant 2 : i32
    %broadcast_in_dim3A_37 = vector.broadcast %broadcast_in_dim3A_36 : i32 to vector<1x1xi32>
    %broadcast_in_dim3A_38 = arith.constant 3 : i32
    %broadcast_in_dim3A_39 = vector.broadcast %broadcast_in_dim3A_38 : i32 to vector<1x1xi32>
    %lt3A = arith.cmpf olt, %slice3A_29, %slice3A : vector<256x128xf32>
    %select_n3A = arith.select %lt3A, %slice3A_29, %slice3A : vector<256x128xi1>, vector<256x128xf32>
    %broadcast_in_dim3A_40 = vector.shape_cast %broadcast_in_dim3A_35 : vector<1x1xi32> to vector<1x1xi32>
    %broadcast_in_dim3A_41 = vector.broadcast %broadcast_in_dim3A_40 : vector<1x1xi32> to vector<256x128xi32>
    %broadcast_in_dim3A_42 = vector.shape_cast %broadcast_in_dim3A_33 : vector<1x1xi32> to vector<1x1xi32>
    %broadcast_in_dim3A_43 = vector.broadcast %broadcast_in_dim3A_42 : vector<1x1xi32> to vector<256x128xi32>
    %select_n3A_44 = arith.select %lt3A, %broadcast_in_dim3A_41, %broadcast_in_dim3A_43 : vector<256x128xi1>, vector<256x128xi32>
    %select_n3A_45 = arith.select %lt3A, %slice3A, %slice3A_29 : vector<256x128xi1>, vector<256x128xf32>
    %broadcast_in_dim3A_46 = vector.shape_cast %broadcast_in_dim3A_33 : vector<1x1xi32> to vector<1x1xi32>
    %broadcast_in_dim3A_47 = vector.broadcast %broadcast_in_dim3A_46 : vector<1x1xi32> to vector<256x128xi32>
    %broadcast_in_dim3A_48 = vector.shape_cast %broadcast_in_dim3A_35 : vector<1x1xi32> to vector<1x1xi32>
    %broadcast_in_dim3A_49 = vector.broadcast %broadcast_in_dim3A_48 : vector<1x1xi32> to vector<256x128xi32>
    %select_n3A_50 = arith.select %lt3A, %broadcast_in_dim3A_47, %broadcast_in_dim3A_49 : vector<256x128xi1>, vector<256x128xi32>
    %lt3A_51 = arith.cmpf olt, %slice3A_31, %slice3A_30 : vector<256x128xf32>
    %select_n3A_52 = arith.select %lt3A_51, %slice3A_31, %slice3A_30 : vector<256x128xi1>, vector<256x128xf32>
    %broadcast_in_dim3A_53 = vector.shape_cast %broadcast_in_dim3A_39 : vector<1x1xi32> to vector<1x1xi32>
    %broadcast_in_dim3A_54 = vector.broadcast %broadcast_in_dim3A_53 : vector<1x1xi32> to vector<256x128xi32>
    %broadcast_in_dim3A_55 = vector.shape_cast %broadcast_in_dim3A_37 : vector<1x1xi32> to vector<1x1xi32>
    %broadcast_in_dim3A_56 = vector.broadcast %broadcast_in_dim3A_55 : vector<1x1xi32> to vector<256x128xi32>
    %select_n3A_57 = arith.select %lt3A_51, %broadcast_in_dim3A_54, %broadcast_in_dim3A_56 : vector<256x128xi1>, vector<256x128xi32>
    %select_n3A_58 = arith.select %lt3A_51, %slice3A_30, %slice3A_31 : vector<256x128xi1>, vector<256x128xf32>
    %broadcast_in_dim3A_59 = vector.shape_cast %broadcast_in_dim3A_37 : vector<1x1xi32> to vector<1x1xi32>
    %broadcast_in_dim3A_60 = vector.broadcast %broadcast_in_dim3A_59 : vector<1x1xi32> to vector<256x128xi32>
    %broadcast_in_dim3A_61 = vector.shape_cast %broadcast_in_dim3A_39 : vector<1x1xi32> to vector<1x1xi32>
    %broadcast_in_dim3A_62 = vector.broadcast %broadcast_in_dim3A_61 : vector<1x1xi32> to vector<256x128xi32>
    %select_n3A_63 = arith.select %lt3A_51, %broadcast_in_dim3A_60, %broadcast_in_dim3A_62 : vector<256x128xi1>, vector<256x128xi32>
    %lt3A_64 = arith.cmpf olt, %select_n3A_52, %select_n3A : vector<256x128xf32>
    %select_n3A_65 = arith.select %lt3A_64, %select_n3A_52, %select_n3A : vector<256x128xi1>, vector<256x128xf32>
    %select_n3A_66 = arith.select %lt3A_64, %select_n3A_57, %select_n3A_44 : vector<256x128xi1>, vector<256x128xi32>
    %select_n3A_67 = arith.select %lt3A_64, %select_n3A, %select_n3A_52 : vector<256x128xi1>, vector<256x128xf32>
    %select_n3A_68 = arith.select %lt3A_64, %select_n3A_44, %select_n3A_57 : vector<256x128xi1>, vector<256x128xi32>
    %lt3A_69 = arith.cmpf olt, %select_n3A_58, %select_n3A_45 : vector<256x128xf32>
    %select_n3A_70 = arith.select %lt3A_69, %select_n3A_58, %select_n3A_45 : vector<256x128xi1>, vector<256x128xf32>
    %select_n3A_71 = arith.select %lt3A_69, %select_n3A_63, %select_n3A_50 : vector<256x128xi1>, vector<256x128xi32>
    %select_n3A_72 = arith.select %lt3A_69, %select_n3A_45, %select_n3A_58 : vector<256x128xi1>, vector<256x128xf32>
    %select_n3A_73 = arith.select %lt3A_69, %select_n3A_50, %select_n3A_63 : vector<256x128xi1>, vector<256x128xi32>
    %lt3A_74 = arith.cmpf olt, %select_n3A_67, %select_n3A_70 : vector<256x128xf32>
    %select_n3A_75 = arith.select %lt3A_74, %select_n3A_67, %select_n3A_70 : vector<256x128xi1>, vector<256x128xf32>
    %select_n3A_76 = arith.select %lt3A_74, %select_n3A_68, %select_n3A_71 : vector<256x128xi1>, vector<256x128xi32>
    %select_n3A_77 = arith.select %lt3A_74, %select_n3A_70, %select_n3A_67 : vector<256x128xi1>, vector<256x128xf32>
    %select_n3A_78 = arith.select %lt3A_74, %select_n3A_71, %select_n3A_68 : vector<256x128xi1>, vector<256x128xi32>
    %lt3A_79 = arith.cmpf olt, %select_n3A_72, %broadcast_in_dim3A_12 : vector<256x128xf32>
    %select_n3A_80 = arith.select %lt3A_79, %select_n3A_72, %broadcast_in_dim3A_12 : vector<256x128xi1>, vector<256x128xf32>
    %select_n3A_81 = arith.select %lt3A_79, %select_n3A_73, %broadcast_in_dim3A_20 : vector<256x128xi1>, vector<256x128xi32>
    %select_n3A_82 = arith.select %lt3A_79, %broadcast_in_dim3A_12, %select_n3A_72 : vector<256x128xi1>, vector<256x128xf32>
    %lt3A_83 = arith.cmpf olt, %select_n3A_77, %broadcast_in_dim3A_14 : vector<256x128xf32>
    %select_n3A_84 = arith.select %lt3A_83, %select_n3A_77, %broadcast_in_dim3A_14 : vector<256x128xi1>, vector<256x128xf32>
    %select_n3A_85 = arith.select %lt3A_83, %select_n3A_78, %broadcast_in_dim3A_22 : vector<256x128xi1>, vector<256x128xi32>
    %select_n3A_86 = arith.select %lt3A_83, %broadcast_in_dim3A_14, %select_n3A_77 : vector<256x128xi1>, vector<256x128xf32>
    %lt3A_87 = arith.cmpf olt, %select_n3A_75, %broadcast_in_dim3A_16 : vector<256x128xf32>
    %select_n3A_88 = arith.select %lt3A_87, %select_n3A_75, %broadcast_in_dim3A_16 : vector<256x128xi1>, vector<256x128xf32>
    %select_n3A_89 = arith.select %lt3A_87, %select_n3A_76, %broadcast_in_dim3A_24 : vector<256x128xi1>, vector<256x128xi32>
    %select_n3A_90 = arith.select %lt3A_87, %broadcast_in_dim3A_16, %select_n3A_75 : vector<256x128xi1>, vector<256x128xf32>
    %lt3A_91 = arith.cmpf olt, %select_n3A_65, %broadcast_in_dim3A_18 : vector<256x128xf32>
    %select_n3A_92 = arith.select %lt3A_91, %select_n3A_65, %broadcast_in_dim3A_18 : vector<256x128xi1>, vector<256x128xf32>
    %select_n3A_93 = arith.select %lt3A_91, %select_n3A_66, %broadcast_in_dim3A_26 : vector<256x128xi1>, vector<256x128xi32>
    %select_n3A_94 = arith.select %lt3A_91, %broadcast_in_dim3A_18, %select_n3A_65 : vector<256x128xi1>, vector<256x128xf32>
    %min3A = arith.minimumf %select_n3A_82, %select_n3A_86 : vector<256x128xf32>
    %min3A_95 = arith.minimumf %select_n3A_90, %select_n3A_94 : vector<256x128xf32>
    %min3A_96 = arith.minimumf %min3A, %min3A_95 : vector<256x128xf32>
    %min3A_97 = arith.minimumf %broadcast_in_dim3A_28, %min3A_96 : vector<256x128xf32>
    %lt3A_98 = arith.cmpf olt, %select_n3A_88, %select_n3A_80 : vector<256x128xf32>
    %select_n3A_99 = arith.select %lt3A_98, %select_n3A_88, %select_n3A_80 : vector<256x128xi1>, vector<256x128xf32>
    %select_n3A_100 = arith.select %lt3A_98, %select_n3A_89, %select_n3A_81 : vector<256x128xi1>, vector<256x128xi32>
    %select_n3A_101 = arith.select %lt3A_98, %select_n3A_80, %select_n3A_88 : vector<256x128xi1>, vector<256x128xf32>
    %select_n3A_102 = arith.select %lt3A_98, %select_n3A_81, %select_n3A_89 : vector<256x128xi1>, vector<256x128xi32>
    %lt3A_103 = arith.cmpf olt, %select_n3A_92, %select_n3A_84 : vector<256x128xf32>
    %select_n3A_104 = arith.select %lt3A_103, %select_n3A_92, %select_n3A_84 : vector<256x128xi1>, vector<256x128xf32>
    %select_n3A_105 = arith.select %lt3A_103, %select_n3A_93, %select_n3A_85 : vector<256x128xi1>, vector<256x128xi32>
    %select_n3A_106 = arith.select %lt3A_103, %select_n3A_84, %select_n3A_92 : vector<256x128xi1>, vector<256x128xf32>
    %select_n3A_107 = arith.select %lt3A_103, %select_n3A_85, %select_n3A_93 : vector<256x128xi1>, vector<256x128xi32>
    %lt3A_108 = arith.cmpf olt, %select_n3A_104, %select_n3A_99 : vector<256x128xf32>
    %select_n3A_109 = arith.select %lt3A_108, %select_n3A_104, %select_n3A_99 : vector<256x128xi1>, vector<256x128xf32>
    %select_n3A_110 = arith.select %lt3A_108, %select_n3A_105, %select_n3A_100 : vector<256x128xi1>, vector<256x128xi32>
    %select_n3A_111 = arith.select %lt3A_108, %select_n3A_99, %select_n3A_104 : vector<256x128xi1>, vector<256x128xf32>
    %select_n3A_112 = arith.select %lt3A_108, %select_n3A_100, %select_n3A_105 : vector<256x128xi1>, vector<256x128xi32>
    %lt3A_113 = arith.cmpf olt, %select_n3A_106, %select_n3A_101 : vector<256x128xf32>
    %select_n3A_114 = arith.select %lt3A_113, %select_n3A_106, %select_n3A_101 : vector<256x128xi1>, vector<256x128xf32>
    %select_n3A_115 = arith.select %lt3A_113, %select_n3A_107, %select_n3A_102 : vector<256x128xi1>, vector<256x128xi32>
    %select_n3A_116 = arith.select %lt3A_113, %select_n3A_101, %select_n3A_106 : vector<256x128xi1>, vector<256x128xf32>
    %select_n3A_117 = arith.select %lt3A_113, %select_n3A_102, %select_n3A_107 : vector<256x128xi1>, vector<256x128xi32>
    %slice3A_118 = vector.extract_strided_slice %sub3A_10 {offsets = [0, 512], sizes = [256, 128], strides = [1, 1]} : vector<256x8192xf32> to vector<256x128xf32>
    %slice3A_119 = vector.extract_strided_slice %sub3A_10 {offsets = [0, 640], sizes = [256, 128], strides = [1, 1]} : vector<256x8192xf32> to vector<256x128xf32>
    %slice3A_120 = vector.extract_strided_slice %sub3A_10 {offsets = [0, 768], sizes = [256, 128], strides = [1, 1]} : vector<256x8192xf32> to vector<256x128xf32>
    %slice3A_121 = vector.extract_strided_slice %sub3A_10 {offsets = [0, 896], sizes = [256, 128], strides = [1, 1]} : vector<256x8192xf32> to vector<256x128xf32>
    %broadcast_in_dim3A_122 = arith.constant 4 : i32
    %broadcast_in_dim3A_123 = vector.broadcast %broadcast_in_dim3A_122 : i32 to vector<1x1xi32>
    %broadcast_in_dim3A_124 = arith.constant 5 : i32
    %broadcast_in_dim3A_125 = vector.broadcast %broadcast_in_dim3A_124 : i32 to vector<1x1xi32>
    %broadcast_in_dim3A_126 = arith.constant 6 : i32
    %broadcast_in_dim3A_127 = vector.broadcast %broadcast_in_dim3A_126 : i32 to vector<1x1xi32>
    %broadcast_in_dim3A_128 = arith.constant 7 : i32
    %broadcast_in_dim3A_129 = vector.broadcast %broadcast_in_dim3A_128 : i32 to vector<1x1xi32>
    %lt3A_130 = arith.cmpf olt, %slice3A_119, %slice3A_118 : vector<256x128xf32>
    %select_n3A_131 = arith.select %lt3A_130, %slice3A_119, %slice3A_118 : vector<256x128xi1>, vector<256x128xf32>
    %broadcast_in_dim3A_132 = vector.shape_cast %broadcast_in_dim3A_125 : vector<1x1xi32> to vector<1x1xi32>
    %broadcast_in_dim3A_133 = vector.broadcast %broadcast_in_dim3A_132 : vector<1x1xi32> to vector<256x128xi32>
    %broadcast_in_dim3A_134 = vector.shape_cast %broadcast_in_dim3A_123 : vector<1x1xi32> to vector<1x1xi32>
    %broadcast_in_dim3A_135 = vector.broadcast %broadcast_in_dim3A_134 : vector<1x1xi32> to vector<256x128xi32>
    %select_n3A_136 = arith.select %lt3A_130, %broadcast_in_dim3A_133, %broadcast_in_dim3A_135 : vector<256x128xi1>, vector<256x128xi32>
    %select_n3A_137 = arith.select %lt3A_130, %slice3A_118, %slice3A_119 : vector<256x128xi1>, vector<256x128xf32>
    %broadcast_in_dim3A_138 = vector.shape_cast %broadcast_in_dim3A_123 : vector<1x1xi32> to vector<1x1xi32>
    %broadcast_in_dim3A_139 = vector.broadcast %broadcast_in_dim3A_138 : vector<1x1xi32> to vector<256x128xi32>
    %broadcast_in_dim3A_140 = vector.shape_cast %broadcast_in_dim3A_125 : vector<1x1xi32> to vector<1x1xi32>
    %broadcast_in_dim3A_141 = vector.broadcast %broadcast_in_dim3A_140 : vector<1x1xi32> to vector<256x128xi32>
    %select_n3A_142 = arith.select %lt3A_130, %broadcast_in_dim3A_139, %broadcast_in_dim3A_141 : vector<256x128xi1>, vector<256x128xi32>
    %lt3A_143 = arith.cmpf olt, %slice3A_121, %slice3A_120 : vector<256x128xf32>
    %select_n3A_144 = arith.select %lt3A_143, %slice3A_121, %slice3A_120 : vector<256x128xi1>, vector<256x128xf32>
    %broadcast_in_dim3A_145 = vector.shape_cast %broadcast_in_dim3A_129 : vector<1x1xi32> to vector<1x1xi32>
    %broadcast_in_dim3A_146 = vector.broadcast %broadcast_in_dim3A_145 : vector<1x1xi32> to vector<256x128xi32>
    %broadcast_in_dim3A_147 = vector.shape_cast %broadcast_in_dim3A_127 : vector<1x1xi32> to vector<1x1xi32>
    %broadcast_in_dim3A_148 = vector.broadcast %broadcast_in_dim3A_147 : vector<1x1xi32> to vector<256x128xi32>
    %select_n3A_149 = arith.select %lt3A_143, %broadcast_in_dim3A_146, %broadcast_in_dim3A_148 : vector<256x128xi1>, vector<256x128xi32>
    %select_n3A_150 = arith.select %lt3A_143, %slice3A_120, %slice3A_121 : vector<256x128xi1>, vector<256x128xf32>
    %broadcast_in_dim3A_151 = vector.shape_cast %broadcast_in_dim3A_127 : vector<1x1xi32> to vector<1x1xi32>
    %broadcast_in_dim3A_152 = vector.broadcast %broadcast_in_dim3A_151 : vector<1x1xi32> to vector<256x128xi32>
    %broadcast_in_dim3A_153 = vector.shape_cast %broadcast_in_dim3A_129 : vector<1x1xi32> to vector<1x1xi32>
    %broadcast_in_dim3A_154 = vector.broadcast %broadcast_in_dim3A_153 : vector<1x1xi32> to vector<256x128xi32>
    %select_n3A_155 = arith.select %lt3A_143, %broadcast_in_dim3A_152, %broadcast_in_dim3A_154 : vector<256x128xi1>, vector<256x128xi32>
    %lt3A_156 = arith.cmpf olt, %select_n3A_144, %select_n3A_131 : vector<256x128xf32>
    %select_n3A_157 = arith.select %lt3A_156, %select_n3A_144, %select_n3A_131 : vector<256x128xi1>, vector<256x128xf32>
    %select_n3A_158 = arith.select %lt3A_156, %select_n3A_149, %select_n3A_136 : vector<256x128xi1>, vector<256x128xi32>
    %select_n3A_159 = arith.select %lt3A_156, %select_n3A_131, %select_n3A_144 : vector<256x128xi1>, vector<256x128xf32>
    %select_n3A_160 = arith.select %lt3A_156, %select_n3A_136, %select_n3A_149 : vector<256x128xi1>, vector<256x128xi32>
    %lt3A_161 = arith.cmpf olt, %select_n3A_150, %select_n3A_137 : vector<256x128xf32>
    %select_n3A_162 = arith.select %lt3A_161, %select_n3A_150, %select_n3A_137 : vector<256x128xi1>, vector<256x128xf32>
    %select_n3A_163 = arith.select %lt3A_161, %select_n3A_155, %select_n3A_142 : vector<256x128xi1>, vector<256x128xi32>
    %select_n3A_164 = arith.select %lt3A_161, %select_n3A_137, %select_n3A_150 : vector<256x128xi1>, vector<256x128xf32>
    %select_n3A_165 = arith.select %lt3A_161, %select_n3A_142, %select_n3A_155 : vector<256x128xi1>, vector<256x128xi32>
    %lt3A_166 = arith.cmpf olt, %select_n3A_159, %select_n3A_162 : vector<256x128xf32>
    %select_n3A_167 = arith.select %lt3A_166, %select_n3A_159, %select_n3A_162 : vector<256x128xi1>, vector<256x128xf32>
    %select_n3A_168 = arith.select %lt3A_166, %select_n3A_160, %select_n3A_163 : vector<256x128xi1>, vector<256x128xi32>
    %select_n3A_169 = arith.select %lt3A_166, %select_n3A_162, %select_n3A_159 : vector<256x128xi1>, vector<256x128xf32>
    %select_n3A_170 = arith.select %lt3A_166, %select_n3A_163, %select_n3A_160 : vector<256x128xi1>, vector<256x128xi32>
    %lt3A_171 = arith.cmpf olt, %select_n3A_164, %select_n3A_109 : vector<256x128xf32>
    %select_n3A_172 = arith.select %lt3A_171, %select_n3A_164, %select_n3A_109 : vector<256x128xi1>, vector<256x128xf32>
    %select_n3A_173 = arith.select %lt3A_171, %select_n3A_165, %select_n3A_110 : vector<256x128xi1>, vector<256x128xi32>
    %select_n3A_174 = arith.select %lt3A_171, %select_n3A_109, %select_n3A_164 : vector<256x128xi1>, vector<256x128xf32>
    %lt3A_175 = arith.cmpf olt, %select_n3A_169, %select_n3A_111 : vector<256x128xf32>
    %select_n3A_176 = arith.select %lt3A_175, %select_n3A_169, %select_n3A_111 : vector<256x128xi1>, vector<256x128xf32>
    %select_n3A_177 = arith.select %lt3A_175, %select_n3A_170, %select_n3A_112 : vector<256x128xi1>, vector<256x128xi32>
    %select_n3A_178 = arith.select %lt3A_175, %select_n3A_111, %select_n3A_169 : vector<256x128xi1>, vector<256x128xf32>
    %lt3A_179 = arith.cmpf olt, %select_n3A_167, %select_n3A_114 : vector<256x128xf32>
    %select_n3A_180 = arith.select %lt3A_179, %select_n3A_167, %select_n3A_114 : vector<256x128xi1>, vector<256x128xf32>
    %select_n3A_181 = arith.select %lt3A_179, %select_n3A_168, %select_n3A_115 : vector<256x128xi1>, vector<256x128xi32>
    %select_n3A_182 = arith.select %lt3A_179, %select_n3A_114, %select_n3A_167 : vector<256x128xi1>, vector<256x128xf32>
    %lt3A_183 = arith.cmpf olt, %select_n3A_157, %select_n3A_116 : vector<256x128xf32>
    %select_n3A_184 = arith.select %lt3A_183, %select_n3A_157, %select_n3A_116 : vector<256x128xi1>, vector<256x128xf32>
    %select_n3A_185 = arith.select %lt3A_183, %select_n3A_158, %select_n3A_117 : vector<256x128xi1>, vector<256x128xi32>
    %select_n3A_186 = arith.select %lt3A_183, %select_n3A_116, %select_n3A_157 : vector<256x128xi1>, vector<256x128xf32>
    %min3A_187 = arith.minimumf %select_n3A_174, %select_n3A_178 : vector<256x128xf32>
    %min3A_188 = arith.minimumf %select_n3A_182, %select_n3A_186 : vector<256x128xf32>
    %min3A_189 = arith.minimumf %min3A_187, %min3A_188 : vector<256x128xf32>
    %min3A_190 = arith.minimumf %min3A_97, %min3A_189 : vector<256x128xf32>
    %lt3A_191 = arith.cmpf olt, %select_n3A_180, %select_n3A_172 : vector<256x128xf32>
    %select_n3A_192 = arith.select %lt3A_191, %select_n3A_180, %select_n3A_172 : vector<256x128xi1>, vector<256x128xf32>
    %select_n3A_193 = arith.select %lt3A_191, %select_n3A_181, %select_n3A_173 : vector<256x128xi1>, vector<256x128xi32>
    %select_n3A_194 = arith.select %lt3A_191, %select_n3A_172, %select_n3A_180 : vector<256x128xi1>, vector<256x128xf32>
    %select_n3A_195 = arith.select %lt3A_191, %select_n3A_173, %select_n3A_181 : vector<256x128xi1>, vector<256x128xi32>
    %lt3A_196 = arith.cmpf olt, %select_n3A_184, %select_n3A_176 : vector<256x128xf32>
    %select_n3A_197 = arith.select %lt3A_196, %select_n3A_184, %select_n3A_176 : vector<256x128xi1>, vector<256x128xf32>
    %select_n3A_198 = arith.select %lt3A_196, %select_n3A_185, %select_n3A_177 : vector<256x128xi1>, vector<256x128xi32>
    %select_n3A_199 = arith.select %lt3A_196, %select_n3A_176, %select_n3A_184 : vector<256x128xi1>, vector<256x128xf32>
    %select_n3A_200 = arith.select %lt3A_196, %select_n3A_177, %select_n3A_185 : vector<256x128xi1>, vector<256x128xi32>
    %lt3A_201 = arith.cmpf olt, %select_n3A_197, %select_n3A_192 : vector<256x128xf32>
    %select_n3A_202 = arith.select %lt3A_201, %select_n3A_197, %select_n3A_192 : vector<256x128xi1>, vector<256x128xf32>
    %select_n3A_203 = arith.select %lt3A_201, %select_n3A_198, %select_n3A_193 : vector<256x128xi1>, vector<256x128xi32>
    %select_n3A_204 = arith.select %lt3A_201, %select_n3A_192, %select_n3A_197 : vector<256x128xi1>, vector<256x128xf32>
    %select_n3A_205 = arith.select %lt3A_201, %select_n3A_193, %select_n3A_198 : vector<256x128xi1>, vector<256x128xi32>
    %lt3A_206 = arith.cmpf olt, %select_n3A_199, %select_n3A_194 : vector<256x128xf32>
    %select_n3A_207 = arith.select %lt3A_206, %select_n3A_199, %select_n3A_194 : vector<256x128xi1>, vector<256x128xf32>
    %select_n3A_208 = arith.select %lt3A_206, %select_n3A_200, %select_n3A_195 : vector<256x128xi1>, vector<256x128xi32>
    %select_n3A_209 = arith.select %lt3A_206, %select_n3A_194, %select_n3A_199 : vector<256x128xi1>, vector<256x128xf32>
    %select_n3A_210 = arith.select %lt3A_206, %select_n3A_195, %select_n3A_200 : vector<256x128xi1>, vector<256x128xi32>
    %slice3A_211 = vector.extract_strided_slice %sub3A_10 {offsets = [0, 1024], sizes = [256, 128], strides = [1, 1]} : vector<256x8192xf32> to vector<256x128xf32>
    %slice3A_212 = vector.extract_strided_slice %sub3A_10 {offsets = [0, 1152], sizes = [256, 128], strides = [1, 1]} : vector<256x8192xf32> to vector<256x128xf32>
    %slice3A_213 = vector.extract_strided_slice %sub3A_10 {offsets = [0, 1280], sizes = [256, 128], strides = [1, 1]} : vector<256x8192xf32> to vector<256x128xf32>
    %slice3A_214 = vector.extract_strided_slice %sub3A_10 {offsets = [0, 1408], sizes = [256, 128], strides = [1, 1]} : vector<256x8192xf32> to vector<256x128xf32>
    %broadcast_in_dim3A_215 = arith.constant 8 : i32
    %broadcast_in_dim3A_216 = vector.broadcast %broadcast_in_dim3A_215 : i32 to vector<1x1xi32>
    %broadcast_in_dim3A_217 = arith.constant 9 : i32
    %broadcast_in_dim3A_218 = vector.broadcast %broadcast_in_dim3A_217 : i32 to vector<1x1xi32>
    %broadcast_in_dim3A_219 = arith.constant 10 : i32
    %broadcast_in_dim3A_220 = vector.broadcast %broadcast_in_dim3A_219 : i32 to vector<1x1xi32>
    %broadcast_in_dim3A_221 = arith.constant 11 : i32
    %broadcast_in_dim3A_222 = vector.broadcast %broadcast_in_dim3A_221 : i32 to vector<1x1xi32>
    %lt3A_223 = arith.cmpf olt, %slice3A_212, %slice3A_211 : vector<256x128xf32>
    %select_n3A_224 = arith.select %lt3A_223, %slice3A_212, %slice3A_211 : vector<256x128xi1>, vector<256x128xf32>
    %broadcast_in_dim3A_225 = vector.shape_cast %broadcast_in_dim3A_218 : vector<1x1xi32> to vector<1x1xi32>
    %broadcast_in_dim3A_226 = vector.broadcast %broadcast_in_dim3A_225 : vector<1x1xi32> to vector<256x128xi32>
    %broadcast_in_dim3A_227 = vector.shape_cast %broadcast_in_dim3A_216 : vector<1x1xi32> to vector<1x1xi32>
    %broadcast_in_dim3A_228 = vector.broadcast %broadcast_in_dim3A_227 : vector<1x1xi32> to vector<256x128xi32>
    %select_n3A_229 = arith.select %lt3A_223, %broadcast_in_dim3A_226, %broadcast_in_dim3A_228 : vector<256x128xi1>, vector<256x128xi32>
    %select_n3A_230 = arith.select %lt3A_223, %slice3A_211, %slice3A_212 : vector<256x128xi1>, vector<256x128xf32>
    %broadcast_in_dim3A_231 = vector.shape_cast %broadcast_in_dim3A_216 : vector<1x1xi32> to vector<1x1xi32>
    %broadcast_in_dim3A_232 = vector.broadcast %broadcast_in_dim3A_231 : vector<1x1xi32> to vector<256x128xi32>
    %broadcast_in_dim3A_233 = vector.shape_cast %broadcast_in_dim3A_218 : vector<1x1xi32> to vector<1x1xi32>
    %broadcast_in_dim3A_234 = vector.broadcast %broadcast_in_dim3A_233 : vector<1x1xi32> to vector<256x128xi32>
    %select_n3A_235 = arith.select %lt3A_223, %broadcast_in_dim3A_232, %broadcast_in_dim3A_234 : vector<256x128xi1>, vector<256x128xi32>
    %lt3A_236 = arith.cmpf olt, %slice3A_214, %slice3A_213 : vector<256x128xf32>
    %select_n3A_237 = arith.select %lt3A_236, %slice3A_214, %slice3A_213 : vector<256x128xi1>, vector<256x128xf32>
    %broadcast_in_dim3A_238 = vector.shape_cast %broadcast_in_dim3A_222 : vector<1x1xi32> to vector<1x1xi32>
    %broadcast_in_dim3A_239 = vector.broadcast %broadcast_in_dim3A_238 : vector<1x1xi32> to vector<256x128xi32>
    %broadcast_in_dim3A_240 = vector.shape_cast %broadcast_in_dim3A_220 : vector<1x1xi32> to vector<1x1xi32>
    %broadcast_in_dim3A_241 = vector.broadcast %broadcast_in_dim3A_240 : vector<1x1xi32> to vector<256x128xi32>
    %select_n3A_242 = arith.select %lt3A_236, %broadcast_in_dim3A_239, %broadcast_in_dim3A_241 : vector<256x128xi1>, vector<256x128xi32>
    %select_n3A_243 = arith.select %lt3A_236, %slice3A_213, %slice3A_214 : vector<256x128xi1>, vector<256x128xf32>
    %broadcast_in_dim3A_244 = vector.shape_cast %broadcast_in_dim3A_220 : vector<1x1xi32> to vector<1x1xi32>
    %broadcast_in_dim3A_245 = vector.broadcast %broadcast_in_dim3A_244 : vector<1x1xi32> to vector<256x128xi32>
    %broadcast_in_dim3A_246 = vector.shape_cast %broadcast_in_dim3A_222 : vector<1x1xi32> to vector<1x1xi32>
    %broadcast_in_dim3A_247 = vector.broadcast %broadcast_in_dim3A_246 : vector<1x1xi32> to vector<256x128xi32>
    %select_n3A_248 = arith.select %lt3A_236, %broadcast_in_dim3A_245, %broadcast_in_dim3A_247 : vector<256x128xi1>, vector<256x128xi32>
    %lt3A_249 = arith.cmpf olt, %select_n3A_237, %select_n3A_224 : vector<256x128xf32>
    %select_n3A_250 = arith.select %lt3A_249, %select_n3A_237, %select_n3A_224 : vector<256x128xi1>, vector<256x128xf32>
    %select_n3A_251 = arith.select %lt3A_249, %select_n3A_242, %select_n3A_229 : vector<256x128xi1>, vector<256x128xi32>
    %select_n3A_252 = arith.select %lt3A_249, %select_n3A_224, %select_n3A_237 : vector<256x128xi1>, vector<256x128xf32>
    %select_n3A_253 = arith.select %lt3A_249, %select_n3A_229, %select_n3A_242 : vector<256x128xi1>, vector<256x128xi32>
    %lt3A_254 = arith.cmpf olt, %select_n3A_243, %select_n3A_230 : vector<256x128xf32>
    %select_n3A_255 = arith.select %lt3A_254, %select_n3A_243, %select_n3A_230 : vector<256x128xi1>, vector<256x128xf32>
    %select_n3A_256 = arith.select %lt3A_254, %select_n3A_248, %select_n3A_235 : vector<256x128xi1>, vector<256x128xi32>
    %select_n3A_257 = arith.select %lt3A_254, %select_n3A_230, %select_n3A_243 : vector<256x128xi1>, vector<256x128xf32>
    %select_n3A_258 = arith.select %lt3A_254, %select_n3A_235, %select_n3A_248 : vector<256x128xi1>, vector<256x128xi32>
    %lt3A_259 = arith.cmpf olt, %select_n3A_252, %select_n3A_255 : vector<256x128xf32>
    %select_n3A_260 = arith.select %lt3A_259, %select_n3A_252, %select_n3A_255 : vector<256x128xi1>, vector<256x128xf32>
    %select_n3A_261 = arith.select %lt3A_259, %select_n3A_253, %select_n3A_256 : vector<256x128xi1>, vector<256x128xi32>
    %select_n3A_262 = arith.select %lt3A_259, %select_n3A_255, %select_n3A_252 : vector<256x128xi1>, vector<256x128xf32>
    %select_n3A_263 = arith.select %lt3A_259, %select_n3A_256, %select_n3A_253 : vector<256x128xi1>, vector<256x128xi32>
    %lt3A_264 = arith.cmpf olt, %select_n3A_257, %select_n3A_202 : vector<256x128xf32>
    %select_n3A_265 = arith.select %lt3A_264, %select_n3A_257, %select_n3A_202 : vector<256x128xi1>, vector<256x128xf32>
    %select_n3A_266 = arith.select %lt3A_264, %select_n3A_258, %select_n3A_203 : vector<256x128xi1>, vector<256x128xi32>
    %select_n3A_267 = arith.select %lt3A_264, %select_n3A_202, %select_n3A_257 : vector<256x128xi1>, vector<256x128xf32>
    %lt3A_268 = arith.cmpf olt, %select_n3A_262, %select_n3A_204 : vector<256x128xf32>
    %select_n3A_269 = arith.select %lt3A_268, %select_n3A_262, %select_n3A_204 : vector<256x128xi1>, vector<256x128xf32>
    %select_n3A_270 = arith.select %lt3A_268, %select_n3A_263, %select_n3A_205 : vector<256x128xi1>, vector<256x128xi32>
    %select_n3A_271 = arith.select %lt3A_268, %select_n3A_204, %select_n3A_262 : vector<256x128xi1>, vector<256x128xf32>
    %lt3A_272 = arith.cmpf olt, %select_n3A_260, %select_n3A_207 : vector<256x128xf32>
    %select_n3A_273 = arith.select %lt3A_272, %select_n3A_260, %select_n3A_207 : vector<256x128xi1>, vector<256x128xf32>
    %select_n3A_274 = arith.select %lt3A_272, %select_n3A_261, %select_n3A_208 : vector<256x128xi1>, vector<256x128xi32>
    %select_n3A_275 = arith.select %lt3A_272, %select_n3A_207, %select_n3A_260 : vector<256x128xi1>, vector<256x128xf32>
    %lt3A_276 = arith.cmpf olt, %select_n3A_250, %select_n3A_209 : vector<256x128xf32>
    %select_n3A_277 = arith.select %lt3A_276, %select_n3A_250, %select_n3A_209 : vector<256x128xi1>, vector<256x128xf32>
    %select_n3A_278 = arith.select %lt3A_276, %select_n3A_251, %select_n3A_210 : vector<256x128xi1>, vector<256x128xi32>
    %select_n3A_279 = arith.select %lt3A_276, %select_n3A_209, %select_n3A_250 : vector<256x128xi1>, vector<256x128xf32>
    %min3A_280 = arith.minimumf %select_n3A_267, %select_n3A_271 : vector<256x128xf32>
    %min3A_281 = arith.minimumf %select_n3A_275, %select_n3A_279 : vector<256x128xf32>
    %min3A_282 = arith.minimumf %min3A_280, %min3A_281 : vector<256x128xf32>
    %min3A_283 = arith.minimumf %min3A_190, %min3A_282 : vector<256x128xf32>
    %lt3A_284 = arith.cmpf olt, %select_n3A_273, %select_n3A_265 : vector<256x128xf32>
    %select_n3A_285 = arith.select %lt3A_284, %select_n3A_273, %select_n3A_265 : vector<256x128xi1>, vector<256x128xf32>
    %select_n3A_286 = arith.select %lt3A_284, %select_n3A_274, %select_n3A_266 : vector<256x128xi1>, vector<256x128xi32>
    %select_n3A_287 = arith.select %lt3A_284, %select_n3A_265, %select_n3A_273 : vector<256x128xi1>, vector<256x128xf32>
    %select_n3A_288 = arith.select %lt3A_284, %select_n3A_266, %select_n3A_274 : vector<256x128xi1>, vector<256x128xi32>
    %lt3A_289 = arith.cmpf olt, %select_n3A_277, %select_n3A_269 : vector<256x128xf32>
    %select_n3A_290 = arith.select %lt3A_289, %select_n3A_277, %select_n3A_269 : vector<256x128xi1>, vector<256x128xf32>
    %select_n3A_291 = arith.select %lt3A_289, %select_n3A_278, %select_n3A_270 : vector<256x128xi1>, vector<256x128xi32>
    %select_n3A_292 = arith.select %lt3A_289, %select_n3A_269, %select_n3A_277 : vector<256x128xi1>, vector<256x128xf32>
    %select_n3A_293 = arith.select %lt3A_289, %select_n3A_270, %select_n3A_278 : vector<256x128xi1>, vector<256x128xi32>
    %lt3A_294 = arith.cmpf olt, %select_n3A_290, %select_n3A_285 : vector<256x128xf32>
    %select_n3A_295 = arith.select %lt3A_294, %select_n3A_290, %select_n3A_285 : vector<256x128xi1>, vector<256x128xf32>
    %select_n3A_296 = arith.select %lt3A_294, %select_n3A_291, %select_n3A_286 : vector<256x128xi1>, vector<256x128xi32>
    %select_n3A_297 = arith.select %lt3A_294, %select_n3A_285, %select_n3A_290 : vector<256x128xi1>, vector<256x128xf32>
    %select_n3A_298 = arith.select %lt3A_294, %select_n3A_286, %select_n3A_291 : vector<256x128xi1>, vector<256x128xi32>
    %lt3A_299 = arith.cmpf olt, %select_n3A_292, %select_n3A_287 : vector<256x128xf32>
    %select_n3A_300 = arith.select %lt3A_299, %select_n3A_292, %select_n3A_287 : vector<256x128xi1>, vector<256x128xf32>
    %select_n3A_301 = arith.select %lt3A_299, %select_n3A_293, %select_n3A_288 : vector<256x128xi1>, vector<256x128xi32>
    %select_n3A_302 = arith.select %lt3A_299, %select_n3A_287, %select_n3A_292 : vector<256x128xi1>, vector<256x128xf32>
    %select_n3A_303 = arith.select %lt3A_299, %select_n3A_288, %select_n3A_293 : vector<256x128xi1>, vector<256x128xi32>
    %slice3A_304 = vector.extract_strided_slice %sub3A_10 {offsets = [0, 1536], sizes = [256, 128], strides = [1, 1]} : vector<256x8192xf32> to vector<256x128xf32>
    %slice3A_305 = vector.extract_strided_slice %sub3A_10 {offsets = [0, 1664], sizes = [256, 128], strides = [1, 1]} : vector<256x8192xf32> to vector<256x128xf32>
    %slice3A_306 = vector.extract_strided_slice %sub3A_10 {offsets = [0, 1792], sizes = [256, 128], strides = [1, 1]} : vector<256x8192xf32> to vector<256x128xf32>
    %slice3A_307 = vector.extract_strided_slice %sub3A_10 {offsets = [0, 1920], sizes = [256, 128], strides = [1, 1]} : vector<256x8192xf32> to vector<256x128xf32>
    %broadcast_in_dim3A_308 = arith.constant 12 : i32
    %broadcast_in_dim3A_309 = vector.broadcast %broadcast_in_dim3A_308 : i32 to vector<1x1xi32>
    %broadcast_in_dim3A_310 = arith.constant 13 : i32
    %broadcast_in_dim3A_311 = vector.broadcast %broadcast_in_dim3A_310 : i32 to vector<1x1xi32>
    %broadcast_in_dim3A_312 = arith.constant 14 : i32
    %broadcast_in_dim3A_313 = vector.broadcast %broadcast_in_dim3A_312 : i32 to vector<1x1xi32>
    %broadcast_in_dim3A_314 = arith.constant 15 : i32
    %broadcast_in_dim3A_315 = vector.broadcast %broadcast_in_dim3A_314 : i32 to vector<1x1xi32>
    %lt3A_316 = arith.cmpf olt, %slice3A_305, %slice3A_304 : vector<256x128xf32>
    %select_n3A_317 = arith.select %lt3A_316, %slice3A_305, %slice3A_304 : vector<256x128xi1>, vector<256x128xf32>
    %broadcast_in_dim3A_318 = vector.shape_cast %broadcast_in_dim3A_311 : vector<1x1xi32> to vector<1x1xi32>
    %broadcast_in_dim3A_319 = vector.broadcast %broadcast_in_dim3A_318 : vector<1x1xi32> to vector<256x128xi32>
    %broadcast_in_dim3A_320 = vector.shape_cast %broadcast_in_dim3A_309 : vector<1x1xi32> to vector<1x1xi32>
    %broadcast_in_dim3A_321 = vector.broadcast %broadcast_in_dim3A_320 : vector<1x1xi32> to vector<256x128xi32>
    %select_n3A_322 = arith.select %lt3A_316, %broadcast_in_dim3A_319, %broadcast_in_dim3A_321 : vector<256x128xi1>, vector<256x128xi32>
    %select_n3A_323 = arith.select %lt3A_316, %slice3A_304, %slice3A_305 : vector<256x128xi1>, vector<256x128xf32>
    %broadcast_in_dim3A_324 = vector.shape_cast %broadcast_in_dim3A_309 : vector<1x1xi32> to vector<1x1xi32>
    %broadcast_in_dim3A_325 = vector.broadcast %broadcast_in_dim3A_324 : vector<1x1xi32> to vector<256x128xi32>
    %broadcast_in_dim3A_326 = vector.shape_cast %broadcast_in_dim3A_311 : vector<1x1xi32> to vector<1x1xi32>
    %broadcast_in_dim3A_327 = vector.broadcast %broadcast_in_dim3A_326 : vector<1x1xi32> to vector<256x128xi32>
    %select_n3A_328 = arith.select %lt3A_316, %broadcast_in_dim3A_325, %broadcast_in_dim3A_327 : vector<256x128xi1>, vector<256x128xi32>
    %lt3A_329 = arith.cmpf olt, %slice3A_307, %slice3A_306 : vector<256x128xf32>
    %select_n3A_330 = arith.select %lt3A_329, %slice3A_307, %slice3A_306 : vector<256x128xi1>, vector<256x128xf32>
    %broadcast_in_dim3A_331 = vector.shape_cast %broadcast_in_dim3A_315 : vector<1x1xi32> to vector<1x1xi32>
    %broadcast_in_dim3A_332 = vector.broadcast %broadcast_in_dim3A_331 : vector<1x1xi32> to vector<256x128xi32>
    %broadcast_in_dim3A_333 = vector.shape_cast %broadcast_in_dim3A_313 : vector<1x1xi32> to vector<1x1xi32>
    %broadcast_in_dim3A_334 = vector.broadcast %broadcast_in_dim3A_333 : vector<1x1xi32> to vector<256x128xi32>
    %select_n3A_335 = arith.select %lt3A_329, %broadcast_in_dim3A_332, %broadcast_in_dim3A_334 : vector<256x128xi1>, vector<256x128xi32>
    %select_n3A_336 = arith.select %lt3A_329, %slice3A_306, %slice3A_307 : vector<256x128xi1>, vector<256x128xf32>
    %broadcast_in_dim3A_337 = vector.shape_cast %broadcast_in_dim3A_313 : vector<1x1xi32> to vector<1x1xi32>
    %broadcast_in_dim3A_338 = vector.broadcast %broadcast_in_dim3A_337 : vector<1x1xi32> to vector<256x128xi32>
    %broadcast_in_dim3A_339 = vector.shape_cast %broadcast_in_dim3A_315 : vector<1x1xi32> to vector<1x1xi32>
    %broadcast_in_dim3A_340 = vector.broadcast %broadcast_in_dim3A_339 : vector<1x1xi32> to vector<256x128xi32>
    %select_n3A_341 = arith.select %lt3A_329, %broadcast_in_dim3A_338, %broadcast_in_dim3A_340 : vector<256x128xi1>, vector<256x128xi32>
    %lt3A_342 = arith.cmpf olt, %select_n3A_330, %select_n3A_317 : vector<256x128xf32>
    %select_n3A_343 = arith.select %lt3A_342, %select_n3A_330, %select_n3A_317 : vector<256x128xi1>, vector<256x128xf32>
    %select_n3A_344 = arith.select %lt3A_342, %select_n3A_335, %select_n3A_322 : vector<256x128xi1>, vector<256x128xi32>
    %select_n3A_345 = arith.select %lt3A_342, %select_n3A_317, %select_n3A_330 : vector<256x128xi1>, vector<256x128xf32>
    %select_n3A_346 = arith.select %lt3A_342, %select_n3A_322, %select_n3A_335 : vector<256x128xi1>, vector<256x128xi32>
    %lt3A_347 = arith.cmpf olt, %select_n3A_336, %select_n3A_323 : vector<256x128xf32>
    %select_n3A_348 = arith.select %lt3A_347, %select_n3A_336, %select_n3A_323 : vector<256x128xi1>, vector<256x128xf32>
    %select_n3A_349 = arith.select %lt3A_347, %select_n3A_341, %select_n3A_328 : vector<256x128xi1>, vector<256x128xi32>
    %select_n3A_350 = arith.select %lt3A_347, %select_n3A_323, %select_n3A_336 : vector<256x128xi1>, vector<256x128xf32>
    %select_n3A_351 = arith.select %lt3A_347, %select_n3A_328, %select_n3A_341 : vector<256x128xi1>, vector<256x128xi32>
    %lt3A_352 = arith.cmpf olt, %select_n3A_345, %select_n3A_348 : vector<256x128xf32>
    %select_n3A_353 = arith.select %lt3A_352, %select_n3A_345, %select_n3A_348 : vector<256x128xi1>, vector<256x128xf32>
    %select_n3A_354 = arith.select %lt3A_352, %select_n3A_346, %select_n3A_349 : vector<256x128xi1>, vector<256x128xi32>
    %select_n3A_355 = arith.select %lt3A_352, %select_n3A_348, %select_n3A_345 : vector<256x128xi1>, vector<256x128xf32>
    %select_n3A_356 = arith.select %lt3A_352, %select_n3A_349, %select_n3A_346 : vector<256x128xi1>, vector<256x128xi32>
    %lt3A_357 = arith.cmpf olt, %select_n3A_350, %select_n3A_295 : vector<256x128xf32>
    %select_n3A_358 = arith.select %lt3A_357, %select_n3A_350, %select_n3A_295 : vector<256x128xi1>, vector<256x128xf32>
    %select_n3A_359 = arith.select %lt3A_357, %select_n3A_351, %select_n3A_296 : vector<256x128xi1>, vector<256x128xi32>
    %select_n3A_360 = arith.select %lt3A_357, %select_n3A_295, %select_n3A_350 : vector<256x128xi1>, vector<256x128xf32>
    %lt3A_361 = arith.cmpf olt, %select_n3A_355, %select_n3A_297 : vector<256x128xf32>
    %select_n3A_362 = arith.select %lt3A_361, %select_n3A_355, %select_n3A_297 : vector<256x128xi1>, vector<256x128xf32>
    %select_n3A_363 = arith.select %lt3A_361, %select_n3A_356, %select_n3A_298 : vector<256x128xi1>, vector<256x128xi32>
    %select_n3A_364 = arith.select %lt3A_361, %select_n3A_297, %select_n3A_355 : vector<256x128xi1>, vector<256x128xf32>
    %lt3A_365 = arith.cmpf olt, %select_n3A_353, %select_n3A_300 : vector<256x128xf32>
    %select_n3A_366 = arith.select %lt3A_365, %select_n3A_353, %select_n3A_300 : vector<256x128xi1>, vector<256x128xf32>
    %select_n3A_367 = arith.select %lt3A_365, %select_n3A_354, %select_n3A_301 : vector<256x128xi1>, vector<256x128xi32>
    %select_n3A_368 = arith.select %lt3A_365, %select_n3A_300, %select_n3A_353 : vector<256x128xi1>, vector<256x128xf32>
    %lt3A_369 = arith.cmpf olt, %select_n3A_343, %select_n3A_302 : vector<256x128xf32>
    %select_n3A_370 = arith.select %lt3A_369, %select_n3A_343, %select_n3A_302 : vector<256x128xi1>, vector<256x128xf32>
    %select_n3A_371 = arith.select %lt3A_369, %select_n3A_344, %select_n3A_303 : vector<256x128xi1>, vector<256x128xi32>
    %select_n3A_372 = arith.select %lt3A_369, %select_n3A_302, %select_n3A_343 : vector<256x128xi1>, vector<256x128xf32>
    %min3A_373 = arith.minimumf %select_n3A_360, %select_n3A_364 : vector<256x128xf32>
    %min3A_374 = arith.minimumf %select_n3A_368, %select_n3A_372 : vector<256x128xf32>
    %min3A_375 = arith.minimumf %min3A_373, %min3A_374 : vector<256x128xf32>
    %min3A_376 = arith.minimumf %min3A_283, %min3A_375 : vector<256x128xf32>
    %lt3A_377 = arith.cmpf olt, %select_n3A_366, %select_n3A_358 : vector<256x128xf32>
    %select_n3A_378 = arith.select %lt3A_377, %select_n3A_366, %select_n3A_358 : vector<256x128xi1>, vector<256x128xf32>
    %select_n3A_379 = arith.select %lt3A_377, %select_n3A_367, %select_n3A_359 : vector<256x128xi1>, vector<256x128xi32>
    %select_n3A_380 = arith.select %lt3A_377, %select_n3A_358, %select_n3A_366 : vector<256x128xi1>, vector<256x128xf32>
    %select_n3A_381 = arith.select %lt3A_377, %select_n3A_359, %select_n3A_367 : vector<256x128xi1>, vector<256x128xi32>
    %lt3A_382 = arith.cmpf olt, %select_n3A_370, %select_n3A_362 : vector<256x128xf32>
    %select_n3A_383 = arith.select %lt3A_382, %select_n3A_370, %select_n3A_362 : vector<256x128xi1>, vector<256x128xf32>
    %select_n3A_384 = arith.select %lt3A_382, %select_n3A_371, %select_n3A_363 : vector<256x128xi1>, vector<256x128xi32>
    %select_n3A_385 = arith.select %lt3A_382, %select_n3A_362, %select_n3A_370 : vector<256x128xi1>, vector<256x128xf32>
    %select_n3A_386 = arith.select %lt3A_382, %select_n3A_363, %select_n3A_371 : vector<256x128xi1>, vector<256x128xi32>
    %lt3A_387 = arith.cmpf olt, %select_n3A_383, %select_n3A_378 : vector<256x128xf32>
    %select_n3A_388 = arith.select %lt3A_387, %select_n3A_383, %select_n3A_378 : vector<256x128xi1>, vector<256x128xf32>
    %select_n3A_389 = arith.select %lt3A_387, %select_n3A_384, %select_n3A_379 : vector<256x128xi1>, vector<256x128xi32>
    %select_n3A_390 = arith.select %lt3A_387, %select_n3A_378, %select_n3A_383 : vector<256x128xi1>, vector<256x128xf32>
    %select_n3A_391 = arith.select %lt3A_387, %select_n3A_379, %select_n3A_384 : vector<256x128xi1>, vector<256x128xi32>
    %lt3A_392 = arith.cmpf olt, %select_n3A_385, %select_n3A_380 : vector<256x128xf32>
    %select_n3A_393 = arith.select %lt3A_392, %select_n3A_385, %select_n3A_380 : vector<256x128xi1>, vector<256x128xf32>
    %select_n3A_394 = arith.select %lt3A_392, %select_n3A_386, %select_n3A_381 : vector<256x128xi1>, vector<256x128xi32>
    %select_n3A_395 = arith.select %lt3A_392, %select_n3A_380, %select_n3A_385 : vector<256x128xi1>, vector<256x128xf32>
    %select_n3A_396 = arith.select %lt3A_392, %select_n3A_381, %select_n3A_386 : vector<256x128xi1>, vector<256x128xi32>
    %slice3A_397 = vector.extract_strided_slice %sub3A_10 {offsets = [0, 2048], sizes = [256, 128], strides = [1, 1]} : vector<256x8192xf32> to vector<256x128xf32>
    %slice3A_398 = vector.extract_strided_slice %sub3A_10 {offsets = [0, 2176], sizes = [256, 128], strides = [1, 1]} : vector<256x8192xf32> to vector<256x128xf32>
    %slice3A_399 = vector.extract_strided_slice %sub3A_10 {offsets = [0, 2304], sizes = [256, 128], strides = [1, 1]} : vector<256x8192xf32> to vector<256x128xf32>
    %slice3A_400 = vector.extract_strided_slice %sub3A_10 {offsets = [0, 2432], sizes = [256, 128], strides = [1, 1]} : vector<256x8192xf32> to vector<256x128xf32>
    %broadcast_in_dim3A_401 = arith.constant 16 : i32
    %broadcast_in_dim3A_402 = vector.broadcast %broadcast_in_dim3A_401 : i32 to vector<1x1xi32>
    %broadcast_in_dim3A_403 = arith.constant 17 : i32
    %broadcast_in_dim3A_404 = vector.broadcast %broadcast_in_dim3A_403 : i32 to vector<1x1xi32>
    %broadcast_in_dim3A_405 = arith.constant 18 : i32
    %broadcast_in_dim3A_406 = vector.broadcast %broadcast_in_dim3A_405 : i32 to vector<1x1xi32>
    %broadcast_in_dim3A_407 = arith.constant 19 : i32
    %broadcast_in_dim3A_408 = vector.broadcast %broadcast_in_dim3A_407 : i32 to vector<1x1xi32>
    %lt3A_409 = arith.cmpf olt, %slice3A_398, %slice3A_397 : vector<256x128xf32>
    %select_n3A_410 = arith.select %lt3A_409, %slice3A_398, %slice3A_397 : vector<256x128xi1>, vector<256x128xf32>
    %broadcast_in_dim3A_411 = vector.shape_cast %broadcast_in_dim3A_404 : vector<1x1xi32> to vector<1x1xi32>
    %broadcast_in_dim3A_412 = vector.broadcast %broadcast_in_dim3A_411 : vector<1x1xi32> to vector<256x128xi32>
    %broadcast_in_dim3A_413 = vector.shape_cast %broadcast_in_dim3A_402 : vector<1x1xi32> to vector<1x1xi32>
    %broadcast_in_dim3A_414 = vector.broadcast %broadcast_in_dim3A_413 : vector<1x1xi32> to vector<256x128xi32>
    %select_n3A_415 = arith.select %lt3A_409, %broadcast_in_dim3A_412, %broadcast_in_dim3A_414 : vector<256x128xi1>, vector<256x128xi32>
    %select_n3A_416 = arith.select %lt3A_409, %slice3A_397, %slice3A_398 : vector<256x128xi1>, vector<256x128xf32>
    %broadcast_in_dim3A_417 = vector.shape_cast %broadcast_in_dim3A_402 : vector<1x1xi32> to vector<1x1xi32>
    %broadcast_in_dim3A_418 = vector.broadcast %broadcast_in_dim3A_417 : vector<1x1xi32> to vector<256x128xi32>
    %broadcast_in_dim3A_419 = vector.shape_cast %broadcast_in_dim3A_404 : vector<1x1xi32> to vector<1x1xi32>
    %broadcast_in_dim3A_420 = vector.broadcast %broadcast_in_dim3A_419 : vector<1x1xi32> to vector<256x128xi32>
    %select_n3A_421 = arith.select %lt3A_409, %broadcast_in_dim3A_418, %broadcast_in_dim3A_420 : vector<256x128xi1>, vector<256x128xi32>
    %lt3A_422 = arith.cmpf olt, %slice3A_400, %slice3A_399 : vector<256x128xf32>
    %select_n3A_423 = arith.select %lt3A_422, %slice3A_400, %slice3A_399 : vector<256x128xi1>, vector<256x128xf32>
    %broadcast_in_dim3A_424 = vector.shape_cast %broadcast_in_dim3A_408 : vector<1x1xi32> to vector<1x1xi32>
    %broadcast_in_dim3A_425 = vector.broadcast %broadcast_in_dim3A_424 : vector<1x1xi32> to vector<256x128xi32>
    %broadcast_in_dim3A_426 = vector.shape_cast %broadcast_in_dim3A_406 : vector<1x1xi32> to vector<1x1xi32>
    %broadcast_in_dim3A_427 = vector.broadcast %broadcast_in_dim3A_426 : vector<1x1xi32> to vector<256x128xi32>
    %select_n3A_428 = arith.select %lt3A_422, %broadcast_in_dim3A_425, %broadcast_in_dim3A_427 : vector<256x128xi1>, vector<256x128xi32>
    %select_n3A_429 = arith.select %lt3A_422, %slice3A_399, %slice3A_400 : vector<256x128xi1>, vector<256x128xf32>
    %broadcast_in_dim3A_430 = vector.shape_cast %broadcast_in_dim3A_406 : vector<1x1xi32> to vector<1x1xi32>
    %broadcast_in_dim3A_431 = vector.broadcast %broadcast_in_dim3A_430 : vector<1x1xi32> to vector<256x128xi32>
    %broadcast_in_dim3A_432 = vector.shape_cast %broadcast_in_dim3A_408 : vector<1x1xi32> to vector<1x1xi32>
    %broadcast_in_dim3A_433 = vector.broadcast %broadcast_in_dim3A_432 : vector<1x1xi32> to vector<256x128xi32>
    %select_n3A_434 = arith.select %lt3A_422, %broadcast_in_dim3A_431, %broadcast_in_dim3A_433 : vector<256x128xi1>, vector<256x128xi32>
    %lt3A_435 = arith.cmpf olt, %select_n3A_423, %select_n3A_410 : vector<256x128xf32>
    %select_n3A_436 = arith.select %lt3A_435, %select_n3A_423, %select_n3A_410 : vector<256x128xi1>, vector<256x128xf32>
    %select_n3A_437 = arith.select %lt3A_435, %select_n3A_428, %select_n3A_415 : vector<256x128xi1>, vector<256x128xi32>
    %select_n3A_438 = arith.select %lt3A_435, %select_n3A_410, %select_n3A_423 : vector<256x128xi1>, vector<256x128xf32>
    %select_n3A_439 = arith.select %lt3A_435, %select_n3A_415, %select_n3A_428 : vector<256x128xi1>, vector<256x128xi32>
    %lt3A_440 = arith.cmpf olt, %select_n3A_429, %select_n3A_416 : vector<256x128xf32>
    %select_n3A_441 = arith.select %lt3A_440, %select_n3A_429, %select_n3A_416 : vector<256x128xi1>, vector<256x128xf32>
    %select_n3A_442 = arith.select %lt3A_440, %select_n3A_434, %select_n3A_421 : vector<256x128xi1>, vector<256x128xi32>
    %select_n3A_443 = arith.select %lt3A_440, %select_n3A_416, %select_n3A_429 : vector<256x128xi1>, vector<256x128xf32>
    %select_n3A_444 = arith.select %lt3A_440, %select_n3A_421, %select_n3A_434 : vector<256x128xi1>, vector<256x128xi32>
    %lt3A_445 = arith.cmpf olt, %select_n3A_438, %select_n3A_441 : vector<256x128xf32>
    %select_n3A_446 = arith.select %lt3A_445, %select_n3A_438, %select_n3A_441 : vector<256x128xi1>, vector<256x128xf32>
    %select_n3A_447 = arith.select %lt3A_445, %select_n3A_439, %select_n3A_442 : vector<256x128xi1>, vector<256x128xi32>
    %select_n3A_448 = arith.select %lt3A_445, %select_n3A_441, %select_n3A_438 : vector<256x128xi1>, vector<256x128xf32>
    %select_n3A_449 = arith.select %lt3A_445, %select_n3A_442, %select_n3A_439 : vector<256x128xi1>, vector<256x128xi32>
    %lt3A_450 = arith.cmpf olt, %select_n3A_443, %select_n3A_388 : vector<256x128xf32>
    %select_n3A_451 = arith.select %lt3A_450, %select_n3A_443, %select_n3A_388 : vector<256x128xi1>, vector<256x128xf32>
    %select_n3A_452 = arith.select %lt3A_450, %select_n3A_444, %select_n3A_389 : vector<256x128xi1>, vector<256x128xi32>
    %select_n3A_453 = arith.select %lt3A_450, %select_n3A_388, %select_n3A_443 : vector<256x128xi1>, vector<256x128xf32>
    %lt3A_454 = arith.cmpf olt, %select_n3A_448, %select_n3A_390 : vector<256x128xf32>
    %select_n3A_455 = arith.select %lt3A_454, %select_n3A_448, %select_n3A_390 : vector<256x128xi1>, vector<256x128xf32>
    %select_n3A_456 = arith.select %lt3A_454, %select_n3A_449, %select_n3A_391 : vector<256x128xi1>, vector<256x128xi32>
    %select_n3A_457 = arith.select %lt3A_454, %select_n3A_390, %select_n3A_448 : vector<256x128xi1>, vector<256x128xf32>
    %lt3A_458 = arith.cmpf olt, %select_n3A_446, %select_n3A_393 : vector<256x128xf32>
    %select_n3A_459 = arith.select %lt3A_458, %select_n3A_446, %select_n3A_393 : vector<256x128xi1>, vector<256x128xf32>
    %select_n3A_460 = arith.select %lt3A_458, %select_n3A_447, %select_n3A_394 : vector<256x128xi1>, vector<256x128xi32>
    %select_n3A_461 = arith.select %lt3A_458, %select_n3A_393, %select_n3A_446 : vector<256x128xi1>, vector<256x128xf32>
    %lt3A_462 = arith.cmpf olt, %select_n3A_436, %select_n3A_395 : vector<256x128xf32>
    %select_n3A_463 = arith.select %lt3A_462, %select_n3A_436, %select_n3A_395 : vector<256x128xi1>, vector<256x128xf32>
    %select_n3A_464 = arith.select %lt3A_462, %select_n3A_437, %select_n3A_396 : vector<256x128xi1>, vector<256x128xi32>
    %select_n3A_465 = arith.select %lt3A_462, %select_n3A_395, %select_n3A_436 : vector<256x128xi1>, vector<256x128xf32>
    %min3A_466 = arith.minimumf %select_n3A_453, %select_n3A_457 : vector<256x128xf32>
    %min3A_467 = arith.minimumf %select_n3A_461, %select_n3A_465 : vector<256x128xf32>
    %min3A_468 = arith.minimumf %min3A_466, %min3A_467 : vector<256x128xf32>
    %min3A_469 = arith.minimumf %min3A_376, %min3A_468 : vector<256x128xf32>
    %lt3A_470 = arith.cmpf olt, %select_n3A_459, %select_n3A_451 : vector<256x128xf32>
    %select_n3A_471 = arith.select %lt3A_470, %select_n3A_459, %select_n3A_451 : vector<256x128xi1>, vector<256x128xf32>
    %select_n3A_472 = arith.select %lt3A_470, %select_n3A_460, %select_n3A_452 : vector<256x128xi1>, vector<256x128xi32>
    %select_n3A_473 = arith.select %lt3A_470, %select_n3A_451, %select_n3A_459 : vector<256x128xi1>, vector<256x128xf32>
    %select_n3A_474 = arith.select %lt3A_470, %select_n3A_452, %select_n3A_460 : vector<256x128xi1>, vector<256x128xi32>
    %lt3A_475 = arith.cmpf olt, %select_n3A_463, %select_n3A_455 : vector<256x128xf32>
    %select_n3A_476 = arith.select %lt3A_475, %select_n3A_463, %select_n3A_455 : vector<256x128xi1>, vector<256x128xf32>
    %select_n3A_477 = arith.select %lt3A_475, %select_n3A_464, %select_n3A_456 : vector<256x128xi1>, vector<256x128xi32>
    %select_n3A_478 = arith.select %lt3A_475, %select_n3A_455, %select_n3A_463 : vector<256x128xi1>, vector<256x128xf32>
    %select_n3A_479 = arith.select %lt3A_475, %select_n3A_456, %select_n3A_464 : vector<256x128xi1>, vector<256x128xi32>
    %lt3A_480 = arith.cmpf olt, %select_n3A_476, %select_n3A_471 : vector<256x128xf32>
    %select_n3A_481 = arith.select %lt3A_480, %select_n3A_476, %select_n3A_471 : vector<256x128xi1>, vector<256x128xf32>
    %select_n3A_482 = arith.select %lt3A_480, %select_n3A_477, %select_n3A_472 : vector<256x128xi1>, vector<256x128xi32>
    %select_n3A_483 = arith.select %lt3A_480, %select_n3A_471, %select_n3A_476 : vector<256x128xi1>, vector<256x128xf32>
    %select_n3A_484 = arith.select %lt3A_480, %select_n3A_472, %select_n3A_477 : vector<256x128xi1>, vector<256x128xi32>
    %lt3A_485 = arith.cmpf olt, %select_n3A_478, %select_n3A_473 : vector<256x128xf32>
    %select_n3A_486 = arith.select %lt3A_485, %select_n3A_478, %select_n3A_473 : vector<256x128xi1>, vector<256x128xf32>
    %select_n3A_487 = arith.select %lt3A_485, %select_n3A_479, %select_n3A_474 : vector<256x128xi1>, vector<256x128xi32>
    %select_n3A_488 = arith.select %lt3A_485, %select_n3A_473, %select_n3A_478 : vector<256x128xi1>, vector<256x128xf32>
    %select_n3A_489 = arith.select %lt3A_485, %select_n3A_474, %select_n3A_479 : vector<256x128xi1>, vector<256x128xi32>
    %slice3A_490 = vector.extract_strided_slice %sub3A_10 {offsets = [0, 2560], sizes = [256, 128], strides = [1, 1]} : vector<256x8192xf32> to vector<256x128xf32>
    %slice3A_491 = vector.extract_strided_slice %sub3A_10 {offsets = [0, 2688], sizes = [256, 128], strides = [1, 1]} : vector<256x8192xf32> to vector<256x128xf32>
    %slice3A_492 = vector.extract_strided_slice %sub3A_10 {offsets = [0, 2816], sizes = [256, 128], strides = [1, 1]} : vector<256x8192xf32> to vector<256x128xf32>
    %slice3A_493 = vector.extract_strided_slice %sub3A_10 {offsets = [0, 2944], sizes = [256, 128], strides = [1, 1]} : vector<256x8192xf32> to vector<256x128xf32>
    %broadcast_in_dim3A_494 = arith.constant 20 : i32
    %broadcast_in_dim3A_495 = vector.broadcast %broadcast_in_dim3A_494 : i32 to vector<1x1xi32>
    %broadcast_in_dim3A_496 = arith.constant 21 : i32
    %broadcast_in_dim3A_497 = vector.broadcast %broadcast_in_dim3A_496 : i32 to vector<1x1xi32>
    %broadcast_in_dim3A_498 = arith.constant 22 : i32
    %broadcast_in_dim3A_499 = vector.broadcast %broadcast_in_dim3A_498 : i32 to vector<1x1xi32>
    %broadcast_in_dim3A_500 = arith.constant 23 : i32
    %broadcast_in_dim3A_501 = vector.broadcast %broadcast_in_dim3A_500 : i32 to vector<1x1xi32>
    %lt3A_502 = arith.cmpf olt, %slice3A_491, %slice3A_490 : vector<256x128xf32>
    %select_n3A_503 = arith.select %lt3A_502, %slice3A_491, %slice3A_490 : vector<256x128xi1>, vector<256x128xf32>
    %broadcast_in_dim3A_504 = vector.shape_cast %broadcast_in_dim3A_497 : vector<1x1xi32> to vector<1x1xi32>
    %broadcast_in_dim3A_505 = vector.broadcast %broadcast_in_dim3A_504 : vector<1x1xi32> to vector<256x128xi32>
    %broadcast_in_dim3A_506 = vector.shape_cast %broadcast_in_dim3A_495 : vector<1x1xi32> to vector<1x1xi32>
    %broadcast_in_dim3A_507 = vector.broadcast %broadcast_in_dim3A_506 : vector<1x1xi32> to vector<256x128xi32>
    %select_n3A_508 = arith.select %lt3A_502, %broadcast_in_dim3A_505, %broadcast_in_dim3A_507 : vector<256x128xi1>, vector<256x128xi32>
    %select_n3A_509 = arith.select %lt3A_502, %slice3A_490, %slice3A_491 : vector<256x128xi1>, vector<256x128xf32>
    %broadcast_in_dim3A_510 = vector.shape_cast %broadcast_in_dim3A_495 : vector<1x1xi32> to vector<1x1xi32>
    %broadcast_in_dim3A_511 = vector.broadcast %broadcast_in_dim3A_510 : vector<1x1xi32> to vector<256x128xi32>
    %broadcast_in_dim3A_512 = vector.shape_cast %broadcast_in_dim3A_497 : vector<1x1xi32> to vector<1x1xi32>
    %broadcast_in_dim3A_513 = vector.broadcast %broadcast_in_dim3A_512 : vector<1x1xi32> to vector<256x128xi32>
    %select_n3A_514 = arith.select %lt3A_502, %broadcast_in_dim3A_511, %broadcast_in_dim3A_513 : vector<256x128xi1>, vector<256x128xi32>
    %lt3A_515 = arith.cmpf olt, %slice3A_493, %slice3A_492 : vector<256x128xf32>
    %select_n3A_516 = arith.select %lt3A_515, %slice3A_493, %slice3A_492 : vector<256x128xi1>, vector<256x128xf32>
    %broadcast_in_dim3A_517 = vector.shape_cast %broadcast_in_dim3A_501 : vector<1x1xi32> to vector<1x1xi32>
    %broadcast_in_dim3A_518 = vector.broadcast %broadcast_in_dim3A_517 : vector<1x1xi32> to vector<256x128xi32>
    %broadcast_in_dim3A_519 = vector.shape_cast %broadcast_in_dim3A_499 : vector<1x1xi32> to vector<1x1xi32>
    %broadcast_in_dim3A_520 = vector.broadcast %broadcast_in_dim3A_519 : vector<1x1xi32> to vector<256x128xi32>
    %select_n3A_521 = arith.select %lt3A_515, %broadcast_in_dim3A_518, %broadcast_in_dim3A_520 : vector<256x128xi1>, vector<256x128xi32>
    %select_n3A_522 = arith.select %lt3A_515, %slice3A_492, %slice3A_493 : vector<256x128xi1>, vector<256x128xf32>
    %broadcast_in_dim3A_523 = vector.shape_cast %broadcast_in_dim3A_499 : vector<1x1xi32> to vector<1x1xi32>
    %broadcast_in_dim3A_524 = vector.broadcast %broadcast_in_dim3A_523 : vector<1x1xi32> to vector<256x128xi32>
    %broadcast_in_dim3A_525 = vector.shape_cast %broadcast_in_dim3A_501 : vector<1x1xi32> to vector<1x1xi32>
    %broadcast_in_dim3A_526 = vector.broadcast %broadcast_in_dim3A_525 : vector<1x1xi32> to vector<256x128xi32>
    %select_n3A_527 = arith.select %lt3A_515, %broadcast_in_dim3A_524, %broadcast_in_dim3A_526 : vector<256x128xi1>, vector<256x128xi32>
    %lt3A_528 = arith.cmpf olt, %select_n3A_516, %select_n3A_503 : vector<256x128xf32>
    %select_n3A_529 = arith.select %lt3A_528, %select_n3A_516, %select_n3A_503 : vector<256x128xi1>, vector<256x128xf32>
    %select_n3A_530 = arith.select %lt3A_528, %select_n3A_521, %select_n3A_508 : vector<256x128xi1>, vector<256x128xi32>
    %select_n3A_531 = arith.select %lt3A_528, %select_n3A_503, %select_n3A_516 : vector<256x128xi1>, vector<256x128xf32>
    %select_n3A_532 = arith.select %lt3A_528, %select_n3A_508, %select_n3A_521 : vector<256x128xi1>, vector<256x128xi32>
    %lt3A_533 = arith.cmpf olt, %select_n3A_522, %select_n3A_509 : vector<256x128xf32>
    %select_n3A_534 = arith.select %lt3A_533, %select_n3A_522, %select_n3A_509 : vector<256x128xi1>, vector<256x128xf32>
    %select_n3A_535 = arith.select %lt3A_533, %select_n3A_527, %select_n3A_514 : vector<256x128xi1>, vector<256x128xi32>
    %select_n3A_536 = arith.select %lt3A_533, %select_n3A_509, %select_n3A_522 : vector<256x128xi1>, vector<256x128xf32>
    %select_n3A_537 = arith.select %lt3A_533, %select_n3A_514, %select_n3A_527 : vector<256x128xi1>, vector<256x128xi32>
    %lt3A_538 = arith.cmpf olt, %select_n3A_531, %select_n3A_534 : vector<256x128xf32>
    %select_n3A_539 = arith.select %lt3A_538, %select_n3A_531, %select_n3A_534 : vector<256x128xi1>, vector<256x128xf32>
    %select_n3A_540 = arith.select %lt3A_538, %select_n3A_532, %select_n3A_535 : vector<256x128xi1>, vector<256x128xi32>
    %select_n3A_541 = arith.select %lt3A_538, %select_n3A_534, %select_n3A_531 : vector<256x128xi1>, vector<256x128xf32>
    %select_n3A_542 = arith.select %lt3A_538, %select_n3A_535, %select_n3A_532 : vector<256x128xi1>, vector<256x128xi32>
    %lt3A_543 = arith.cmpf olt, %select_n3A_536, %select_n3A_481 : vector<256x128xf32>
    %select_n3A_544 = arith.select %lt3A_543, %select_n3A_536, %select_n3A_481 : vector<256x128xi1>, vector<256x128xf32>
    %select_n3A_545 = arith.select %lt3A_543, %select_n3A_537, %select_n3A_482 : vector<256x128xi1>, vector<256x128xi32>
    %select_n3A_546 = arith.select %lt3A_543, %select_n3A_481, %select_n3A_536 : vector<256x128xi1>, vector<256x128xf32>
    %lt3A_547 = arith.cmpf olt, %select_n3A_541, %select_n3A_483 : vector<256x128xf32>
    %select_n3A_548 = arith.select %lt3A_547, %select_n3A_541, %select_n3A_483 : vector<256x128xi1>, vector<256x128xf32>
    %select_n3A_549 = arith.select %lt3A_547, %select_n3A_542, %select_n3A_484 : vector<256x128xi1>, vector<256x128xi32>
    %select_n3A_550 = arith.select %lt3A_547, %select_n3A_483, %select_n3A_541 : vector<256x128xi1>, vector<256x128xf32>
    %lt3A_551 = arith.cmpf olt, %select_n3A_539, %select_n3A_486 : vector<256x128xf32>
    %select_n3A_552 = arith.select %lt3A_551, %select_n3A_539, %select_n3A_486 : vector<256x128xi1>, vector<256x128xf32>
    %select_n3A_553 = arith.select %lt3A_551, %select_n3A_540, %select_n3A_487 : vector<256x128xi1>, vector<256x128xi32>
    %select_n3A_554 = arith.select %lt3A_551, %select_n3A_486, %select_n3A_539 : vector<256x128xi1>, vector<256x128xf32>
    %lt3A_555 = arith.cmpf olt, %select_n3A_529, %select_n3A_488 : vector<256x128xf32>
    %select_n3A_556 = arith.select %lt3A_555, %select_n3A_529, %select_n3A_488 : vector<256x128xi1>, vector<256x128xf32>
    %select_n3A_557 = arith.select %lt3A_555, %select_n3A_530, %select_n3A_489 : vector<256x128xi1>, vector<256x128xi32>
    %select_n3A_558 = arith.select %lt3A_555, %select_n3A_488, %select_n3A_529 : vector<256x128xi1>, vector<256x128xf32>
    %min3A_559 = arith.minimumf %select_n3A_546, %select_n3A_550 : vector<256x128xf32>
    %min3A_560 = arith.minimumf %select_n3A_554, %select_n3A_558 : vector<256x128xf32>
    %min3A_561 = arith.minimumf %min3A_559, %min3A_560 : vector<256x128xf32>
    %min3A_562 = arith.minimumf %min3A_469, %min3A_561 : vector<256x128xf32>
    %lt3A_563 = arith.cmpf olt, %select_n3A_552, %select_n3A_544 : vector<256x128xf32>
    %select_n3A_564 = arith.select %lt3A_563, %select_n3A_552, %select_n3A_544 : vector<256x128xi1>, vector<256x128xf32>
    %select_n3A_565 = arith.select %lt3A_563, %select_n3A_553, %select_n3A_545 : vector<256x128xi1>, vector<256x128xi32>
    %select_n3A_566 = arith.select %lt3A_563, %select_n3A_544, %select_n3A_552 : vector<256x128xi1>, vector<256x128xf32>
    %select_n3A_567 = arith.select %lt3A_563, %select_n3A_545, %select_n3A_553 : vector<256x128xi1>, vector<256x128xi32>
    %lt3A_568 = arith.cmpf olt, %select_n3A_556, %select_n3A_548 : vector<256x128xf32>
    %select_n3A_569 = arith.select %lt3A_568, %select_n3A_556, %select_n3A_548 : vector<256x128xi1>, vector<256x128xf32>
    %select_n3A_570 = arith.select %lt3A_568, %select_n3A_557, %select_n3A_549 : vector<256x128xi1>, vector<256x128xi32>
    %select_n3A_571 = arith.select %lt3A_568, %select_n3A_548, %select_n3A_556 : vector<256x128xi1>, vector<256x128xf32>
    %select_n3A_572 = arith.select %lt3A_568, %select_n3A_549, %select_n3A_557 : vector<256x128xi1>, vector<256x128xi32>
    %lt3A_573 = arith.cmpf olt, %select_n3A_569, %select_n3A_564 : vector<256x128xf32>
    %select_n3A_574 = arith.select %lt3A_573, %select_n3A_569, %select_n3A_564 : vector<256x128xi1>, vector<256x128xf32>
    %select_n3A_575 = arith.select %lt3A_573, %select_n3A_570, %select_n3A_565 : vector<256x128xi1>, vector<256x128xi32>
    %select_n3A_576 = arith.select %lt3A_573, %select_n3A_564, %select_n3A_569 : vector<256x128xi1>, vector<256x128xf32>
    %select_n3A_577 = arith.select %lt3A_573, %select_n3A_565, %select_n3A_570 : vector<256x128xi1>, vector<256x128xi32>
    %lt3A_578 = arith.cmpf olt, %select_n3A_571, %select_n3A_566 : vector<256x128xf32>
    %select_n3A_579 = arith.select %lt3A_578, %select_n3A_571, %select_n3A_566 : vector<256x128xi1>, vector<256x128xf32>
    %select_n3A_580 = arith.select %lt3A_578, %select_n3A_572, %select_n3A_567 : vector<256x128xi1>, vector<256x128xi32>
    %select_n3A_581 = arith.select %lt3A_578, %select_n3A_566, %select_n3A_571 : vector<256x128xi1>, vector<256x128xf32>
    %select_n3A_582 = arith.select %lt3A_578, %select_n3A_567, %select_n3A_572 : vector<256x128xi1>, vector<256x128xi32>
    %slice3A_583 = vector.extract_strided_slice %sub3A_10 {offsets = [0, 3072], sizes = [256, 128], strides = [1, 1]} : vector<256x8192xf32> to vector<256x128xf32>
    %slice3A_584 = vector.extract_strided_slice %sub3A_10 {offsets = [0, 3200], sizes = [256, 128], strides = [1, 1]} : vector<256x8192xf32> to vector<256x128xf32>
    %slice3A_585 = vector.extract_strided_slice %sub3A_10 {offsets = [0, 3328], sizes = [256, 128], strides = [1, 1]} : vector<256x8192xf32> to vector<256x128xf32>
    %slice3A_586 = vector.extract_strided_slice %sub3A_10 {offsets = [0, 3456], sizes = [256, 128], strides = [1, 1]} : vector<256x8192xf32> to vector<256x128xf32>
    %broadcast_in_dim3A_587 = arith.constant 24 : i32
    %broadcast_in_dim3A_588 = vector.broadcast %broadcast_in_dim3A_587 : i32 to vector<1x1xi32>
    %broadcast_in_dim3A_589 = arith.constant 25 : i32
    %broadcast_in_dim3A_590 = vector.broadcast %broadcast_in_dim3A_589 : i32 to vector<1x1xi32>
    %broadcast_in_dim3A_591 = arith.constant 26 : i32
    %broadcast_in_dim3A_592 = vector.broadcast %broadcast_in_dim3A_591 : i32 to vector<1x1xi32>
    %broadcast_in_dim3A_593 = arith.constant 27 : i32
    %broadcast_in_dim3A_594 = vector.broadcast %broadcast_in_dim3A_593 : i32 to vector<1x1xi32>
    %lt3A_595 = arith.cmpf olt, %slice3A_584, %slice3A_583 : vector<256x128xf32>
    %select_n3A_596 = arith.select %lt3A_595, %slice3A_584, %slice3A_583 : vector<256x128xi1>, vector<256x128xf32>
    %broadcast_in_dim3A_597 = vector.shape_cast %broadcast_in_dim3A_590 : vector<1x1xi32> to vector<1x1xi32>
    %broadcast_in_dim3A_598 = vector.broadcast %broadcast_in_dim3A_597 : vector<1x1xi32> to vector<256x128xi32>
    %broadcast_in_dim3A_599 = vector.shape_cast %broadcast_in_dim3A_588 : vector<1x1xi32> to vector<1x1xi32>
    %broadcast_in_dim3A_600 = vector.broadcast %broadcast_in_dim3A_599 : vector<1x1xi32> to vector<256x128xi32>
    %select_n3A_601 = arith.select %lt3A_595, %broadcast_in_dim3A_598, %broadcast_in_dim3A_600 : vector<256x128xi1>, vector<256x128xi32>
    %select_n3A_602 = arith.select %lt3A_595, %slice3A_583, %slice3A_584 : vector<256x128xi1>, vector<256x128xf32>
    %broadcast_in_dim3A_603 = vector.shape_cast %broadcast_in_dim3A_588 : vector<1x1xi32> to vector<1x1xi32>
    %broadcast_in_dim3A_604 = vector.broadcast %broadcast_in_dim3A_603 : vector<1x1xi32> to vector<256x128xi32>
    %broadcast_in_dim3A_605 = vector.shape_cast %broadcast_in_dim3A_590 : vector<1x1xi32> to vector<1x1xi32>
    %broadcast_in_dim3A_606 = vector.broadcast %broadcast_in_dim3A_605 : vector<1x1xi32> to vector<256x128xi32>
    %select_n3A_607 = arith.select %lt3A_595, %broadcast_in_dim3A_604, %broadcast_in_dim3A_606 : vector<256x128xi1>, vector<256x128xi32>
    %lt3A_608 = arith.cmpf olt, %slice3A_586, %slice3A_585 : vector<256x128xf32>
    %select_n3A_609 = arith.select %lt3A_608, %slice3A_586, %slice3A_585 : vector<256x128xi1>, vector<256x128xf32>
    %broadcast_in_dim3A_610 = vector.shape_cast %broadcast_in_dim3A_594 : vector<1x1xi32> to vector<1x1xi32>
    %broadcast_in_dim3A_611 = vector.broadcast %broadcast_in_dim3A_610 : vector<1x1xi32> to vector<256x128xi32>
    %broadcast_in_dim3A_612 = vector.shape_cast %broadcast_in_dim3A_592 : vector<1x1xi32> to vector<1x1xi32>
    %broadcast_in_dim3A_613 = vector.broadcast %broadcast_in_dim3A_612 : vector<1x1xi32> to vector<256x128xi32>
    %select_n3A_614 = arith.select %lt3A_608, %broadcast_in_dim3A_611, %broadcast_in_dim3A_613 : vector<256x128xi1>, vector<256x128xi32>
    %select_n3A_615 = arith.select %lt3A_608, %slice3A_585, %slice3A_586 : vector<256x128xi1>, vector<256x128xf32>
    %broadcast_in_dim3A_616 = vector.shape_cast %broadcast_in_dim3A_592 : vector<1x1xi32> to vector<1x1xi32>
    %broadcast_in_dim3A_617 = vector.broadcast %broadcast_in_dim3A_616 : vector<1x1xi32> to vector<256x128xi32>
    %broadcast_in_dim3A_618 = vector.shape_cast %broadcast_in_dim3A_594 : vector<1x1xi32> to vector<1x1xi32>
    %broadcast_in_dim3A_619 = vector.broadcast %broadcast_in_dim3A_618 : vector<1x1xi32> to vector<256x128xi32>
    %select_n3A_620 = arith.select %lt3A_608, %broadcast_in_dim3A_617, %broadcast_in_dim3A_619 : vector<256x128xi1>, vector<256x128xi32>
    %lt3A_621 = arith.cmpf olt, %select_n3A_609, %select_n3A_596 : vector<256x128xf32>
    %select_n3A_622 = arith.select %lt3A_621, %select_n3A_609, %select_n3A_596 : vector<256x128xi1>, vector<256x128xf32>
    %select_n3A_623 = arith.select %lt3A_621, %select_n3A_614, %select_n3A_601 : vector<256x128xi1>, vector<256x128xi32>
    %select_n3A_624 = arith.select %lt3A_621, %select_n3A_596, %select_n3A_609 : vector<256x128xi1>, vector<256x128xf32>
    %select_n3A_625 = arith.select %lt3A_621, %select_n3A_601, %select_n3A_614 : vector<256x128xi1>, vector<256x128xi32>
    %lt3A_626 = arith.cmpf olt, %select_n3A_615, %select_n3A_602 : vector<256x128xf32>
    %select_n3A_627 = arith.select %lt3A_626, %select_n3A_615, %select_n3A_602 : vector<256x128xi1>, vector<256x128xf32>
    %select_n3A_628 = arith.select %lt3A_626, %select_n3A_620, %select_n3A_607 : vector<256x128xi1>, vector<256x128xi32>
    %select_n3A_629 = arith.select %lt3A_626, %select_n3A_602, %select_n3A_615 : vector<256x128xi1>, vector<256x128xf32>
    %select_n3A_630 = arith.select %lt3A_626, %select_n3A_607, %select_n3A_620 : vector<256x128xi1>, vector<256x128xi32>
    %lt3A_631 = arith.cmpf olt, %select_n3A_624, %select_n3A_627 : vector<256x128xf32>
    %select_n3A_632 = arith.select %lt3A_631, %select_n3A_624, %select_n3A_627 : vector<256x128xi1>, vector<256x128xf32>
    %select_n3A_633 = arith.select %lt3A_631, %select_n3A_625, %select_n3A_628 : vector<256x128xi1>, vector<256x128xi32>
    %select_n3A_634 = arith.select %lt3A_631, %select_n3A_627, %select_n3A_624 : vector<256x128xi1>, vector<256x128xf32>
    %select_n3A_635 = arith.select %lt3A_631, %select_n3A_628, %select_n3A_625 : vector<256x128xi1>, vector<256x128xi32>
    %lt3A_636 = arith.cmpf olt, %select_n3A_629, %select_n3A_574 : vector<256x128xf32>
    %select_n3A_637 = arith.select %lt3A_636, %select_n3A_629, %select_n3A_574 : vector<256x128xi1>, vector<256x128xf32>
    %select_n3A_638 = arith.select %lt3A_636, %select_n3A_630, %select_n3A_575 : vector<256x128xi1>, vector<256x128xi32>
    %select_n3A_639 = arith.select %lt3A_636, %select_n3A_574, %select_n3A_629 : vector<256x128xi1>, vector<256x128xf32>
    %lt3A_640 = arith.cmpf olt, %select_n3A_634, %select_n3A_576 : vector<256x128xf32>
    %select_n3A_641 = arith.select %lt3A_640, %select_n3A_634, %select_n3A_576 : vector<256x128xi1>, vector<256x128xf32>
    %select_n3A_642 = arith.select %lt3A_640, %select_n3A_635, %select_n3A_577 : vector<256x128xi1>, vector<256x128xi32>
    %select_n3A_643 = arith.select %lt3A_640, %select_n3A_576, %select_n3A_634 : vector<256x128xi1>, vector<256x128xf32>
    %lt3A_644 = arith.cmpf olt, %select_n3A_632, %select_n3A_579 : vector<256x128xf32>
    %select_n3A_645 = arith.select %lt3A_644, %select_n3A_632, %select_n3A_579 : vector<256x128xi1>, vector<256x128xf32>
    %select_n3A_646 = arith.select %lt3A_644, %select_n3A_633, %select_n3A_580 : vector<256x128xi1>, vector<256x128xi32>
    %select_n3A_647 = arith.select %lt3A_644, %select_n3A_579, %select_n3A_632 : vector<256x128xi1>, vector<256x128xf32>
    %lt3A_648 = arith.cmpf olt, %select_n3A_622, %select_n3A_581 : vector<256x128xf32>
    %select_n3A_649 = arith.select %lt3A_648, %select_n3A_622, %select_n3A_581 : vector<256x128xi1>, vector<256x128xf32>
    %select_n3A_650 = arith.select %lt3A_648, %select_n3A_623, %select_n3A_582 : vector<256x128xi1>, vector<256x128xi32>
    %select_n3A_651 = arith.select %lt3A_648, %select_n3A_581, %select_n3A_622 : vector<256x128xi1>, vector<256x128xf32>
    %min3A_652 = arith.minimumf %select_n3A_639, %select_n3A_643 : vector<256x128xf32>
    %min3A_653 = arith.minimumf %select_n3A_647, %select_n3A_651 : vector<256x128xf32>
    %min3A_654 = arith.minimumf %min3A_652, %min3A_653 : vector<256x128xf32>
    %min3A_655 = arith.minimumf %min3A_562, %min3A_654 : vector<256x128xf32>
    %lt3A_656 = arith.cmpf olt, %select_n3A_645, %select_n3A_637 : vector<256x128xf32>
    %select_n3A_657 = arith.select %lt3A_656, %select_n3A_645, %select_n3A_637 : vector<256x128xi1>, vector<256x128xf32>
    %select_n3A_658 = arith.select %lt3A_656, %select_n3A_646, %select_n3A_638 : vector<256x128xi1>, vector<256x128xi32>
    %select_n3A_659 = arith.select %lt3A_656, %select_n3A_637, %select_n3A_645 : vector<256x128xi1>, vector<256x128xf32>
    %select_n3A_660 = arith.select %lt3A_656, %select_n3A_638, %select_n3A_646 : vector<256x128xi1>, vector<256x128xi32>
    %lt3A_661 = arith.cmpf olt, %select_n3A_649, %select_n3A_641 : vector<256x128xf32>
    %select_n3A_662 = arith.select %lt3A_661, %select_n3A_649, %select_n3A_641 : vector<256x128xi1>, vector<256x128xf32>
    %select_n3A_663 = arith.select %lt3A_661, %select_n3A_650, %select_n3A_642 : vector<256x128xi1>, vector<256x128xi32>
    %select_n3A_664 = arith.select %lt3A_661, %select_n3A_641, %select_n3A_649 : vector<256x128xi1>, vector<256x128xf32>
    %select_n3A_665 = arith.select %lt3A_661, %select_n3A_642, %select_n3A_650 : vector<256x128xi1>, vector<256x128xi32>
    %lt3A_666 = arith.cmpf olt, %select_n3A_662, %select_n3A_657 : vector<256x128xf32>
    %select_n3A_667 = arith.select %lt3A_666, %select_n3A_662, %select_n3A_657 : vector<256x128xi1>, vector<256x128xf32>
    %select_n3A_668 = arith.select %lt3A_666, %select_n3A_663, %select_n3A_658 : vector<256x128xi1>, vector<256x128xi32>
    %select_n3A_669 = arith.select %lt3A_666, %select_n3A_657, %select_n3A_662 : vector<256x128xi1>, vector<256x128xf32>
    %select_n3A_670 = arith.select %lt3A_666, %select_n3A_658, %select_n3A_663 : vector<256x128xi1>, vector<256x128xi32>
    %lt3A_671 = arith.cmpf olt, %select_n3A_664, %select_n3A_659 : vector<256x128xf32>
    %select_n3A_672 = arith.select %lt3A_671, %select_n3A_664, %select_n3A_659 : vector<256x128xi1>, vector<256x128xf32>
    %select_n3A_673 = arith.select %lt3A_671, %select_n3A_665, %select_n3A_660 : vector<256x128xi1>, vector<256x128xi32>
    %select_n3A_674 = arith.select %lt3A_671, %select_n3A_659, %select_n3A_664 : vector<256x128xi1>, vector<256x128xf32>
    %select_n3A_675 = arith.select %lt3A_671, %select_n3A_660, %select_n3A_665 : vector<256x128xi1>, vector<256x128xi32>
    %slice3A_676 = vector.extract_strided_slice %sub3A_10 {offsets = [0, 3584], sizes = [256, 128], strides = [1, 1]} : vector<256x8192xf32> to vector<256x128xf32>
    %slice3A_677 = vector.extract_strided_slice %sub3A_10 {offsets = [0, 3712], sizes = [256, 128], strides = [1, 1]} : vector<256x8192xf32> to vector<256x128xf32>
    %slice3A_678 = vector.extract_strided_slice %sub3A_10 {offsets = [0, 3840], sizes = [256, 128], strides = [1, 1]} : vector<256x8192xf32> to vector<256x128xf32>
    %slice3A_679 = vector.extract_strided_slice %sub3A_10 {offsets = [0, 3968], sizes = [256, 128], strides = [1, 1]} : vector<256x8192xf32> to vector<256x128xf32>
    %broadcast_in_dim3A_680 = arith.constant 28 : i32
    %broadcast_in_dim3A_681 = vector.broadcast %broadcast_in_dim3A_680 : i32 to vector<1x1xi32>
    %broadcast_in_dim3A_682 = arith.constant 29 : i32
    %broadcast_in_dim3A_683 = vector.broadcast %broadcast_in_dim3A_682 : i32 to vector<1x1xi32>
    %broadcast_in_dim3A_684 = arith.constant 30 : i32
    %broadcast_in_dim3A_685 = vector.broadcast %broadcast_in_dim3A_684 : i32 to vector<1x1xi32>
    %broadcast_in_dim3A_686 = arith.constant 31 : i32
    %broadcast_in_dim3A_687 = vector.broadcast %broadcast_in_dim3A_686 : i32 to vector<1x1xi32>
    %lt3A_688 = arith.cmpf olt, %slice3A_677, %slice3A_676 : vector<256x128xf32>
    %select_n3A_689 = arith.select %lt3A_688, %slice3A_677, %slice3A_676 : vector<256x128xi1>, vector<256x128xf32>
    %broadcast_in_dim3A_690 = vector.shape_cast %broadcast_in_dim3A_683 : vector<1x1xi32> to vector<1x1xi32>
    %broadcast_in_dim3A_691 = vector.broadcast %broadcast_in_dim3A_690 : vector<1x1xi32> to vector<256x128xi32>
    %broadcast_in_dim3A_692 = vector.shape_cast %broadcast_in_dim3A_681 : vector<1x1xi32> to vector<1x1xi32>
    %broadcast_in_dim3A_693 = vector.broadcast %broadcast_in_dim3A_692 : vector<1x1xi32> to vector<256x128xi32>
    %select_n3A_694 = arith.select %lt3A_688, %broadcast_in_dim3A_691, %broadcast_in_dim3A_693 : vector<256x128xi1>, vector<256x128xi32>
    %select_n3A_695 = arith.select %lt3A_688, %slice3A_676, %slice3A_677 : vector<256x128xi1>, vector<256x128xf32>
    %broadcast_in_dim3A_696 = vector.shape_cast %broadcast_in_dim3A_681 : vector<1x1xi32> to vector<1x1xi32>
    %broadcast_in_dim3A_697 = vector.broadcast %broadcast_in_dim3A_696 : vector<1x1xi32> to vector<256x128xi32>
    %broadcast_in_dim3A_698 = vector.shape_cast %broadcast_in_dim3A_683 : vector<1x1xi32> to vector<1x1xi32>
    %broadcast_in_dim3A_699 = vector.broadcast %broadcast_in_dim3A_698 : vector<1x1xi32> to vector<256x128xi32>
    %select_n3A_700 = arith.select %lt3A_688, %broadcast_in_dim3A_697, %broadcast_in_dim3A_699 : vector<256x128xi1>, vector<256x128xi32>
    %lt3A_701 = arith.cmpf olt, %slice3A_679, %slice3A_678 : vector<256x128xf32>
    %select_n3A_702 = arith.select %lt3A_701, %slice3A_679, %slice3A_678 : vector<256x128xi1>, vector<256x128xf32>
    %broadcast_in_dim3A_703 = vector.shape_cast %broadcast_in_dim3A_687 : vector<1x1xi32> to vector<1x1xi32>
    %broadcast_in_dim3A_704 = vector.broadcast %broadcast_in_dim3A_703 : vector<1x1xi32> to vector<256x128xi32>
    %broadcast_in_dim3A_705 = vector.shape_cast %broadcast_in_dim3A_685 : vector<1x1xi32> to vector<1x1xi32>
    %broadcast_in_dim3A_706 = vector.broadcast %broadcast_in_dim3A_705 : vector<1x1xi32> to vector<256x128xi32>
    %select_n3A_707 = arith.select %lt3A_701, %broadcast_in_dim3A_704, %broadcast_in_dim3A_706 : vector<256x128xi1>, vector<256x128xi32>
    %select_n3A_708 = arith.select %lt3A_701, %slice3A_678, %slice3A_679 : vector<256x128xi1>, vector<256x128xf32>
    %broadcast_in_dim3A_709 = vector.shape_cast %broadcast_in_dim3A_685 : vector<1x1xi32> to vector<1x1xi32>
    %broadcast_in_dim3A_710 = vector.broadcast %broadcast_in_dim3A_709 : vector<1x1xi32> to vector<256x128xi32>
    %broadcast_in_dim3A_711 = vector.shape_cast %broadcast_in_dim3A_687 : vector<1x1xi32> to vector<1x1xi32>
    %broadcast_in_dim3A_712 = vector.broadcast %broadcast_in_dim3A_711 : vector<1x1xi32> to vector<256x128xi32>
    %select_n3A_713 = arith.select %lt3A_701, %broadcast_in_dim3A_710, %broadcast_in_dim3A_712 : vector<256x128xi1>, vector<256x128xi32>
    %lt3A_714 = arith.cmpf olt, %select_n3A_702, %select_n3A_689 : vector<256x128xf32>
    %select_n3A_715 = arith.select %lt3A_714, %select_n3A_702, %select_n3A_689 : vector<256x128xi1>, vector<256x128xf32>
    %select_n3A_716 = arith.select %lt3A_714, %select_n3A_707, %select_n3A_694 : vector<256x128xi1>, vector<256x128xi32>
    %select_n3A_717 = arith.select %lt3A_714, %select_n3A_689, %select_n3A_702 : vector<256x128xi1>, vector<256x128xf32>
    %select_n3A_718 = arith.select %lt3A_714, %select_n3A_694, %select_n3A_707 : vector<256x128xi1>, vector<256x128xi32>
    %lt3A_719 = arith.cmpf olt, %select_n3A_708, %select_n3A_695 : vector<256x128xf32>
    %select_n3A_720 = arith.select %lt3A_719, %select_n3A_708, %select_n3A_695 : vector<256x128xi1>, vector<256x128xf32>
    %select_n3A_721 = arith.select %lt3A_719, %select_n3A_713, %select_n3A_700 : vector<256x128xi1>, vector<256x128xi32>
    %select_n3A_722 = arith.select %lt3A_719, %select_n3A_695, %select_n3A_708 : vector<256x128xi1>, vector<256x128xf32>
    %select_n3A_723 = arith.select %lt3A_719, %select_n3A_700, %select_n3A_713 : vector<256x128xi1>, vector<256x128xi32>
    %lt3A_724 = arith.cmpf olt, %select_n3A_717, %select_n3A_720 : vector<256x128xf32>
    %select_n3A_725 = arith.select %lt3A_724, %select_n3A_717, %select_n3A_720 : vector<256x128xi1>, vector<256x128xf32>
    %select_n3A_726 = arith.select %lt3A_724, %select_n3A_718, %select_n3A_721 : vector<256x128xi1>, vector<256x128xi32>
    %select_n3A_727 = arith.select %lt3A_724, %select_n3A_720, %select_n3A_717 : vector<256x128xi1>, vector<256x128xf32>
    %select_n3A_728 = arith.select %lt3A_724, %select_n3A_721, %select_n3A_718 : vector<256x128xi1>, vector<256x128xi32>
    %lt3A_729 = arith.cmpf olt, %select_n3A_722, %select_n3A_667 : vector<256x128xf32>
    %select_n3A_730 = arith.select %lt3A_729, %select_n3A_722, %select_n3A_667 : vector<256x128xi1>, vector<256x128xf32>
    %select_n3A_731 = arith.select %lt3A_729, %select_n3A_723, %select_n3A_668 : vector<256x128xi1>, vector<256x128xi32>
    %select_n3A_732 = arith.select %lt3A_729, %select_n3A_667, %select_n3A_722 : vector<256x128xi1>, vector<256x128xf32>
    %lt3A_733 = arith.cmpf olt, %select_n3A_727, %select_n3A_669 : vector<256x128xf32>
    %select_n3A_734 = arith.select %lt3A_733, %select_n3A_727, %select_n3A_669 : vector<256x128xi1>, vector<256x128xf32>
    %select_n3A_735 = arith.select %lt3A_733, %select_n3A_728, %select_n3A_670 : vector<256x128xi1>, vector<256x128xi32>
    %select_n3A_736 = arith.select %lt3A_733, %select_n3A_669, %select_n3A_727 : vector<256x128xi1>, vector<256x128xf32>
    %lt3A_737 = arith.cmpf olt, %select_n3A_725, %select_n3A_672 : vector<256x128xf32>
    %select_n3A_738 = arith.select %lt3A_737, %select_n3A_725, %select_n3A_672 : vector<256x128xi1>, vector<256x128xf32>
    %select_n3A_739 = arith.select %lt3A_737, %select_n3A_726, %select_n3A_673 : vector<256x128xi1>, vector<256x128xi32>
    %select_n3A_740 = arith.select %lt3A_737, %select_n3A_672, %select_n3A_725 : vector<256x128xi1>, vector<256x128xf32>
    %lt3A_741 = arith.cmpf olt, %select_n3A_715, %select_n3A_674 : vector<256x128xf32>
    %select_n3A_742 = arith.select %lt3A_741, %select_n3A_715, %select_n3A_674 : vector<256x128xi1>, vector<256x128xf32>
    %select_n3A_743 = arith.select %lt3A_741, %select_n3A_716, %select_n3A_675 : vector<256x128xi1>, vector<256x128xi32>
    %select_n3A_744 = arith.select %lt3A_741, %select_n3A_674, %select_n3A_715 : vector<256x128xi1>, vector<256x128xf32>
    %min3A_745 = arith.minimumf %select_n3A_732, %select_n3A_736 : vector<256x128xf32>
    %min3A_746 = arith.minimumf %select_n3A_740, %select_n3A_744 : vector<256x128xf32>
    %min3A_747 = arith.minimumf %min3A_745, %min3A_746 : vector<256x128xf32>
    %min3A_748 = arith.minimumf %min3A_655, %min3A_747 : vector<256x128xf32>
    %lt3A_749 = arith.cmpf olt, %select_n3A_738, %select_n3A_730 : vector<256x128xf32>
    %select_n3A_750 = arith.select %lt3A_749, %select_n3A_738, %select_n3A_730 : vector<256x128xi1>, vector<256x128xf32>
    %select_n3A_751 = arith.select %lt3A_749, %select_n3A_739, %select_n3A_731 : vector<256x128xi1>, vector<256x128xi32>
    %select_n3A_752 = arith.select %lt3A_749, %select_n3A_730, %select_n3A_738 : vector<256x128xi1>, vector<256x128xf32>
    %select_n3A_753 = arith.select %lt3A_749, %select_n3A_731, %select_n3A_739 : vector<256x128xi1>, vector<256x128xi32>
    %lt3A_754 = arith.cmpf olt, %select_n3A_742, %select_n3A_734 : vector<256x128xf32>
    %select_n3A_755 = arith.select %lt3A_754, %select_n3A_742, %select_n3A_734 : vector<256x128xi1>, vector<256x128xf32>
    %select_n3A_756 = arith.select %lt3A_754, %select_n3A_743, %select_n3A_735 : vector<256x128xi1>, vector<256x128xi32>
    %select_n3A_757 = arith.select %lt3A_754, %select_n3A_734, %select_n3A_742 : vector<256x128xi1>, vector<256x128xf32>
    %select_n3A_758 = arith.select %lt3A_754, %select_n3A_735, %select_n3A_743 : vector<256x128xi1>, vector<256x128xi32>
    %lt3A_759 = arith.cmpf olt, %select_n3A_755, %select_n3A_750 : vector<256x128xf32>
    %select_n3A_760 = arith.select %lt3A_759, %select_n3A_755, %select_n3A_750 : vector<256x128xi1>, vector<256x128xf32>
    %select_n3A_761 = arith.select %lt3A_759, %select_n3A_756, %select_n3A_751 : vector<256x128xi1>, vector<256x128xi32>
    %select_n3A_762 = arith.select %lt3A_759, %select_n3A_750, %select_n3A_755 : vector<256x128xi1>, vector<256x128xf32>
    %select_n3A_763 = arith.select %lt3A_759, %select_n3A_751, %select_n3A_756 : vector<256x128xi1>, vector<256x128xi32>
    %lt3A_764 = arith.cmpf olt, %select_n3A_757, %select_n3A_752 : vector<256x128xf32>
    %select_n3A_765 = arith.select %lt3A_764, %select_n3A_757, %select_n3A_752 : vector<256x128xi1>, vector<256x128xf32>
    %select_n3A_766 = arith.select %lt3A_764, %select_n3A_758, %select_n3A_753 : vector<256x128xi1>, vector<256x128xi32>
    %select_n3A_767 = arith.select %lt3A_764, %select_n3A_752, %select_n3A_757 : vector<256x128xi1>, vector<256x128xf32>
    %select_n3A_768 = arith.select %lt3A_764, %select_n3A_753, %select_n3A_758 : vector<256x128xi1>, vector<256x128xi32>
    %slice3A_769 = vector.extract_strided_slice %sub3A_10 {offsets = [0, 4096], sizes = [256, 128], strides = [1, 1]} : vector<256x8192xf32> to vector<256x128xf32>
    %slice3A_770 = vector.extract_strided_slice %sub3A_10 {offsets = [0, 4224], sizes = [256, 128], strides = [1, 1]} : vector<256x8192xf32> to vector<256x128xf32>
    %slice3A_771 = vector.extract_strided_slice %sub3A_10 {offsets = [0, 4352], sizes = [256, 128], strides = [1, 1]} : vector<256x8192xf32> to vector<256x128xf32>
    %slice3A_772 = vector.extract_strided_slice %sub3A_10 {offsets = [0, 4480], sizes = [256, 128], strides = [1, 1]} : vector<256x8192xf32> to vector<256x128xf32>
    %broadcast_in_dim3A_773 = arith.constant 32 : i32
    %broadcast_in_dim3A_774 = vector.broadcast %broadcast_in_dim3A_773 : i32 to vector<1x1xi32>
    %broadcast_in_dim3A_775 = arith.constant 33 : i32
    %broadcast_in_dim3A_776 = vector.broadcast %broadcast_in_dim3A_775 : i32 to vector<1x1xi32>
    %broadcast_in_dim3A_777 = arith.constant 34 : i32
    %broadcast_in_dim3A_778 = vector.broadcast %broadcast_in_dim3A_777 : i32 to vector<1x1xi32>
    %broadcast_in_dim3A_779 = arith.constant 35 : i32
    %broadcast_in_dim3A_780 = vector.broadcast %broadcast_in_dim3A_779 : i32 to vector<1x1xi32>
    %lt3A_781 = arith.cmpf olt, %slice3A_770, %slice3A_769 : vector<256x128xf32>
    %select_n3A_782 = arith.select %lt3A_781, %slice3A_770, %slice3A_769 : vector<256x128xi1>, vector<256x128xf32>
    %broadcast_in_dim3A_783 = vector.shape_cast %broadcast_in_dim3A_776 : vector<1x1xi32> to vector<1x1xi32>
    %broadcast_in_dim3A_784 = vector.broadcast %broadcast_in_dim3A_783 : vector<1x1xi32> to vector<256x128xi32>
    %broadcast_in_dim3A_785 = vector.shape_cast %broadcast_in_dim3A_774 : vector<1x1xi32> to vector<1x1xi32>
    %broadcast_in_dim3A_786 = vector.broadcast %broadcast_in_dim3A_785 : vector<1x1xi32> to vector<256x128xi32>
    %select_n3A_787 = arith.select %lt3A_781, %broadcast_in_dim3A_784, %broadcast_in_dim3A_786 : vector<256x128xi1>, vector<256x128xi32>
    %select_n3A_788 = arith.select %lt3A_781, %slice3A_769, %slice3A_770 : vector<256x128xi1>, vector<256x128xf32>
    %broadcast_in_dim3A_789 = vector.shape_cast %broadcast_in_dim3A_774 : vector<1x1xi32> to vector<1x1xi32>
    %broadcast_in_dim3A_790 = vector.broadcast %broadcast_in_dim3A_789 : vector<1x1xi32> to vector<256x128xi32>
    %broadcast_in_dim3A_791 = vector.shape_cast %broadcast_in_dim3A_776 : vector<1x1xi32> to vector<1x1xi32>
    %broadcast_in_dim3A_792 = vector.broadcast %broadcast_in_dim3A_791 : vector<1x1xi32> to vector<256x128xi32>
    %select_n3A_793 = arith.select %lt3A_781, %broadcast_in_dim3A_790, %broadcast_in_dim3A_792 : vector<256x128xi1>, vector<256x128xi32>
    %lt3A_794 = arith.cmpf olt, %slice3A_772, %slice3A_771 : vector<256x128xf32>
    %select_n3A_795 = arith.select %lt3A_794, %slice3A_772, %slice3A_771 : vector<256x128xi1>, vector<256x128xf32>
    %broadcast_in_dim3A_796 = vector.shape_cast %broadcast_in_dim3A_780 : vector<1x1xi32> to vector<1x1xi32>
    %broadcast_in_dim3A_797 = vector.broadcast %broadcast_in_dim3A_796 : vector<1x1xi32> to vector<256x128xi32>
    %broadcast_in_dim3A_798 = vector.shape_cast %broadcast_in_dim3A_778 : vector<1x1xi32> to vector<1x1xi32>
    %broadcast_in_dim3A_799 = vector.broadcast %broadcast_in_dim3A_798 : vector<1x1xi32> to vector<256x128xi32>
    %select_n3A_800 = arith.select %lt3A_794, %broadcast_in_dim3A_797, %broadcast_in_dim3A_799 : vector<256x128xi1>, vector<256x128xi32>
    %select_n3A_801 = arith.select %lt3A_794, %slice3A_771, %slice3A_772 : vector<256x128xi1>, vector<256x128xf32>
    %broadcast_in_dim3A_802 = vector.shape_cast %broadcast_in_dim3A_778 : vector<1x1xi32> to vector<1x1xi32>
    %broadcast_in_dim3A_803 = vector.broadcast %broadcast_in_dim3A_802 : vector<1x1xi32> to vector<256x128xi32>
    %broadcast_in_dim3A_804 = vector.shape_cast %broadcast_in_dim3A_780 : vector<1x1xi32> to vector<1x1xi32>
    %broadcast_in_dim3A_805 = vector.broadcast %broadcast_in_dim3A_804 : vector<1x1xi32> to vector<256x128xi32>
    %select_n3A_806 = arith.select %lt3A_794, %broadcast_in_dim3A_803, %broadcast_in_dim3A_805 : vector<256x128xi1>, vector<256x128xi32>
    %lt3A_807 = arith.cmpf olt, %select_n3A_795, %select_n3A_782 : vector<256x128xf32>
    %select_n3A_808 = arith.select %lt3A_807, %select_n3A_795, %select_n3A_782 : vector<256x128xi1>, vector<256x128xf32>
    %select_n3A_809 = arith.select %lt3A_807, %select_n3A_800, %select_n3A_787 : vector<256x128xi1>, vector<256x128xi32>
    %select_n3A_810 = arith.select %lt3A_807, %select_n3A_782, %select_n3A_795 : vector<256x128xi1>, vector<256x128xf32>
    %select_n3A_811 = arith.select %lt3A_807, %select_n3A_787, %select_n3A_800 : vector<256x128xi1>, vector<256x128xi32>
    %lt3A_812 = arith.cmpf olt, %select_n3A_801, %select_n3A_788 : vector<256x128xf32>
    %select_n3A_813 = arith.select %lt3A_812, %select_n3A_801, %select_n3A_788 : vector<256x128xi1>, vector<256x128xf32>
    %select_n3A_814 = arith.select %lt3A_812, %select_n3A_806, %select_n3A_793 : vector<256x128xi1>, vector<256x128xi32>
    %select_n3A_815 = arith.select %lt3A_812, %select_n3A_788, %select_n3A_801 : vector<256x128xi1>, vector<256x128xf32>
    %select_n3A_816 = arith.select %lt3A_812, %select_n3A_793, %select_n3A_806 : vector<256x128xi1>, vector<256x128xi32>
    %lt3A_817 = arith.cmpf olt, %select_n3A_810, %select_n3A_813 : vector<256x128xf32>
    %select_n3A_818 = arith.select %lt3A_817, %select_n3A_810, %select_n3A_813 : vector<256x128xi1>, vector<256x128xf32>
    %select_n3A_819 = arith.select %lt3A_817, %select_n3A_811, %select_n3A_814 : vector<256x128xi1>, vector<256x128xi32>
    %select_n3A_820 = arith.select %lt3A_817, %select_n3A_813, %select_n3A_810 : vector<256x128xi1>, vector<256x128xf32>
    %select_n3A_821 = arith.select %lt3A_817, %select_n3A_814, %select_n3A_811 : vector<256x128xi1>, vector<256x128xi32>
    %lt3A_822 = arith.cmpf olt, %select_n3A_815, %select_n3A_760 : vector<256x128xf32>
    %select_n3A_823 = arith.select %lt3A_822, %select_n3A_815, %select_n3A_760 : vector<256x128xi1>, vector<256x128xf32>
    %select_n3A_824 = arith.select %lt3A_822, %select_n3A_816, %select_n3A_761 : vector<256x128xi1>, vector<256x128xi32>
    %select_n3A_825 = arith.select %lt3A_822, %select_n3A_760, %select_n3A_815 : vector<256x128xi1>, vector<256x128xf32>
    %lt3A_826 = arith.cmpf olt, %select_n3A_820, %select_n3A_762 : vector<256x128xf32>
    %select_n3A_827 = arith.select %lt3A_826, %select_n3A_820, %select_n3A_762 : vector<256x128xi1>, vector<256x128xf32>
    %select_n3A_828 = arith.select %lt3A_826, %select_n3A_821, %select_n3A_763 : vector<256x128xi1>, vector<256x128xi32>
    %select_n3A_829 = arith.select %lt3A_826, %select_n3A_762, %select_n3A_820 : vector<256x128xi1>, vector<256x128xf32>
    %lt3A_830 = arith.cmpf olt, %select_n3A_818, %select_n3A_765 : vector<256x128xf32>
    %select_n3A_831 = arith.select %lt3A_830, %select_n3A_818, %select_n3A_765 : vector<256x128xi1>, vector<256x128xf32>
    %select_n3A_832 = arith.select %lt3A_830, %select_n3A_819, %select_n3A_766 : vector<256x128xi1>, vector<256x128xi32>
    %select_n3A_833 = arith.select %lt3A_830, %select_n3A_765, %select_n3A_818 : vector<256x128xi1>, vector<256x128xf32>
    %lt3A_834 = arith.cmpf olt, %select_n3A_808, %select_n3A_767 : vector<256x128xf32>
    %select_n3A_835 = arith.select %lt3A_834, %select_n3A_808, %select_n3A_767 : vector<256x128xi1>, vector<256x128xf32>
    %select_n3A_836 = arith.select %lt3A_834, %select_n3A_809, %select_n3A_768 : vector<256x128xi1>, vector<256x128xi32>
    %select_n3A_837 = arith.select %lt3A_834, %select_n3A_767, %select_n3A_808 : vector<256x128xi1>, vector<256x128xf32>
    %min3A_838 = arith.minimumf %select_n3A_825, %select_n3A_829 : vector<256x128xf32>
    %min3A_839 = arith.minimumf %select_n3A_833, %select_n3A_837 : vector<256x128xf32>
    %min3A_840 = arith.minimumf %min3A_838, %min3A_839 : vector<256x128xf32>
    %min3A_841 = arith.minimumf %min3A_748, %min3A_840 : vector<256x128xf32>
    %lt3A_842 = arith.cmpf olt, %select_n3A_831, %select_n3A_823 : vector<256x128xf32>
    %select_n3A_843 = arith.select %lt3A_842, %select_n3A_831, %select_n3A_823 : vector<256x128xi1>, vector<256x128xf32>
    %select_n3A_844 = arith.select %lt3A_842, %select_n3A_832, %select_n3A_824 : vector<256x128xi1>, vector<256x128xi32>
    %select_n3A_845 = arith.select %lt3A_842, %select_n3A_823, %select_n3A_831 : vector<256x128xi1>, vector<256x128xf32>
    %select_n3A_846 = arith.select %lt3A_842, %select_n3A_824, %select_n3A_832 : vector<256x128xi1>, vector<256x128xi32>
    %lt3A_847 = arith.cmpf olt, %select_n3A_835, %select_n3A_827 : vector<256x128xf32>
    %select_n3A_848 = arith.select %lt3A_847, %select_n3A_835, %select_n3A_827 : vector<256x128xi1>, vector<256x128xf32>
    %select_n3A_849 = arith.select %lt3A_847, %select_n3A_836, %select_n3A_828 : vector<256x128xi1>, vector<256x128xi32>
    %select_n3A_850 = arith.select %lt3A_847, %select_n3A_827, %select_n3A_835 : vector<256x128xi1>, vector<256x128xf32>
    %select_n3A_851 = arith.select %lt3A_847, %select_n3A_828, %select_n3A_836 : vector<256x128xi1>, vector<256x128xi32>
    %lt3A_852 = arith.cmpf olt, %select_n3A_848, %select_n3A_843 : vector<256x128xf32>
    %select_n3A_853 = arith.select %lt3A_852, %select_n3A_848, %select_n3A_843 : vector<256x128xi1>, vector<256x128xf32>
    %select_n3A_854 = arith.select %lt3A_852, %select_n3A_849, %select_n3A_844 : vector<256x128xi1>, vector<256x128xi32>
    %select_n3A_855 = arith.select %lt3A_852, %select_n3A_843, %select_n3A_848 : vector<256x128xi1>, vector<256x128xf32>
    %select_n3A_856 = arith.select %lt3A_852, %select_n3A_844, %select_n3A_849 : vector<256x128xi1>, vector<256x128xi32>
    %lt3A_857 = arith.cmpf olt, %select_n3A_850, %select_n3A_845 : vector<256x128xf32>
    %select_n3A_858 = arith.select %lt3A_857, %select_n3A_850, %select_n3A_845 : vector<256x128xi1>, vector<256x128xf32>
    %select_n3A_859 = arith.select %lt3A_857, %select_n3A_851, %select_n3A_846 : vector<256x128xi1>, vector<256x128xi32>
    %select_n3A_860 = arith.select %lt3A_857, %select_n3A_845, %select_n3A_850 : vector<256x128xi1>, vector<256x128xf32>
    %select_n3A_861 = arith.select %lt3A_857, %select_n3A_846, %select_n3A_851 : vector<256x128xi1>, vector<256x128xi32>
    %slice3A_862 = vector.extract_strided_slice %sub3A_10 {offsets = [0, 4608], sizes = [256, 128], strides = [1, 1]} : vector<256x8192xf32> to vector<256x128xf32>
    %slice3A_863 = vector.extract_strided_slice %sub3A_10 {offsets = [0, 4736], sizes = [256, 128], strides = [1, 1]} : vector<256x8192xf32> to vector<256x128xf32>
    %slice3A_864 = vector.extract_strided_slice %sub3A_10 {offsets = [0, 4864], sizes = [256, 128], strides = [1, 1]} : vector<256x8192xf32> to vector<256x128xf32>
    %slice3A_865 = vector.extract_strided_slice %sub3A_10 {offsets = [0, 4992], sizes = [256, 128], strides = [1, 1]} : vector<256x8192xf32> to vector<256x128xf32>
    %broadcast_in_dim3A_866 = arith.constant 36 : i32
    %broadcast_in_dim3A_867 = vector.broadcast %broadcast_in_dim3A_866 : i32 to vector<1x1xi32>
    %broadcast_in_dim3A_868 = arith.constant 37 : i32
    %broadcast_in_dim3A_869 = vector.broadcast %broadcast_in_dim3A_868 : i32 to vector<1x1xi32>
    %broadcast_in_dim3A_870 = arith.constant 38 : i32
    %broadcast_in_dim3A_871 = vector.broadcast %broadcast_in_dim3A_870 : i32 to vector<1x1xi32>
    %broadcast_in_dim3A_872 = arith.constant 39 : i32
    %broadcast_in_dim3A_873 = vector.broadcast %broadcast_in_dim3A_872 : i32 to vector<1x1xi32>
    %lt3A_874 = arith.cmpf olt, %slice3A_863, %slice3A_862 : vector<256x128xf32>
    %select_n3A_875 = arith.select %lt3A_874, %slice3A_863, %slice3A_862 : vector<256x128xi1>, vector<256x128xf32>
    %broadcast_in_dim3A_876 = vector.shape_cast %broadcast_in_dim3A_869 : vector<1x1xi32> to vector<1x1xi32>
    %broadcast_in_dim3A_877 = vector.broadcast %broadcast_in_dim3A_876 : vector<1x1xi32> to vector<256x128xi32>
    %broadcast_in_dim3A_878 = vector.shape_cast %broadcast_in_dim3A_867 : vector<1x1xi32> to vector<1x1xi32>
    %broadcast_in_dim3A_879 = vector.broadcast %broadcast_in_dim3A_878 : vector<1x1xi32> to vector<256x128xi32>
    %select_n3A_880 = arith.select %lt3A_874, %broadcast_in_dim3A_877, %broadcast_in_dim3A_879 : vector<256x128xi1>, vector<256x128xi32>
    %select_n3A_881 = arith.select %lt3A_874, %slice3A_862, %slice3A_863 : vector<256x128xi1>, vector<256x128xf32>
    %broadcast_in_dim3A_882 = vector.shape_cast %broadcast_in_dim3A_867 : vector<1x1xi32> to vector<1x1xi32>
    %broadcast_in_dim3A_883 = vector.broadcast %broadcast_in_dim3A_882 : vector<1x1xi32> to vector<256x128xi32>
    %broadcast_in_dim3A_884 = vector.shape_cast %broadcast_in_dim3A_869 : vector<1x1xi32> to vector<1x1xi32>
    %broadcast_in_dim3A_885 = vector.broadcast %broadcast_in_dim3A_884 : vector<1x1xi32> to vector<256x128xi32>
    %select_n3A_886 = arith.select %lt3A_874, %broadcast_in_dim3A_883, %broadcast_in_dim3A_885 : vector<256x128xi1>, vector<256x128xi32>
    %lt3A_887 = arith.cmpf olt, %slice3A_865, %slice3A_864 : vector<256x128xf32>
    %select_n3A_888 = arith.select %lt3A_887, %slice3A_865, %slice3A_864 : vector<256x128xi1>, vector<256x128xf32>
    %broadcast_in_dim3A_889 = vector.shape_cast %broadcast_in_dim3A_873 : vector<1x1xi32> to vector<1x1xi32>
    %broadcast_in_dim3A_890 = vector.broadcast %broadcast_in_dim3A_889 : vector<1x1xi32> to vector<256x128xi32>
    %broadcast_in_dim3A_891 = vector.shape_cast %broadcast_in_dim3A_871 : vector<1x1xi32> to vector<1x1xi32>
    %broadcast_in_dim3A_892 = vector.broadcast %broadcast_in_dim3A_891 : vector<1x1xi32> to vector<256x128xi32>
    %select_n3A_893 = arith.select %lt3A_887, %broadcast_in_dim3A_890, %broadcast_in_dim3A_892 : vector<256x128xi1>, vector<256x128xi32>
    %select_n3A_894 = arith.select %lt3A_887, %slice3A_864, %slice3A_865 : vector<256x128xi1>, vector<256x128xf32>
    %broadcast_in_dim3A_895 = vector.shape_cast %broadcast_in_dim3A_871 : vector<1x1xi32> to vector<1x1xi32>
    %broadcast_in_dim3A_896 = vector.broadcast %broadcast_in_dim3A_895 : vector<1x1xi32> to vector<256x128xi32>
    %broadcast_in_dim3A_897 = vector.shape_cast %broadcast_in_dim3A_873 : vector<1x1xi32> to vector<1x1xi32>
    %broadcast_in_dim3A_898 = vector.broadcast %broadcast_in_dim3A_897 : vector<1x1xi32> to vector<256x128xi32>
    %select_n3A_899 = arith.select %lt3A_887, %broadcast_in_dim3A_896, %broadcast_in_dim3A_898 : vector<256x128xi1>, vector<256x128xi32>
    %lt3A_900 = arith.cmpf olt, %select_n3A_888, %select_n3A_875 : vector<256x128xf32>
    %select_n3A_901 = arith.select %lt3A_900, %select_n3A_888, %select_n3A_875 : vector<256x128xi1>, vector<256x128xf32>
    %select_n3A_902 = arith.select %lt3A_900, %select_n3A_893, %select_n3A_880 : vector<256x128xi1>, vector<256x128xi32>
    %select_n3A_903 = arith.select %lt3A_900, %select_n3A_875, %select_n3A_888 : vector<256x128xi1>, vector<256x128xf32>
    %select_n3A_904 = arith.select %lt3A_900, %select_n3A_880, %select_n3A_893 : vector<256x128xi1>, vector<256x128xi32>
    %lt3A_905 = arith.cmpf olt, %select_n3A_894, %select_n3A_881 : vector<256x128xf32>
    %select_n3A_906 = arith.select %lt3A_905, %select_n3A_894, %select_n3A_881 : vector<256x128xi1>, vector<256x128xf32>
    %select_n3A_907 = arith.select %lt3A_905, %select_n3A_899, %select_n3A_886 : vector<256x128xi1>, vector<256x128xi32>
    %select_n3A_908 = arith.select %lt3A_905, %select_n3A_881, %select_n3A_894 : vector<256x128xi1>, vector<256x128xf32>
    %select_n3A_909 = arith.select %lt3A_905, %select_n3A_886, %select_n3A_899 : vector<256x128xi1>, vector<256x128xi32>
    %lt3A_910 = arith.cmpf olt, %select_n3A_903, %select_n3A_906 : vector<256x128xf32>
    %select_n3A_911 = arith.select %lt3A_910, %select_n3A_903, %select_n3A_906 : vector<256x128xi1>, vector<256x128xf32>
    %select_n3A_912 = arith.select %lt3A_910, %select_n3A_904, %select_n3A_907 : vector<256x128xi1>, vector<256x128xi32>
    %select_n3A_913 = arith.select %lt3A_910, %select_n3A_906, %select_n3A_903 : vector<256x128xi1>, vector<256x128xf32>
    %select_n3A_914 = arith.select %lt3A_910, %select_n3A_907, %select_n3A_904 : vector<256x128xi1>, vector<256x128xi32>
    %lt3A_915 = arith.cmpf olt, %select_n3A_908, %select_n3A_853 : vector<256x128xf32>
    %select_n3A_916 = arith.select %lt3A_915, %select_n3A_908, %select_n3A_853 : vector<256x128xi1>, vector<256x128xf32>
    %select_n3A_917 = arith.select %lt3A_915, %select_n3A_909, %select_n3A_854 : vector<256x128xi1>, vector<256x128xi32>
    %select_n3A_918 = arith.select %lt3A_915, %select_n3A_853, %select_n3A_908 : vector<256x128xi1>, vector<256x128xf32>
    %lt3A_919 = arith.cmpf olt, %select_n3A_913, %select_n3A_855 : vector<256x128xf32>
    %select_n3A_920 = arith.select %lt3A_919, %select_n3A_913, %select_n3A_855 : vector<256x128xi1>, vector<256x128xf32>
    %select_n3A_921 = arith.select %lt3A_919, %select_n3A_914, %select_n3A_856 : vector<256x128xi1>, vector<256x128xi32>
    %select_n3A_922 = arith.select %lt3A_919, %select_n3A_855, %select_n3A_913 : vector<256x128xi1>, vector<256x128xf32>
    %lt3A_923 = arith.cmpf olt, %select_n3A_911, %select_n3A_858 : vector<256x128xf32>
    %select_n3A_924 = arith.select %lt3A_923, %select_n3A_911, %select_n3A_858 : vector<256x128xi1>, vector<256x128xf32>
    %select_n3A_925 = arith.select %lt3A_923, %select_n3A_912, %select_n3A_859 : vector<256x128xi1>, vector<256x128xi32>
    %select_n3A_926 = arith.select %lt3A_923, %select_n3A_858, %select_n3A_911 : vector<256x128xi1>, vector<256x128xf32>
    %lt3A_927 = arith.cmpf olt, %select_n3A_901, %select_n3A_860 : vector<256x128xf32>
    %select_n3A_928 = arith.select %lt3A_927, %select_n3A_901, %select_n3A_860 : vector<256x128xi1>, vector<256x128xf32>
    %select_n3A_929 = arith.select %lt3A_927, %select_n3A_902, %select_n3A_861 : vector<256x128xi1>, vector<256x128xi32>
    %select_n3A_930 = arith.select %lt3A_927, %select_n3A_860, %select_n3A_901 : vector<256x128xi1>, vector<256x128xf32>
    %min3A_931 = arith.minimumf %select_n3A_918, %select_n3A_922 : vector<256x128xf32>
    %min3A_932 = arith.minimumf %select_n3A_926, %select_n3A_930 : vector<256x128xf32>
    %min3A_933 = arith.minimumf %min3A_931, %min3A_932 : vector<256x128xf32>
    %min3A_934 = arith.minimumf %min3A_841, %min3A_933 : vector<256x128xf32>
    %lt3A_935 = arith.cmpf olt, %select_n3A_924, %select_n3A_916 : vector<256x128xf32>
    %select_n3A_936 = arith.select %lt3A_935, %select_n3A_924, %select_n3A_916 : vector<256x128xi1>, vector<256x128xf32>
    %select_n3A_937 = arith.select %lt3A_935, %select_n3A_925, %select_n3A_917 : vector<256x128xi1>, vector<256x128xi32>
    %select_n3A_938 = arith.select %lt3A_935, %select_n3A_916, %select_n3A_924 : vector<256x128xi1>, vector<256x128xf32>
    %select_n3A_939 = arith.select %lt3A_935, %select_n3A_917, %select_n3A_925 : vector<256x128xi1>, vector<256x128xi32>
    %lt3A_940 = arith.cmpf olt, %select_n3A_928, %select_n3A_920 : vector<256x128xf32>
    %select_n3A_941 = arith.select %lt3A_940, %select_n3A_928, %select_n3A_920 : vector<256x128xi1>, vector<256x128xf32>
    %select_n3A_942 = arith.select %lt3A_940, %select_n3A_929, %select_n3A_921 : vector<256x128xi1>, vector<256x128xi32>
    %select_n3A_943 = arith.select %lt3A_940, %select_n3A_920, %select_n3A_928 : vector<256x128xi1>, vector<256x128xf32>
    %select_n3A_944 = arith.select %lt3A_940, %select_n3A_921, %select_n3A_929 : vector<256x128xi1>, vector<256x128xi32>
    %lt3A_945 = arith.cmpf olt, %select_n3A_941, %select_n3A_936 : vector<256x128xf32>
    %select_n3A_946 = arith.select %lt3A_945, %select_n3A_941, %select_n3A_936 : vector<256x128xi1>, vector<256x128xf32>
    %select_n3A_947 = arith.select %lt3A_945, %select_n3A_942, %select_n3A_937 : vector<256x128xi1>, vector<256x128xi32>
    %select_n3A_948 = arith.select %lt3A_945, %select_n3A_936, %select_n3A_941 : vector<256x128xi1>, vector<256x128xf32>
    %select_n3A_949 = arith.select %lt3A_945, %select_n3A_937, %select_n3A_942 : vector<256x128xi1>, vector<256x128xi32>
    %lt3A_950 = arith.cmpf olt, %select_n3A_943, %select_n3A_938 : vector<256x128xf32>
    %select_n3A_951 = arith.select %lt3A_950, %select_n3A_943, %select_n3A_938 : vector<256x128xi1>, vector<256x128xf32>
    %select_n3A_952 = arith.select %lt3A_950, %select_n3A_944, %select_n3A_939 : vector<256x128xi1>, vector<256x128xi32>
    %select_n3A_953 = arith.select %lt3A_950, %select_n3A_938, %select_n3A_943 : vector<256x128xi1>, vector<256x128xf32>
    %select_n3A_954 = arith.select %lt3A_950, %select_n3A_939, %select_n3A_944 : vector<256x128xi1>, vector<256x128xi32>
    %slice3A_955 = vector.extract_strided_slice %sub3A_10 {offsets = [0, 5120], sizes = [256, 128], strides = [1, 1]} : vector<256x8192xf32> to vector<256x128xf32>
    %slice3A_956 = vector.extract_strided_slice %sub3A_10 {offsets = [0, 5248], sizes = [256, 128], strides = [1, 1]} : vector<256x8192xf32> to vector<256x128xf32>
    %slice3A_957 = vector.extract_strided_slice %sub3A_10 {offsets = [0, 5376], sizes = [256, 128], strides = [1, 1]} : vector<256x8192xf32> to vector<256x128xf32>
    %slice3A_958 = vector.extract_strided_slice %sub3A_10 {offsets = [0, 5504], sizes = [256, 128], strides = [1, 1]} : vector<256x8192xf32> to vector<256x128xf32>
    %broadcast_in_dim3A_959 = arith.constant 40 : i32
    %broadcast_in_dim3A_960 = vector.broadcast %broadcast_in_dim3A_959 : i32 to vector<1x1xi32>
    %broadcast_in_dim3A_961 = arith.constant 41 : i32
    %broadcast_in_dim3A_962 = vector.broadcast %broadcast_in_dim3A_961 : i32 to vector<1x1xi32>
    %broadcast_in_dim3A_963 = arith.constant 42 : i32
    %broadcast_in_dim3A_964 = vector.broadcast %broadcast_in_dim3A_963 : i32 to vector<1x1xi32>
    %broadcast_in_dim3A_965 = arith.constant 43 : i32
    %broadcast_in_dim3A_966 = vector.broadcast %broadcast_in_dim3A_965 : i32 to vector<1x1xi32>
    %lt3A_967 = arith.cmpf olt, %slice3A_956, %slice3A_955 : vector<256x128xf32>
    %select_n3A_968 = arith.select %lt3A_967, %slice3A_956, %slice3A_955 : vector<256x128xi1>, vector<256x128xf32>
    %broadcast_in_dim3A_969 = vector.shape_cast %broadcast_in_dim3A_962 : vector<1x1xi32> to vector<1x1xi32>
    %broadcast_in_dim3A_970 = vector.broadcast %broadcast_in_dim3A_969 : vector<1x1xi32> to vector<256x128xi32>
    %broadcast_in_dim3A_971 = vector.shape_cast %broadcast_in_dim3A_960 : vector<1x1xi32> to vector<1x1xi32>
    %broadcast_in_dim3A_972 = vector.broadcast %broadcast_in_dim3A_971 : vector<1x1xi32> to vector<256x128xi32>
    %select_n3A_973 = arith.select %lt3A_967, %broadcast_in_dim3A_970, %broadcast_in_dim3A_972 : vector<256x128xi1>, vector<256x128xi32>
    %select_n3A_974 = arith.select %lt3A_967, %slice3A_955, %slice3A_956 : vector<256x128xi1>, vector<256x128xf32>
    %broadcast_in_dim3A_975 = vector.shape_cast %broadcast_in_dim3A_960 : vector<1x1xi32> to vector<1x1xi32>
    %broadcast_in_dim3A_976 = vector.broadcast %broadcast_in_dim3A_975 : vector<1x1xi32> to vector<256x128xi32>
    %broadcast_in_dim3A_977 = vector.shape_cast %broadcast_in_dim3A_962 : vector<1x1xi32> to vector<1x1xi32>
    %broadcast_in_dim3A_978 = vector.broadcast %broadcast_in_dim3A_977 : vector<1x1xi32> to vector<256x128xi32>
    %select_n3A_979 = arith.select %lt3A_967, %broadcast_in_dim3A_976, %broadcast_in_dim3A_978 : vector<256x128xi1>, vector<256x128xi32>
    %lt3A_980 = arith.cmpf olt, %slice3A_958, %slice3A_957 : vector<256x128xf32>
    %select_n3A_981 = arith.select %lt3A_980, %slice3A_958, %slice3A_957 : vector<256x128xi1>, vector<256x128xf32>
    %broadcast_in_dim3A_982 = vector.shape_cast %broadcast_in_dim3A_966 : vector<1x1xi32> to vector<1x1xi32>
    %broadcast_in_dim3A_983 = vector.broadcast %broadcast_in_dim3A_982 : vector<1x1xi32> to vector<256x128xi32>
    %broadcast_in_dim3A_984 = vector.shape_cast %broadcast_in_dim3A_964 : vector<1x1xi32> to vector<1x1xi32>
    %broadcast_in_dim3A_985 = vector.broadcast %broadcast_in_dim3A_984 : vector<1x1xi32> to vector<256x128xi32>
    %select_n3A_986 = arith.select %lt3A_980, %broadcast_in_dim3A_983, %broadcast_in_dim3A_985 : vector<256x128xi1>, vector<256x128xi32>
    %select_n3A_987 = arith.select %lt3A_980, %slice3A_957, %slice3A_958 : vector<256x128xi1>, vector<256x128xf32>
    %broadcast_in_dim3A_988 = vector.shape_cast %broadcast_in_dim3A_964 : vector<1x1xi32> to vector<1x1xi32>
    %broadcast_in_dim3A_989 = vector.broadcast %broadcast_in_dim3A_988 : vector<1x1xi32> to vector<256x128xi32>
    %broadcast_in_dim3A_990 = vector.shape_cast %broadcast_in_dim3A_966 : vector<1x1xi32> to vector<1x1xi32>
    %broadcast_in_dim3A_991 = vector.broadcast %broadcast_in_dim3A_990 : vector<1x1xi32> to vector<256x128xi32>
    %select_n3A_992 = arith.select %lt3A_980, %broadcast_in_dim3A_989, %broadcast_in_dim3A_991 : vector<256x128xi1>, vector<256x128xi32>
    %lt3A_993 = arith.cmpf olt, %select_n3A_981, %select_n3A_968 : vector<256x128xf32>
    %select_n3A_994 = arith.select %lt3A_993, %select_n3A_981, %select_n3A_968 : vector<256x128xi1>, vector<256x128xf32>
    %select_n3A_995 = arith.select %lt3A_993, %select_n3A_986, %select_n3A_973 : vector<256x128xi1>, vector<256x128xi32>
    %select_n3A_996 = arith.select %lt3A_993, %select_n3A_968, %select_n3A_981 : vector<256x128xi1>, vector<256x128xf32>
    %select_n3A_997 = arith.select %lt3A_993, %select_n3A_973, %select_n3A_986 : vector<256x128xi1>, vector<256x128xi32>
    %lt3A_998 = arith.cmpf olt, %select_n3A_987, %select_n3A_974 : vector<256x128xf32>
    %select_n3A_999 = arith.select %lt3A_998, %select_n3A_987, %select_n3A_974 : vector<256x128xi1>, vector<256x128xf32>
    %select_n3A_1000 = arith.select %lt3A_998, %select_n3A_992, %select_n3A_979 : vector<256x128xi1>, vector<256x128xi32>
    %select_n3A_1001 = arith.select %lt3A_998, %select_n3A_974, %select_n3A_987 : vector<256x128xi1>, vector<256x128xf32>
    %select_n3A_1002 = arith.select %lt3A_998, %select_n3A_979, %select_n3A_992 : vector<256x128xi1>, vector<256x128xi32>
    %lt3A_1003 = arith.cmpf olt, %select_n3A_996, %select_n3A_999 : vector<256x128xf32>
    %select_n3A_1004 = arith.select %lt3A_1003, %select_n3A_996, %select_n3A_999 : vector<256x128xi1>, vector<256x128xf32>
    %select_n3A_1005 = arith.select %lt3A_1003, %select_n3A_997, %select_n3A_1000 : vector<256x128xi1>, vector<256x128xi32>
    %select_n3A_1006 = arith.select %lt3A_1003, %select_n3A_999, %select_n3A_996 : vector<256x128xi1>, vector<256x128xf32>
    %select_n3A_1007 = arith.select %lt3A_1003, %select_n3A_1000, %select_n3A_997 : vector<256x128xi1>, vector<256x128xi32>
    %lt3A_1008 = arith.cmpf olt, %select_n3A_1001, %select_n3A_946 : vector<256x128xf32>
    %select_n3A_1009 = arith.select %lt3A_1008, %select_n3A_1001, %select_n3A_946 : vector<256x128xi1>, vector<256x128xf32>
    %select_n3A_1010 = arith.select %lt3A_1008, %select_n3A_1002, %select_n3A_947 : vector<256x128xi1>, vector<256x128xi32>
    %select_n3A_1011 = arith.select %lt3A_1008, %select_n3A_946, %select_n3A_1001 : vector<256x128xi1>, vector<256x128xf32>
    %lt3A_1012 = arith.cmpf olt, %select_n3A_1006, %select_n3A_948 : vector<256x128xf32>
    %select_n3A_1013 = arith.select %lt3A_1012, %select_n3A_1006, %select_n3A_948 : vector<256x128xi1>, vector<256x128xf32>
    %select_n3A_1014 = arith.select %lt3A_1012, %select_n3A_1007, %select_n3A_949 : vector<256x128xi1>, vector<256x128xi32>
    %select_n3A_1015 = arith.select %lt3A_1012, %select_n3A_948, %select_n3A_1006 : vector<256x128xi1>, vector<256x128xf32>
    %lt3A_1016 = arith.cmpf olt, %select_n3A_1004, %select_n3A_951 : vector<256x128xf32>
    %select_n3A_1017 = arith.select %lt3A_1016, %select_n3A_1004, %select_n3A_951 : vector<256x128xi1>, vector<256x128xf32>
    %select_n3A_1018 = arith.select %lt3A_1016, %select_n3A_1005, %select_n3A_952 : vector<256x128xi1>, vector<256x128xi32>
    %select_n3A_1019 = arith.select %lt3A_1016, %select_n3A_951, %select_n3A_1004 : vector<256x128xi1>, vector<256x128xf32>
    %lt3A_1020 = arith.cmpf olt, %select_n3A_994, %select_n3A_953 : vector<256x128xf32>
    %select_n3A_1021 = arith.select %lt3A_1020, %select_n3A_994, %select_n3A_953 : vector<256x128xi1>, vector<256x128xf32>
    %select_n3A_1022 = arith.select %lt3A_1020, %select_n3A_995, %select_n3A_954 : vector<256x128xi1>, vector<256x128xi32>
    %select_n3A_1023 = arith.select %lt3A_1020, %select_n3A_953, %select_n3A_994 : vector<256x128xi1>, vector<256x128xf32>
    %min3A_1024 = arith.minimumf %select_n3A_1011, %select_n3A_1015 : vector<256x128xf32>
    %min3A_1025 = arith.minimumf %select_n3A_1019, %select_n3A_1023 : vector<256x128xf32>
    %min3A_1026 = arith.minimumf %min3A_1024, %min3A_1025 : vector<256x128xf32>
    %min3A_1027 = arith.minimumf %min3A_934, %min3A_1026 : vector<256x128xf32>
    %lt3A_1028 = arith.cmpf olt, %select_n3A_1017, %select_n3A_1009 : vector<256x128xf32>
    %select_n3A_1029 = arith.select %lt3A_1028, %select_n3A_1017, %select_n3A_1009 : vector<256x128xi1>, vector<256x128xf32>
    %select_n3A_1030 = arith.select %lt3A_1028, %select_n3A_1018, %select_n3A_1010 : vector<256x128xi1>, vector<256x128xi32>
    %select_n3A_1031 = arith.select %lt3A_1028, %select_n3A_1009, %select_n3A_1017 : vector<256x128xi1>, vector<256x128xf32>
    %select_n3A_1032 = arith.select %lt3A_1028, %select_n3A_1010, %select_n3A_1018 : vector<256x128xi1>, vector<256x128xi32>
    %lt3A_1033 = arith.cmpf olt, %select_n3A_1021, %select_n3A_1013 : vector<256x128xf32>
    %select_n3A_1034 = arith.select %lt3A_1033, %select_n3A_1021, %select_n3A_1013 : vector<256x128xi1>, vector<256x128xf32>
    %select_n3A_1035 = arith.select %lt3A_1033, %select_n3A_1022, %select_n3A_1014 : vector<256x128xi1>, vector<256x128xi32>
    %select_n3A_1036 = arith.select %lt3A_1033, %select_n3A_1013, %select_n3A_1021 : vector<256x128xi1>, vector<256x128xf32>
    %select_n3A_1037 = arith.select %lt3A_1033, %select_n3A_1014, %select_n3A_1022 : vector<256x128xi1>, vector<256x128xi32>
    %lt3A_1038 = arith.cmpf olt, %select_n3A_1034, %select_n3A_1029 : vector<256x128xf32>
    %select_n3A_1039 = arith.select %lt3A_1038, %select_n3A_1034, %select_n3A_1029 : vector<256x128xi1>, vector<256x128xf32>
    %select_n3A_1040 = arith.select %lt3A_1038, %select_n3A_1035, %select_n3A_1030 : vector<256x128xi1>, vector<256x128xi32>
    %select_n3A_1041 = arith.select %lt3A_1038, %select_n3A_1029, %select_n3A_1034 : vector<256x128xi1>, vector<256x128xf32>
    %select_n3A_1042 = arith.select %lt3A_1038, %select_n3A_1030, %select_n3A_1035 : vector<256x128xi1>, vector<256x128xi32>
    %lt3A_1043 = arith.cmpf olt, %select_n3A_1036, %select_n3A_1031 : vector<256x128xf32>
    %select_n3A_1044 = arith.select %lt3A_1043, %select_n3A_1036, %select_n3A_1031 : vector<256x128xi1>, vector<256x128xf32>
    %select_n3A_1045 = arith.select %lt3A_1043, %select_n3A_1037, %select_n3A_1032 : vector<256x128xi1>, vector<256x128xi32>
    %select_n3A_1046 = arith.select %lt3A_1043, %select_n3A_1031, %select_n3A_1036 : vector<256x128xi1>, vector<256x128xf32>
    %select_n3A_1047 = arith.select %lt3A_1043, %select_n3A_1032, %select_n3A_1037 : vector<256x128xi1>, vector<256x128xi32>
    %slice3A_1048 = vector.extract_strided_slice %sub3A_10 {offsets = [0, 5632], sizes = [256, 128], strides = [1, 1]} : vector<256x8192xf32> to vector<256x128xf32>
    %slice3A_1049 = vector.extract_strided_slice %sub3A_10 {offsets = [0, 5760], sizes = [256, 128], strides = [1, 1]} : vector<256x8192xf32> to vector<256x128xf32>
    %slice3A_1050 = vector.extract_strided_slice %sub3A_10 {offsets = [0, 5888], sizes = [256, 128], strides = [1, 1]} : vector<256x8192xf32> to vector<256x128xf32>
    %slice3A_1051 = vector.extract_strided_slice %sub3A_10 {offsets = [0, 6016], sizes = [256, 128], strides = [1, 1]} : vector<256x8192xf32> to vector<256x128xf32>
    %broadcast_in_dim3A_1052 = arith.constant 44 : i32
    %broadcast_in_dim3A_1053 = vector.broadcast %broadcast_in_dim3A_1052 : i32 to vector<1x1xi32>
    %broadcast_in_dim3A_1054 = arith.constant 45 : i32
    %broadcast_in_dim3A_1055 = vector.broadcast %broadcast_in_dim3A_1054 : i32 to vector<1x1xi32>
    %broadcast_in_dim3A_1056 = arith.constant 46 : i32
    %broadcast_in_dim3A_1057 = vector.broadcast %broadcast_in_dim3A_1056 : i32 to vector<1x1xi32>
    %broadcast_in_dim3A_1058 = arith.constant 47 : i32
    %broadcast_in_dim3A_1059 = vector.broadcast %broadcast_in_dim3A_1058 : i32 to vector<1x1xi32>
    %lt3A_1060 = arith.cmpf olt, %slice3A_1049, %slice3A_1048 : vector<256x128xf32>
    %select_n3A_1061 = arith.select %lt3A_1060, %slice3A_1049, %slice3A_1048 : vector<256x128xi1>, vector<256x128xf32>
    %broadcast_in_dim3A_1062 = vector.shape_cast %broadcast_in_dim3A_1055 : vector<1x1xi32> to vector<1x1xi32>
    %broadcast_in_dim3A_1063 = vector.broadcast %broadcast_in_dim3A_1062 : vector<1x1xi32> to vector<256x128xi32>
    %broadcast_in_dim3A_1064 = vector.shape_cast %broadcast_in_dim3A_1053 : vector<1x1xi32> to vector<1x1xi32>
    %broadcast_in_dim3A_1065 = vector.broadcast %broadcast_in_dim3A_1064 : vector<1x1xi32> to vector<256x128xi32>
    %select_n3A_1066 = arith.select %lt3A_1060, %broadcast_in_dim3A_1063, %broadcast_in_dim3A_1065 : vector<256x128xi1>, vector<256x128xi32>
    %select_n3A_1067 = arith.select %lt3A_1060, %slice3A_1048, %slice3A_1049 : vector<256x128xi1>, vector<256x128xf32>
    %broadcast_in_dim3A_1068 = vector.shape_cast %broadcast_in_dim3A_1053 : vector<1x1xi32> to vector<1x1xi32>
    %broadcast_in_dim3A_1069 = vector.broadcast %broadcast_in_dim3A_1068 : vector<1x1xi32> to vector<256x128xi32>
    %broadcast_in_dim3A_1070 = vector.shape_cast %broadcast_in_dim3A_1055 : vector<1x1xi32> to vector<1x1xi32>
    %broadcast_in_dim3A_1071 = vector.broadcast %broadcast_in_dim3A_1070 : vector<1x1xi32> to vector<256x128xi32>
    %select_n3A_1072 = arith.select %lt3A_1060, %broadcast_in_dim3A_1069, %broadcast_in_dim3A_1071 : vector<256x128xi1>, vector<256x128xi32>
    %lt3A_1073 = arith.cmpf olt, %slice3A_1051, %slice3A_1050 : vector<256x128xf32>
    %select_n3A_1074 = arith.select %lt3A_1073, %slice3A_1051, %slice3A_1050 : vector<256x128xi1>, vector<256x128xf32>
    %broadcast_in_dim3A_1075 = vector.shape_cast %broadcast_in_dim3A_1059 : vector<1x1xi32> to vector<1x1xi32>
    %broadcast_in_dim3A_1076 = vector.broadcast %broadcast_in_dim3A_1075 : vector<1x1xi32> to vector<256x128xi32>
    %broadcast_in_dim3A_1077 = vector.shape_cast %broadcast_in_dim3A_1057 : vector<1x1xi32> to vector<1x1xi32>
    %broadcast_in_dim3A_1078 = vector.broadcast %broadcast_in_dim3A_1077 : vector<1x1xi32> to vector<256x128xi32>
    %select_n3A_1079 = arith.select %lt3A_1073, %broadcast_in_dim3A_1076, %broadcast_in_dim3A_1078 : vector<256x128xi1>, vector<256x128xi32>
    %select_n3A_1080 = arith.select %lt3A_1073, %slice3A_1050, %slice3A_1051 : vector<256x128xi1>, vector<256x128xf32>
    %broadcast_in_dim3A_1081 = vector.shape_cast %broadcast_in_dim3A_1057 : vector<1x1xi32> to vector<1x1xi32>
    %broadcast_in_dim3A_1082 = vector.broadcast %broadcast_in_dim3A_1081 : vector<1x1xi32> to vector<256x128xi32>
    %broadcast_in_dim3A_1083 = vector.shape_cast %broadcast_in_dim3A_1059 : vector<1x1xi32> to vector<1x1xi32>
    %broadcast_in_dim3A_1084 = vector.broadcast %broadcast_in_dim3A_1083 : vector<1x1xi32> to vector<256x128xi32>
    %select_n3A_1085 = arith.select %lt3A_1073, %broadcast_in_dim3A_1082, %broadcast_in_dim3A_1084 : vector<256x128xi1>, vector<256x128xi32>
    %lt3A_1086 = arith.cmpf olt, %select_n3A_1074, %select_n3A_1061 : vector<256x128xf32>
    %select_n3A_1087 = arith.select %lt3A_1086, %select_n3A_1074, %select_n3A_1061 : vector<256x128xi1>, vector<256x128xf32>
    %select_n3A_1088 = arith.select %lt3A_1086, %select_n3A_1079, %select_n3A_1066 : vector<256x128xi1>, vector<256x128xi32>
    %select_n3A_1089 = arith.select %lt3A_1086, %select_n3A_1061, %select_n3A_1074 : vector<256x128xi1>, vector<256x128xf32>
    %select_n3A_1090 = arith.select %lt3A_1086, %select_n3A_1066, %select_n3A_1079 : vector<256x128xi1>, vector<256x128xi32>
    %lt3A_1091 = arith.cmpf olt, %select_n3A_1080, %select_n3A_1067 : vector<256x128xf32>
    %select_n3A_1092 = arith.select %lt3A_1091, %select_n3A_1080, %select_n3A_1067 : vector<256x128xi1>, vector<256x128xf32>
    %select_n3A_1093 = arith.select %lt3A_1091, %select_n3A_1085, %select_n3A_1072 : vector<256x128xi1>, vector<256x128xi32>
    %select_n3A_1094 = arith.select %lt3A_1091, %select_n3A_1067, %select_n3A_1080 : vector<256x128xi1>, vector<256x128xf32>
    %select_n3A_1095 = arith.select %lt3A_1091, %select_n3A_1072, %select_n3A_1085 : vector<256x128xi1>, vector<256x128xi32>
    %lt3A_1096 = arith.cmpf olt, %select_n3A_1089, %select_n3A_1092 : vector<256x128xf32>
    %select_n3A_1097 = arith.select %lt3A_1096, %select_n3A_1089, %select_n3A_1092 : vector<256x128xi1>, vector<256x128xf32>
    %select_n3A_1098 = arith.select %lt3A_1096, %select_n3A_1090, %select_n3A_1093 : vector<256x128xi1>, vector<256x128xi32>
    %select_n3A_1099 = arith.select %lt3A_1096, %select_n3A_1092, %select_n3A_1089 : vector<256x128xi1>, vector<256x128xf32>
    %select_n3A_1100 = arith.select %lt3A_1096, %select_n3A_1093, %select_n3A_1090 : vector<256x128xi1>, vector<256x128xi32>
    %lt3A_1101 = arith.cmpf olt, %select_n3A_1094, %select_n3A_1039 : vector<256x128xf32>
    %select_n3A_1102 = arith.select %lt3A_1101, %select_n3A_1094, %select_n3A_1039 : vector<256x128xi1>, vector<256x128xf32>
    %select_n3A_1103 = arith.select %lt3A_1101, %select_n3A_1095, %select_n3A_1040 : vector<256x128xi1>, vector<256x128xi32>
    %select_n3A_1104 = arith.select %lt3A_1101, %select_n3A_1039, %select_n3A_1094 : vector<256x128xi1>, vector<256x128xf32>
    %lt3A_1105 = arith.cmpf olt, %select_n3A_1099, %select_n3A_1041 : vector<256x128xf32>
    %select_n3A_1106 = arith.select %lt3A_1105, %select_n3A_1099, %select_n3A_1041 : vector<256x128xi1>, vector<256x128xf32>
    %select_n3A_1107 = arith.select %lt3A_1105, %select_n3A_1100, %select_n3A_1042 : vector<256x128xi1>, vector<256x128xi32>
    %select_n3A_1108 = arith.select %lt3A_1105, %select_n3A_1041, %select_n3A_1099 : vector<256x128xi1>, vector<256x128xf32>
    %lt3A_1109 = arith.cmpf olt, %select_n3A_1097, %select_n3A_1044 : vector<256x128xf32>
    %select_n3A_1110 = arith.select %lt3A_1109, %select_n3A_1097, %select_n3A_1044 : vector<256x128xi1>, vector<256x128xf32>
    %select_n3A_1111 = arith.select %lt3A_1109, %select_n3A_1098, %select_n3A_1045 : vector<256x128xi1>, vector<256x128xi32>
    %select_n3A_1112 = arith.select %lt3A_1109, %select_n3A_1044, %select_n3A_1097 : vector<256x128xi1>, vector<256x128xf32>
    %lt3A_1113 = arith.cmpf olt, %select_n3A_1087, %select_n3A_1046 : vector<256x128xf32>
    %select_n3A_1114 = arith.select %lt3A_1113, %select_n3A_1087, %select_n3A_1046 : vector<256x128xi1>, vector<256x128xf32>
    %select_n3A_1115 = arith.select %lt3A_1113, %select_n3A_1088, %select_n3A_1047 : vector<256x128xi1>, vector<256x128xi32>
    %select_n3A_1116 = arith.select %lt3A_1113, %select_n3A_1046, %select_n3A_1087 : vector<256x128xi1>, vector<256x128xf32>
    %min3A_1117 = arith.minimumf %select_n3A_1104, %select_n3A_1108 : vector<256x128xf32>
    %min3A_1118 = arith.minimumf %select_n3A_1112, %select_n3A_1116 : vector<256x128xf32>
    %min3A_1119 = arith.minimumf %min3A_1117, %min3A_1118 : vector<256x128xf32>
    %min3A_1120 = arith.minimumf %min3A_1027, %min3A_1119 : vector<256x128xf32>
    %lt3A_1121 = arith.cmpf olt, %select_n3A_1110, %select_n3A_1102 : vector<256x128xf32>
    %select_n3A_1122 = arith.select %lt3A_1121, %select_n3A_1110, %select_n3A_1102 : vector<256x128xi1>, vector<256x128xf32>
    %select_n3A_1123 = arith.select %lt3A_1121, %select_n3A_1111, %select_n3A_1103 : vector<256x128xi1>, vector<256x128xi32>
    %select_n3A_1124 = arith.select %lt3A_1121, %select_n3A_1102, %select_n3A_1110 : vector<256x128xi1>, vector<256x128xf32>
    %select_n3A_1125 = arith.select %lt3A_1121, %select_n3A_1103, %select_n3A_1111 : vector<256x128xi1>, vector<256x128xi32>
    %lt3A_1126 = arith.cmpf olt, %select_n3A_1114, %select_n3A_1106 : vector<256x128xf32>
    %select_n3A_1127 = arith.select %lt3A_1126, %select_n3A_1114, %select_n3A_1106 : vector<256x128xi1>, vector<256x128xf32>
    %select_n3A_1128 = arith.select %lt3A_1126, %select_n3A_1115, %select_n3A_1107 : vector<256x128xi1>, vector<256x128xi32>
    %select_n3A_1129 = arith.select %lt3A_1126, %select_n3A_1106, %select_n3A_1114 : vector<256x128xi1>, vector<256x128xf32>
    %select_n3A_1130 = arith.select %lt3A_1126, %select_n3A_1107, %select_n3A_1115 : vector<256x128xi1>, vector<256x128xi32>
    %lt3A_1131 = arith.cmpf olt, %select_n3A_1127, %select_n3A_1122 : vector<256x128xf32>
    %select_n3A_1132 = arith.select %lt3A_1131, %select_n3A_1127, %select_n3A_1122 : vector<256x128xi1>, vector<256x128xf32>
    %select_n3A_1133 = arith.select %lt3A_1131, %select_n3A_1128, %select_n3A_1123 : vector<256x128xi1>, vector<256x128xi32>
    %select_n3A_1134 = arith.select %lt3A_1131, %select_n3A_1122, %select_n3A_1127 : vector<256x128xi1>, vector<256x128xf32>
    %select_n3A_1135 = arith.select %lt3A_1131, %select_n3A_1123, %select_n3A_1128 : vector<256x128xi1>, vector<256x128xi32>
    %lt3A_1136 = arith.cmpf olt, %select_n3A_1129, %select_n3A_1124 : vector<256x128xf32>
    %select_n3A_1137 = arith.select %lt3A_1136, %select_n3A_1129, %select_n3A_1124 : vector<256x128xi1>, vector<256x128xf32>
    %select_n3A_1138 = arith.select %lt3A_1136, %select_n3A_1130, %select_n3A_1125 : vector<256x128xi1>, vector<256x128xi32>
    %select_n3A_1139 = arith.select %lt3A_1136, %select_n3A_1124, %select_n3A_1129 : vector<256x128xi1>, vector<256x128xf32>
    %select_n3A_1140 = arith.select %lt3A_1136, %select_n3A_1125, %select_n3A_1130 : vector<256x128xi1>, vector<256x128xi32>
    %slice3A_1141 = vector.extract_strided_slice %sub3A_10 {offsets = [0, 6144], sizes = [256, 128], strides = [1, 1]} : vector<256x8192xf32> to vector<256x128xf32>
    %slice3A_1142 = vector.extract_strided_slice %sub3A_10 {offsets = [0, 6272], sizes = [256, 128], strides = [1, 1]} : vector<256x8192xf32> to vector<256x128xf32>
    %slice3A_1143 = vector.extract_strided_slice %sub3A_10 {offsets = [0, 6400], sizes = [256, 128], strides = [1, 1]} : vector<256x8192xf32> to vector<256x128xf32>
    %slice3A_1144 = vector.extract_strided_slice %sub3A_10 {offsets = [0, 6528], sizes = [256, 128], strides = [1, 1]} : vector<256x8192xf32> to vector<256x128xf32>
    %broadcast_in_dim3A_1145 = arith.constant 48 : i32
    %broadcast_in_dim3A_1146 = vector.broadcast %broadcast_in_dim3A_1145 : i32 to vector<1x1xi32>
    %broadcast_in_dim3A_1147 = arith.constant 49 : i32
    %broadcast_in_dim3A_1148 = vector.broadcast %broadcast_in_dim3A_1147 : i32 to vector<1x1xi32>
    %broadcast_in_dim3A_1149 = arith.constant 50 : i32
    %broadcast_in_dim3A_1150 = vector.broadcast %broadcast_in_dim3A_1149 : i32 to vector<1x1xi32>
    %broadcast_in_dim3A_1151 = arith.constant 51 : i32
    %broadcast_in_dim3A_1152 = vector.broadcast %broadcast_in_dim3A_1151 : i32 to vector<1x1xi32>
    %lt3A_1153 = arith.cmpf olt, %slice3A_1142, %slice3A_1141 : vector<256x128xf32>
    %select_n3A_1154 = arith.select %lt3A_1153, %slice3A_1142, %slice3A_1141 : vector<256x128xi1>, vector<256x128xf32>
    %broadcast_in_dim3A_1155 = vector.shape_cast %broadcast_in_dim3A_1148 : vector<1x1xi32> to vector<1x1xi32>
    %broadcast_in_dim3A_1156 = vector.broadcast %broadcast_in_dim3A_1155 : vector<1x1xi32> to vector<256x128xi32>
    %broadcast_in_dim3A_1157 = vector.shape_cast %broadcast_in_dim3A_1146 : vector<1x1xi32> to vector<1x1xi32>
    %broadcast_in_dim3A_1158 = vector.broadcast %broadcast_in_dim3A_1157 : vector<1x1xi32> to vector<256x128xi32>
    %select_n3A_1159 = arith.select %lt3A_1153, %broadcast_in_dim3A_1156, %broadcast_in_dim3A_1158 : vector<256x128xi1>, vector<256x128xi32>
    %select_n3A_1160 = arith.select %lt3A_1153, %slice3A_1141, %slice3A_1142 : vector<256x128xi1>, vector<256x128xf32>
    %broadcast_in_dim3A_1161 = vector.shape_cast %broadcast_in_dim3A_1146 : vector<1x1xi32> to vector<1x1xi32>
    %broadcast_in_dim3A_1162 = vector.broadcast %broadcast_in_dim3A_1161 : vector<1x1xi32> to vector<256x128xi32>
    %broadcast_in_dim3A_1163 = vector.shape_cast %broadcast_in_dim3A_1148 : vector<1x1xi32> to vector<1x1xi32>
    %broadcast_in_dim3A_1164 = vector.broadcast %broadcast_in_dim3A_1163 : vector<1x1xi32> to vector<256x128xi32>
    %select_n3A_1165 = arith.select %lt3A_1153, %broadcast_in_dim3A_1162, %broadcast_in_dim3A_1164 : vector<256x128xi1>, vector<256x128xi32>
    %lt3A_1166 = arith.cmpf olt, %slice3A_1144, %slice3A_1143 : vector<256x128xf32>
    %select_n3A_1167 = arith.select %lt3A_1166, %slice3A_1144, %slice3A_1143 : vector<256x128xi1>, vector<256x128xf32>
    %broadcast_in_dim3A_1168 = vector.shape_cast %broadcast_in_dim3A_1152 : vector<1x1xi32> to vector<1x1xi32>
    %broadcast_in_dim3A_1169 = vector.broadcast %broadcast_in_dim3A_1168 : vector<1x1xi32> to vector<256x128xi32>
    %broadcast_in_dim3A_1170 = vector.shape_cast %broadcast_in_dim3A_1150 : vector<1x1xi32> to vector<1x1xi32>
    %broadcast_in_dim3A_1171 = vector.broadcast %broadcast_in_dim3A_1170 : vector<1x1xi32> to vector<256x128xi32>
    %select_n3A_1172 = arith.select %lt3A_1166, %broadcast_in_dim3A_1169, %broadcast_in_dim3A_1171 : vector<256x128xi1>, vector<256x128xi32>
    %select_n3A_1173 = arith.select %lt3A_1166, %slice3A_1143, %slice3A_1144 : vector<256x128xi1>, vector<256x128xf32>
    %broadcast_in_dim3A_1174 = vector.shape_cast %broadcast_in_dim3A_1150 : vector<1x1xi32> to vector<1x1xi32>
    %broadcast_in_dim3A_1175 = vector.broadcast %broadcast_in_dim3A_1174 : vector<1x1xi32> to vector<256x128xi32>
    %broadcast_in_dim3A_1176 = vector.shape_cast %broadcast_in_dim3A_1152 : vector<1x1xi32> to vector<1x1xi32>
    %broadcast_in_dim3A_1177 = vector.broadcast %broadcast_in_dim3A_1176 : vector<1x1xi32> to vector<256x128xi32>
    %select_n3A_1178 = arith.select %lt3A_1166, %broadcast_in_dim3A_1175, %broadcast_in_dim3A_1177 : vector<256x128xi1>, vector<256x128xi32>
    %lt3A_1179 = arith.cmpf olt, %select_n3A_1167, %select_n3A_1154 : vector<256x128xf32>
    %select_n3A_1180 = arith.select %lt3A_1179, %select_n3A_1167, %select_n3A_1154 : vector<256x128xi1>, vector<256x128xf32>
    %select_n3A_1181 = arith.select %lt3A_1179, %select_n3A_1172, %select_n3A_1159 : vector<256x128xi1>, vector<256x128xi32>
    %select_n3A_1182 = arith.select %lt3A_1179, %select_n3A_1154, %select_n3A_1167 : vector<256x128xi1>, vector<256x128xf32>
    %select_n3A_1183 = arith.select %lt3A_1179, %select_n3A_1159, %select_n3A_1172 : vector<256x128xi1>, vector<256x128xi32>
    %lt3A_1184 = arith.cmpf olt, %select_n3A_1173, %select_n3A_1160 : vector<256x128xf32>
    %select_n3A_1185 = arith.select %lt3A_1184, %select_n3A_1173, %select_n3A_1160 : vector<256x128xi1>, vector<256x128xf32>
    %select_n3A_1186 = arith.select %lt3A_1184, %select_n3A_1178, %select_n3A_1165 : vector<256x128xi1>, vector<256x128xi32>
    %select_n3A_1187 = arith.select %lt3A_1184, %select_n3A_1160, %select_n3A_1173 : vector<256x128xi1>, vector<256x128xf32>
    %select_n3A_1188 = arith.select %lt3A_1184, %select_n3A_1165, %select_n3A_1178 : vector<256x128xi1>, vector<256x128xi32>
    %lt3A_1189 = arith.cmpf olt, %select_n3A_1182, %select_n3A_1185 : vector<256x128xf32>
    %select_n3A_1190 = arith.select %lt3A_1189, %select_n3A_1182, %select_n3A_1185 : vector<256x128xi1>, vector<256x128xf32>
    %select_n3A_1191 = arith.select %lt3A_1189, %select_n3A_1183, %select_n3A_1186 : vector<256x128xi1>, vector<256x128xi32>
    %select_n3A_1192 = arith.select %lt3A_1189, %select_n3A_1185, %select_n3A_1182 : vector<256x128xi1>, vector<256x128xf32>
    %select_n3A_1193 = arith.select %lt3A_1189, %select_n3A_1186, %select_n3A_1183 : vector<256x128xi1>, vector<256x128xi32>
    %lt3A_1194 = arith.cmpf olt, %select_n3A_1187, %select_n3A_1132 : vector<256x128xf32>
    %select_n3A_1195 = arith.select %lt3A_1194, %select_n3A_1187, %select_n3A_1132 : vector<256x128xi1>, vector<256x128xf32>
    %select_n3A_1196 = arith.select %lt3A_1194, %select_n3A_1188, %select_n3A_1133 : vector<256x128xi1>, vector<256x128xi32>
    %select_n3A_1197 = arith.select %lt3A_1194, %select_n3A_1132, %select_n3A_1187 : vector<256x128xi1>, vector<256x128xf32>
    %lt3A_1198 = arith.cmpf olt, %select_n3A_1192, %select_n3A_1134 : vector<256x128xf32>
    %select_n3A_1199 = arith.select %lt3A_1198, %select_n3A_1192, %select_n3A_1134 : vector<256x128xi1>, vector<256x128xf32>
    %select_n3A_1200 = arith.select %lt3A_1198, %select_n3A_1193, %select_n3A_1135 : vector<256x128xi1>, vector<256x128xi32>
    %select_n3A_1201 = arith.select %lt3A_1198, %select_n3A_1134, %select_n3A_1192 : vector<256x128xi1>, vector<256x128xf32>
    %lt3A_1202 = arith.cmpf olt, %select_n3A_1190, %select_n3A_1137 : vector<256x128xf32>
    %select_n3A_1203 = arith.select %lt3A_1202, %select_n3A_1190, %select_n3A_1137 : vector<256x128xi1>, vector<256x128xf32>
    %select_n3A_1204 = arith.select %lt3A_1202, %select_n3A_1191, %select_n3A_1138 : vector<256x128xi1>, vector<256x128xi32>
    %select_n3A_1205 = arith.select %lt3A_1202, %select_n3A_1137, %select_n3A_1190 : vector<256x128xi1>, vector<256x128xf32>
    %lt3A_1206 = arith.cmpf olt, %select_n3A_1180, %select_n3A_1139 : vector<256x128xf32>
    %select_n3A_1207 = arith.select %lt3A_1206, %select_n3A_1180, %select_n3A_1139 : vector<256x128xi1>, vector<256x128xf32>
    %select_n3A_1208 = arith.select %lt3A_1206, %select_n3A_1181, %select_n3A_1140 : vector<256x128xi1>, vector<256x128xi32>
    %select_n3A_1209 = arith.select %lt3A_1206, %select_n3A_1139, %select_n3A_1180 : vector<256x128xi1>, vector<256x128xf32>
    %min3A_1210 = arith.minimumf %select_n3A_1197, %select_n3A_1201 : vector<256x128xf32>
    %min3A_1211 = arith.minimumf %select_n3A_1205, %select_n3A_1209 : vector<256x128xf32>
    %min3A_1212 = arith.minimumf %min3A_1210, %min3A_1211 : vector<256x128xf32>
    %min3A_1213 = arith.minimumf %min3A_1120, %min3A_1212 : vector<256x128xf32>
    %lt3A_1214 = arith.cmpf olt, %select_n3A_1203, %select_n3A_1195 : vector<256x128xf32>
    %select_n3A_1215 = arith.select %lt3A_1214, %select_n3A_1203, %select_n3A_1195 : vector<256x128xi1>, vector<256x128xf32>
    %select_n3A_1216 = arith.select %lt3A_1214, %select_n3A_1204, %select_n3A_1196 : vector<256x128xi1>, vector<256x128xi32>
    %select_n3A_1217 = arith.select %lt3A_1214, %select_n3A_1195, %select_n3A_1203 : vector<256x128xi1>, vector<256x128xf32>
    %select_n3A_1218 = arith.select %lt3A_1214, %select_n3A_1196, %select_n3A_1204 : vector<256x128xi1>, vector<256x128xi32>
    %lt3A_1219 = arith.cmpf olt, %select_n3A_1207, %select_n3A_1199 : vector<256x128xf32>
    %select_n3A_1220 = arith.select %lt3A_1219, %select_n3A_1207, %select_n3A_1199 : vector<256x128xi1>, vector<256x128xf32>
    %select_n3A_1221 = arith.select %lt3A_1219, %select_n3A_1208, %select_n3A_1200 : vector<256x128xi1>, vector<256x128xi32>
    %select_n3A_1222 = arith.select %lt3A_1219, %select_n3A_1199, %select_n3A_1207 : vector<256x128xi1>, vector<256x128xf32>
    %select_n3A_1223 = arith.select %lt3A_1219, %select_n3A_1200, %select_n3A_1208 : vector<256x128xi1>, vector<256x128xi32>
    %lt3A_1224 = arith.cmpf olt, %select_n3A_1220, %select_n3A_1215 : vector<256x128xf32>
    %select_n3A_1225 = arith.select %lt3A_1224, %select_n3A_1220, %select_n3A_1215 : vector<256x128xi1>, vector<256x128xf32>
    %select_n3A_1226 = arith.select %lt3A_1224, %select_n3A_1221, %select_n3A_1216 : vector<256x128xi1>, vector<256x128xi32>
    %select_n3A_1227 = arith.select %lt3A_1224, %select_n3A_1215, %select_n3A_1220 : vector<256x128xi1>, vector<256x128xf32>
    %select_n3A_1228 = arith.select %lt3A_1224, %select_n3A_1216, %select_n3A_1221 : vector<256x128xi1>, vector<256x128xi32>
    %lt3A_1229 = arith.cmpf olt, %select_n3A_1222, %select_n3A_1217 : vector<256x128xf32>
    %select_n3A_1230 = arith.select %lt3A_1229, %select_n3A_1222, %select_n3A_1217 : vector<256x128xi1>, vector<256x128xf32>
    %select_n3A_1231 = arith.select %lt3A_1229, %select_n3A_1223, %select_n3A_1218 : vector<256x128xi1>, vector<256x128xi32>
    %select_n3A_1232 = arith.select %lt3A_1229, %select_n3A_1217, %select_n3A_1222 : vector<256x128xi1>, vector<256x128xf32>
    %select_n3A_1233 = arith.select %lt3A_1229, %select_n3A_1218, %select_n3A_1223 : vector<256x128xi1>, vector<256x128xi32>
    %slice3A_1234 = vector.extract_strided_slice %sub3A_10 {offsets = [0, 6656], sizes = [256, 128], strides = [1, 1]} : vector<256x8192xf32> to vector<256x128xf32>
    %slice3A_1235 = vector.extract_strided_slice %sub3A_10 {offsets = [0, 6784], sizes = [256, 128], strides = [1, 1]} : vector<256x8192xf32> to vector<256x128xf32>
    %slice3A_1236 = vector.extract_strided_slice %sub3A_10 {offsets = [0, 6912], sizes = [256, 128], strides = [1, 1]} : vector<256x8192xf32> to vector<256x128xf32>
    %slice3A_1237 = vector.extract_strided_slice %sub3A_10 {offsets = [0, 7040], sizes = [256, 128], strides = [1, 1]} : vector<256x8192xf32> to vector<256x128xf32>
    %broadcast_in_dim3A_1238 = arith.constant 52 : i32
    %broadcast_in_dim3A_1239 = vector.broadcast %broadcast_in_dim3A_1238 : i32 to vector<1x1xi32>
    %broadcast_in_dim3A_1240 = arith.constant 53 : i32
    %broadcast_in_dim3A_1241 = vector.broadcast %broadcast_in_dim3A_1240 : i32 to vector<1x1xi32>
    %broadcast_in_dim3A_1242 = arith.constant 54 : i32
    %broadcast_in_dim3A_1243 = vector.broadcast %broadcast_in_dim3A_1242 : i32 to vector<1x1xi32>
    %broadcast_in_dim3A_1244 = arith.constant 55 : i32
    %broadcast_in_dim3A_1245 = vector.broadcast %broadcast_in_dim3A_1244 : i32 to vector<1x1xi32>
    %lt3A_1246 = arith.cmpf olt, %slice3A_1235, %slice3A_1234 : vector<256x128xf32>
    %select_n3A_1247 = arith.select %lt3A_1246, %slice3A_1235, %slice3A_1234 : vector<256x128xi1>, vector<256x128xf32>
    %broadcast_in_dim3A_1248 = vector.shape_cast %broadcast_in_dim3A_1241 : vector<1x1xi32> to vector<1x1xi32>
    %broadcast_in_dim3A_1249 = vector.broadcast %broadcast_in_dim3A_1248 : vector<1x1xi32> to vector<256x128xi32>
    %broadcast_in_dim3A_1250 = vector.shape_cast %broadcast_in_dim3A_1239 : vector<1x1xi32> to vector<1x1xi32>
    %broadcast_in_dim3A_1251 = vector.broadcast %broadcast_in_dim3A_1250 : vector<1x1xi32> to vector<256x128xi32>
    %select_n3A_1252 = arith.select %lt3A_1246, %broadcast_in_dim3A_1249, %broadcast_in_dim3A_1251 : vector<256x128xi1>, vector<256x128xi32>
    %select_n3A_1253 = arith.select %lt3A_1246, %slice3A_1234, %slice3A_1235 : vector<256x128xi1>, vector<256x128xf32>
    %broadcast_in_dim3A_1254 = vector.shape_cast %broadcast_in_dim3A_1239 : vector<1x1xi32> to vector<1x1xi32>
    %broadcast_in_dim3A_1255 = vector.broadcast %broadcast_in_dim3A_1254 : vector<1x1xi32> to vector<256x128xi32>
    %broadcast_in_dim3A_1256 = vector.shape_cast %broadcast_in_dim3A_1241 : vector<1x1xi32> to vector<1x1xi32>
    %broadcast_in_dim3A_1257 = vector.broadcast %broadcast_in_dim3A_1256 : vector<1x1xi32> to vector<256x128xi32>
    %select_n3A_1258 = arith.select %lt3A_1246, %broadcast_in_dim3A_1255, %broadcast_in_dim3A_1257 : vector<256x128xi1>, vector<256x128xi32>
    %lt3A_1259 = arith.cmpf olt, %slice3A_1237, %slice3A_1236 : vector<256x128xf32>
    %select_n3A_1260 = arith.select %lt3A_1259, %slice3A_1237, %slice3A_1236 : vector<256x128xi1>, vector<256x128xf32>
    %broadcast_in_dim3A_1261 = vector.shape_cast %broadcast_in_dim3A_1245 : vector<1x1xi32> to vector<1x1xi32>
    %broadcast_in_dim3A_1262 = vector.broadcast %broadcast_in_dim3A_1261 : vector<1x1xi32> to vector<256x128xi32>
    %broadcast_in_dim3A_1263 = vector.shape_cast %broadcast_in_dim3A_1243 : vector<1x1xi32> to vector<1x1xi32>
    %broadcast_in_dim3A_1264 = vector.broadcast %broadcast_in_dim3A_1263 : vector<1x1xi32> to vector<256x128xi32>
    %select_n3A_1265 = arith.select %lt3A_1259, %broadcast_in_dim3A_1262, %broadcast_in_dim3A_1264 : vector<256x128xi1>, vector<256x128xi32>
    %select_n3A_1266 = arith.select %lt3A_1259, %slice3A_1236, %slice3A_1237 : vector<256x128xi1>, vector<256x128xf32>
    %broadcast_in_dim3A_1267 = vector.shape_cast %broadcast_in_dim3A_1243 : vector<1x1xi32> to vector<1x1xi32>
    %broadcast_in_dim3A_1268 = vector.broadcast %broadcast_in_dim3A_1267 : vector<1x1xi32> to vector<256x128xi32>
    %broadcast_in_dim3A_1269 = vector.shape_cast %broadcast_in_dim3A_1245 : vector<1x1xi32> to vector<1x1xi32>
    %broadcast_in_dim3A_1270 = vector.broadcast %broadcast_in_dim3A_1269 : vector<1x1xi32> to vector<256x128xi32>
    %select_n3A_1271 = arith.select %lt3A_1259, %broadcast_in_dim3A_1268, %broadcast_in_dim3A_1270 : vector<256x128xi1>, vector<256x128xi32>
    %lt3A_1272 = arith.cmpf olt, %select_n3A_1260, %select_n3A_1247 : vector<256x128xf32>
    %select_n3A_1273 = arith.select %lt3A_1272, %select_n3A_1260, %select_n3A_1247 : vector<256x128xi1>, vector<256x128xf32>
    %select_n3A_1274 = arith.select %lt3A_1272, %select_n3A_1265, %select_n3A_1252 : vector<256x128xi1>, vector<256x128xi32>
    %select_n3A_1275 = arith.select %lt3A_1272, %select_n3A_1247, %select_n3A_1260 : vector<256x128xi1>, vector<256x128xf32>
    %select_n3A_1276 = arith.select %lt3A_1272, %select_n3A_1252, %select_n3A_1265 : vector<256x128xi1>, vector<256x128xi32>
    %lt3A_1277 = arith.cmpf olt, %select_n3A_1266, %select_n3A_1253 : vector<256x128xf32>
    %select_n3A_1278 = arith.select %lt3A_1277, %select_n3A_1266, %select_n3A_1253 : vector<256x128xi1>, vector<256x128xf32>
    %select_n3A_1279 = arith.select %lt3A_1277, %select_n3A_1271, %select_n3A_1258 : vector<256x128xi1>, vector<256x128xi32>
    %select_n3A_1280 = arith.select %lt3A_1277, %select_n3A_1253, %select_n3A_1266 : vector<256x128xi1>, vector<256x128xf32>
    %select_n3A_1281 = arith.select %lt3A_1277, %select_n3A_1258, %select_n3A_1271 : vector<256x128xi1>, vector<256x128xi32>
    %lt3A_1282 = arith.cmpf olt, %select_n3A_1275, %select_n3A_1278 : vector<256x128xf32>
    %select_n3A_1283 = arith.select %lt3A_1282, %select_n3A_1275, %select_n3A_1278 : vector<256x128xi1>, vector<256x128xf32>
    %select_n3A_1284 = arith.select %lt3A_1282, %select_n3A_1276, %select_n3A_1279 : vector<256x128xi1>, vector<256x128xi32>
    %select_n3A_1285 = arith.select %lt3A_1282, %select_n3A_1278, %select_n3A_1275 : vector<256x128xi1>, vector<256x128xf32>
    %select_n3A_1286 = arith.select %lt3A_1282, %select_n3A_1279, %select_n3A_1276 : vector<256x128xi1>, vector<256x128xi32>
    %lt3A_1287 = arith.cmpf olt, %select_n3A_1280, %select_n3A_1225 : vector<256x128xf32>
    %select_n3A_1288 = arith.select %lt3A_1287, %select_n3A_1280, %select_n3A_1225 : vector<256x128xi1>, vector<256x128xf32>
    %select_n3A_1289 = arith.select %lt3A_1287, %select_n3A_1281, %select_n3A_1226 : vector<256x128xi1>, vector<256x128xi32>
    %select_n3A_1290 = arith.select %lt3A_1287, %select_n3A_1225, %select_n3A_1280 : vector<256x128xi1>, vector<256x128xf32>
    %lt3A_1291 = arith.cmpf olt, %select_n3A_1285, %select_n3A_1227 : vector<256x128xf32>
    %select_n3A_1292 = arith.select %lt3A_1291, %select_n3A_1285, %select_n3A_1227 : vector<256x128xi1>, vector<256x128xf32>
    %select_n3A_1293 = arith.select %lt3A_1291, %select_n3A_1286, %select_n3A_1228 : vector<256x128xi1>, vector<256x128xi32>
    %select_n3A_1294 = arith.select %lt3A_1291, %select_n3A_1227, %select_n3A_1285 : vector<256x128xi1>, vector<256x128xf32>
    %lt3A_1295 = arith.cmpf olt, %select_n3A_1283, %select_n3A_1230 : vector<256x128xf32>
    %select_n3A_1296 = arith.select %lt3A_1295, %select_n3A_1283, %select_n3A_1230 : vector<256x128xi1>, vector<256x128xf32>
    %select_n3A_1297 = arith.select %lt3A_1295, %select_n3A_1284, %select_n3A_1231 : vector<256x128xi1>, vector<256x128xi32>
    %select_n3A_1298 = arith.select %lt3A_1295, %select_n3A_1230, %select_n3A_1283 : vector<256x128xi1>, vector<256x128xf32>
    %lt3A_1299 = arith.cmpf olt, %select_n3A_1273, %select_n3A_1232 : vector<256x128xf32>
    %select_n3A_1300 = arith.select %lt3A_1299, %select_n3A_1273, %select_n3A_1232 : vector<256x128xi1>, vector<256x128xf32>
    %select_n3A_1301 = arith.select %lt3A_1299, %select_n3A_1274, %select_n3A_1233 : vector<256x128xi1>, vector<256x128xi32>
    %select_n3A_1302 = arith.select %lt3A_1299, %select_n3A_1232, %select_n3A_1273 : vector<256x128xi1>, vector<256x128xf32>
    %min3A_1303 = arith.minimumf %select_n3A_1290, %select_n3A_1294 : vector<256x128xf32>
    %min3A_1304 = arith.minimumf %select_n3A_1298, %select_n3A_1302 : vector<256x128xf32>
    %min3A_1305 = arith.minimumf %min3A_1303, %min3A_1304 : vector<256x128xf32>
    %min3A_1306 = arith.minimumf %min3A_1213, %min3A_1305 : vector<256x128xf32>
    %lt3A_1307 = arith.cmpf olt, %select_n3A_1296, %select_n3A_1288 : vector<256x128xf32>
    %select_n3A_1308 = arith.select %lt3A_1307, %select_n3A_1296, %select_n3A_1288 : vector<256x128xi1>, vector<256x128xf32>
    %select_n3A_1309 = arith.select %lt3A_1307, %select_n3A_1297, %select_n3A_1289 : vector<256x128xi1>, vector<256x128xi32>
    %select_n3A_1310 = arith.select %lt3A_1307, %select_n3A_1288, %select_n3A_1296 : vector<256x128xi1>, vector<256x128xf32>
    %select_n3A_1311 = arith.select %lt3A_1307, %select_n3A_1289, %select_n3A_1297 : vector<256x128xi1>, vector<256x128xi32>
    %lt3A_1312 = arith.cmpf olt, %select_n3A_1300, %select_n3A_1292 : vector<256x128xf32>
    %select_n3A_1313 = arith.select %lt3A_1312, %select_n3A_1300, %select_n3A_1292 : vector<256x128xi1>, vector<256x128xf32>
    %select_n3A_1314 = arith.select %lt3A_1312, %select_n3A_1301, %select_n3A_1293 : vector<256x128xi1>, vector<256x128xi32>
    %select_n3A_1315 = arith.select %lt3A_1312, %select_n3A_1292, %select_n3A_1300 : vector<256x128xi1>, vector<256x128xf32>
    %select_n3A_1316 = arith.select %lt3A_1312, %select_n3A_1293, %select_n3A_1301 : vector<256x128xi1>, vector<256x128xi32>
    %lt3A_1317 = arith.cmpf olt, %select_n3A_1313, %select_n3A_1308 : vector<256x128xf32>
    %select_n3A_1318 = arith.select %lt3A_1317, %select_n3A_1313, %select_n3A_1308 : vector<256x128xi1>, vector<256x128xf32>
    %select_n3A_1319 = arith.select %lt3A_1317, %select_n3A_1314, %select_n3A_1309 : vector<256x128xi1>, vector<256x128xi32>
    %select_n3A_1320 = arith.select %lt3A_1317, %select_n3A_1308, %select_n3A_1313 : vector<256x128xi1>, vector<256x128xf32>
    %select_n3A_1321 = arith.select %lt3A_1317, %select_n3A_1309, %select_n3A_1314 : vector<256x128xi1>, vector<256x128xi32>
    %lt3A_1322 = arith.cmpf olt, %select_n3A_1315, %select_n3A_1310 : vector<256x128xf32>
    %select_n3A_1323 = arith.select %lt3A_1322, %select_n3A_1315, %select_n3A_1310 : vector<256x128xi1>, vector<256x128xf32>
    %select_n3A_1324 = arith.select %lt3A_1322, %select_n3A_1316, %select_n3A_1311 : vector<256x128xi1>, vector<256x128xi32>
    %select_n3A_1325 = arith.select %lt3A_1322, %select_n3A_1310, %select_n3A_1315 : vector<256x128xi1>, vector<256x128xf32>
    %select_n3A_1326 = arith.select %lt3A_1322, %select_n3A_1311, %select_n3A_1316 : vector<256x128xi1>, vector<256x128xi32>
    %slice3A_1327 = vector.extract_strided_slice %sub3A_10 {offsets = [0, 7168], sizes = [256, 128], strides = [1, 1]} : vector<256x8192xf32> to vector<256x128xf32>
    %slice3A_1328 = vector.extract_strided_slice %sub3A_10 {offsets = [0, 7296], sizes = [256, 128], strides = [1, 1]} : vector<256x8192xf32> to vector<256x128xf32>
    %slice3A_1329 = vector.extract_strided_slice %sub3A_10 {offsets = [0, 7424], sizes = [256, 128], strides = [1, 1]} : vector<256x8192xf32> to vector<256x128xf32>
    %slice3A_1330 = vector.extract_strided_slice %sub3A_10 {offsets = [0, 7552], sizes = [256, 128], strides = [1, 1]} : vector<256x8192xf32> to vector<256x128xf32>
    %broadcast_in_dim3A_1331 = arith.constant 56 : i32
    %broadcast_in_dim3A_1332 = vector.broadcast %broadcast_in_dim3A_1331 : i32 to vector<1x1xi32>
    %broadcast_in_dim3A_1333 = arith.constant 57 : i32
    %broadcast_in_dim3A_1334 = vector.broadcast %broadcast_in_dim3A_1333 : i32 to vector<1x1xi32>
    %broadcast_in_dim3A_1335 = arith.constant 58 : i32
    %broadcast_in_dim3A_1336 = vector.broadcast %broadcast_in_dim3A_1335 : i32 to vector<1x1xi32>
    %broadcast_in_dim3A_1337 = arith.constant 59 : i32
    %broadcast_in_dim3A_1338 = vector.broadcast %broadcast_in_dim3A_1337 : i32 to vector<1x1xi32>
    %lt3A_1339 = arith.cmpf olt, %slice3A_1328, %slice3A_1327 : vector<256x128xf32>
    %select_n3A_1340 = arith.select %lt3A_1339, %slice3A_1328, %slice3A_1327 : vector<256x128xi1>, vector<256x128xf32>
    %broadcast_in_dim3A_1341 = vector.shape_cast %broadcast_in_dim3A_1334 : vector<1x1xi32> to vector<1x1xi32>
    %broadcast_in_dim3A_1342 = vector.broadcast %broadcast_in_dim3A_1341 : vector<1x1xi32> to vector<256x128xi32>
    %broadcast_in_dim3A_1343 = vector.shape_cast %broadcast_in_dim3A_1332 : vector<1x1xi32> to vector<1x1xi32>
    %broadcast_in_dim3A_1344 = vector.broadcast %broadcast_in_dim3A_1343 : vector<1x1xi32> to vector<256x128xi32>
    %select_n3A_1345 = arith.select %lt3A_1339, %broadcast_in_dim3A_1342, %broadcast_in_dim3A_1344 : vector<256x128xi1>, vector<256x128xi32>
    %select_n3A_1346 = arith.select %lt3A_1339, %slice3A_1327, %slice3A_1328 : vector<256x128xi1>, vector<256x128xf32>
    %broadcast_in_dim3A_1347 = vector.shape_cast %broadcast_in_dim3A_1332 : vector<1x1xi32> to vector<1x1xi32>
    %broadcast_in_dim3A_1348 = vector.broadcast %broadcast_in_dim3A_1347 : vector<1x1xi32> to vector<256x128xi32>
    %broadcast_in_dim3A_1349 = vector.shape_cast %broadcast_in_dim3A_1334 : vector<1x1xi32> to vector<1x1xi32>
    %broadcast_in_dim3A_1350 = vector.broadcast %broadcast_in_dim3A_1349 : vector<1x1xi32> to vector<256x128xi32>
    %select_n3A_1351 = arith.select %lt3A_1339, %broadcast_in_dim3A_1348, %broadcast_in_dim3A_1350 : vector<256x128xi1>, vector<256x128xi32>
    %lt3A_1352 = arith.cmpf olt, %slice3A_1330, %slice3A_1329 : vector<256x128xf32>
    %select_n3A_1353 = arith.select %lt3A_1352, %slice3A_1330, %slice3A_1329 : vector<256x128xi1>, vector<256x128xf32>
    %broadcast_in_dim3A_1354 = vector.shape_cast %broadcast_in_dim3A_1338 : vector<1x1xi32> to vector<1x1xi32>
    %broadcast_in_dim3A_1355 = vector.broadcast %broadcast_in_dim3A_1354 : vector<1x1xi32> to vector<256x128xi32>
    %broadcast_in_dim3A_1356 = vector.shape_cast %broadcast_in_dim3A_1336 : vector<1x1xi32> to vector<1x1xi32>
    %broadcast_in_dim3A_1357 = vector.broadcast %broadcast_in_dim3A_1356 : vector<1x1xi32> to vector<256x128xi32>
    %select_n3A_1358 = arith.select %lt3A_1352, %broadcast_in_dim3A_1355, %broadcast_in_dim3A_1357 : vector<256x128xi1>, vector<256x128xi32>
    %select_n3A_1359 = arith.select %lt3A_1352, %slice3A_1329, %slice3A_1330 : vector<256x128xi1>, vector<256x128xf32>
    %broadcast_in_dim3A_1360 = vector.shape_cast %broadcast_in_dim3A_1336 : vector<1x1xi32> to vector<1x1xi32>
    %broadcast_in_dim3A_1361 = vector.broadcast %broadcast_in_dim3A_1360 : vector<1x1xi32> to vector<256x128xi32>
    %broadcast_in_dim3A_1362 = vector.shape_cast %broadcast_in_dim3A_1338 : vector<1x1xi32> to vector<1x1xi32>
    %broadcast_in_dim3A_1363 = vector.broadcast %broadcast_in_dim3A_1362 : vector<1x1xi32> to vector<256x128xi32>
    %select_n3A_1364 = arith.select %lt3A_1352, %broadcast_in_dim3A_1361, %broadcast_in_dim3A_1363 : vector<256x128xi1>, vector<256x128xi32>
    %lt3A_1365 = arith.cmpf olt, %select_n3A_1353, %select_n3A_1340 : vector<256x128xf32>
    %select_n3A_1366 = arith.select %lt3A_1365, %select_n3A_1353, %select_n3A_1340 : vector<256x128xi1>, vector<256x128xf32>
    %select_n3A_1367 = arith.select %lt3A_1365, %select_n3A_1358, %select_n3A_1345 : vector<256x128xi1>, vector<256x128xi32>
    %select_n3A_1368 = arith.select %lt3A_1365, %select_n3A_1340, %select_n3A_1353 : vector<256x128xi1>, vector<256x128xf32>
    %select_n3A_1369 = arith.select %lt3A_1365, %select_n3A_1345, %select_n3A_1358 : vector<256x128xi1>, vector<256x128xi32>
    %lt3A_1370 = arith.cmpf olt, %select_n3A_1359, %select_n3A_1346 : vector<256x128xf32>
    %select_n3A_1371 = arith.select %lt3A_1370, %select_n3A_1359, %select_n3A_1346 : vector<256x128xi1>, vector<256x128xf32>
    %select_n3A_1372 = arith.select %lt3A_1370, %select_n3A_1364, %select_n3A_1351 : vector<256x128xi1>, vector<256x128xi32>
    %select_n3A_1373 = arith.select %lt3A_1370, %select_n3A_1346, %select_n3A_1359 : vector<256x128xi1>, vector<256x128xf32>
    %select_n3A_1374 = arith.select %lt3A_1370, %select_n3A_1351, %select_n3A_1364 : vector<256x128xi1>, vector<256x128xi32>
    %lt3A_1375 = arith.cmpf olt, %select_n3A_1368, %select_n3A_1371 : vector<256x128xf32>
    %select_n3A_1376 = arith.select %lt3A_1375, %select_n3A_1368, %select_n3A_1371 : vector<256x128xi1>, vector<256x128xf32>
    %select_n3A_1377 = arith.select %lt3A_1375, %select_n3A_1369, %select_n3A_1372 : vector<256x128xi1>, vector<256x128xi32>
    %select_n3A_1378 = arith.select %lt3A_1375, %select_n3A_1371, %select_n3A_1368 : vector<256x128xi1>, vector<256x128xf32>
    %select_n3A_1379 = arith.select %lt3A_1375, %select_n3A_1372, %select_n3A_1369 : vector<256x128xi1>, vector<256x128xi32>
    %lt3A_1380 = arith.cmpf olt, %select_n3A_1373, %select_n3A_1318 : vector<256x128xf32>
    %select_n3A_1381 = arith.select %lt3A_1380, %select_n3A_1373, %select_n3A_1318 : vector<256x128xi1>, vector<256x128xf32>
    %select_n3A_1382 = arith.select %lt3A_1380, %select_n3A_1374, %select_n3A_1319 : vector<256x128xi1>, vector<256x128xi32>
    %select_n3A_1383 = arith.select %lt3A_1380, %select_n3A_1318, %select_n3A_1373 : vector<256x128xi1>, vector<256x128xf32>
    %lt3A_1384 = arith.cmpf olt, %select_n3A_1378, %select_n3A_1320 : vector<256x128xf32>
    %select_n3A_1385 = arith.select %lt3A_1384, %select_n3A_1378, %select_n3A_1320 : vector<256x128xi1>, vector<256x128xf32>
    %select_n3A_1386 = arith.select %lt3A_1384, %select_n3A_1379, %select_n3A_1321 : vector<256x128xi1>, vector<256x128xi32>
    %select_n3A_1387 = arith.select %lt3A_1384, %select_n3A_1320, %select_n3A_1378 : vector<256x128xi1>, vector<256x128xf32>
    %lt3A_1388 = arith.cmpf olt, %select_n3A_1376, %select_n3A_1323 : vector<256x128xf32>
    %select_n3A_1389 = arith.select %lt3A_1388, %select_n3A_1376, %select_n3A_1323 : vector<256x128xi1>, vector<256x128xf32>
    %select_n3A_1390 = arith.select %lt3A_1388, %select_n3A_1377, %select_n3A_1324 : vector<256x128xi1>, vector<256x128xi32>
    %select_n3A_1391 = arith.select %lt3A_1388, %select_n3A_1323, %select_n3A_1376 : vector<256x128xi1>, vector<256x128xf32>
    %lt3A_1392 = arith.cmpf olt, %select_n3A_1366, %select_n3A_1325 : vector<256x128xf32>
    %select_n3A_1393 = arith.select %lt3A_1392, %select_n3A_1366, %select_n3A_1325 : vector<256x128xi1>, vector<256x128xf32>
    %select_n3A_1394 = arith.select %lt3A_1392, %select_n3A_1367, %select_n3A_1326 : vector<256x128xi1>, vector<256x128xi32>
    %select_n3A_1395 = arith.select %lt3A_1392, %select_n3A_1325, %select_n3A_1366 : vector<256x128xi1>, vector<256x128xf32>
    %min3A_1396 = arith.minimumf %select_n3A_1383, %select_n3A_1387 : vector<256x128xf32>
    %min3A_1397 = arith.minimumf %select_n3A_1391, %select_n3A_1395 : vector<256x128xf32>
    %min3A_1398 = arith.minimumf %min3A_1396, %min3A_1397 : vector<256x128xf32>
    %min3A_1399 = arith.minimumf %min3A_1306, %min3A_1398 : vector<256x128xf32>
    %lt3A_1400 = arith.cmpf olt, %select_n3A_1389, %select_n3A_1381 : vector<256x128xf32>
    %select_n3A_1401 = arith.select %lt3A_1400, %select_n3A_1389, %select_n3A_1381 : vector<256x128xi1>, vector<256x128xf32>
    %select_n3A_1402 = arith.select %lt3A_1400, %select_n3A_1390, %select_n3A_1382 : vector<256x128xi1>, vector<256x128xi32>
    %select_n3A_1403 = arith.select %lt3A_1400, %select_n3A_1381, %select_n3A_1389 : vector<256x128xi1>, vector<256x128xf32>
    %select_n3A_1404 = arith.select %lt3A_1400, %select_n3A_1382, %select_n3A_1390 : vector<256x128xi1>, vector<256x128xi32>
    %lt3A_1405 = arith.cmpf olt, %select_n3A_1393, %select_n3A_1385 : vector<256x128xf32>
    %select_n3A_1406 = arith.select %lt3A_1405, %select_n3A_1393, %select_n3A_1385 : vector<256x128xi1>, vector<256x128xf32>
    %select_n3A_1407 = arith.select %lt3A_1405, %select_n3A_1394, %select_n3A_1386 : vector<256x128xi1>, vector<256x128xi32>
    %select_n3A_1408 = arith.select %lt3A_1405, %select_n3A_1385, %select_n3A_1393 : vector<256x128xi1>, vector<256x128xf32>
    %select_n3A_1409 = arith.select %lt3A_1405, %select_n3A_1386, %select_n3A_1394 : vector<256x128xi1>, vector<256x128xi32>
    %lt3A_1410 = arith.cmpf olt, %select_n3A_1406, %select_n3A_1401 : vector<256x128xf32>
    %select_n3A_1411 = arith.select %lt3A_1410, %select_n3A_1406, %select_n3A_1401 : vector<256x128xi1>, vector<256x128xf32>
    %select_n3A_1412 = arith.select %lt3A_1410, %select_n3A_1407, %select_n3A_1402 : vector<256x128xi1>, vector<256x128xi32>
    %select_n3A_1413 = arith.select %lt3A_1410, %select_n3A_1401, %select_n3A_1406 : vector<256x128xi1>, vector<256x128xf32>
    %select_n3A_1414 = arith.select %lt3A_1410, %select_n3A_1402, %select_n3A_1407 : vector<256x128xi1>, vector<256x128xi32>
    %lt3A_1415 = arith.cmpf olt, %select_n3A_1408, %select_n3A_1403 : vector<256x128xf32>
    %select_n3A_1416 = arith.select %lt3A_1415, %select_n3A_1408, %select_n3A_1403 : vector<256x128xi1>, vector<256x128xf32>
    %select_n3A_1417 = arith.select %lt3A_1415, %select_n3A_1409, %select_n3A_1404 : vector<256x128xi1>, vector<256x128xi32>
    %select_n3A_1418 = arith.select %lt3A_1415, %select_n3A_1403, %select_n3A_1408 : vector<256x128xi1>, vector<256x128xf32>
    %select_n3A_1419 = arith.select %lt3A_1415, %select_n3A_1404, %select_n3A_1409 : vector<256x128xi1>, vector<256x128xi32>
    %slice3A_1420 = vector.extract_strided_slice %sub3A_10 {offsets = [0, 7680], sizes = [256, 128], strides = [1, 1]} : vector<256x8192xf32> to vector<256x128xf32>
    %slice3A_1421 = vector.extract_strided_slice %sub3A_10 {offsets = [0, 7808], sizes = [256, 128], strides = [1, 1]} : vector<256x8192xf32> to vector<256x128xf32>
    %slice3A_1422 = vector.extract_strided_slice %sub3A_10 {offsets = [0, 7936], sizes = [256, 128], strides = [1, 1]} : vector<256x8192xf32> to vector<256x128xf32>
    %slice3A_1423 = vector.extract_strided_slice %sub3A_10 {offsets = [0, 8064], sizes = [256, 128], strides = [1, 1]} : vector<256x8192xf32> to vector<256x128xf32>
    %broadcast_in_dim3A_1424 = arith.constant 60 : i32
    %broadcast_in_dim3A_1425 = vector.broadcast %broadcast_in_dim3A_1424 : i32 to vector<1x1xi32>
    %broadcast_in_dim3A_1426 = arith.constant 61 : i32
    %broadcast_in_dim3A_1427 = vector.broadcast %broadcast_in_dim3A_1426 : i32 to vector<1x1xi32>
    %broadcast_in_dim3A_1428 = arith.constant 62 : i32
    %broadcast_in_dim3A_1429 = vector.broadcast %broadcast_in_dim3A_1428 : i32 to vector<1x1xi32>
    %broadcast_in_dim3A_1430 = arith.constant 63 : i32
    %broadcast_in_dim3A_1431 = vector.broadcast %broadcast_in_dim3A_1430 : i32 to vector<1x1xi32>
    %lt3A_1432 = arith.cmpf olt, %slice3A_1421, %slice3A_1420 : vector<256x128xf32>
    %select_n3A_1433 = arith.select %lt3A_1432, %slice3A_1421, %slice3A_1420 : vector<256x128xi1>, vector<256x128xf32>
    %broadcast_in_dim3A_1434 = vector.shape_cast %broadcast_in_dim3A_1427 : vector<1x1xi32> to vector<1x1xi32>
    %broadcast_in_dim3A_1435 = vector.broadcast %broadcast_in_dim3A_1434 : vector<1x1xi32> to vector<256x128xi32>
    %broadcast_in_dim3A_1436 = vector.shape_cast %broadcast_in_dim3A_1425 : vector<1x1xi32> to vector<1x1xi32>
    %broadcast_in_dim3A_1437 = vector.broadcast %broadcast_in_dim3A_1436 : vector<1x1xi32> to vector<256x128xi32>
    %select_n3A_1438 = arith.select %lt3A_1432, %broadcast_in_dim3A_1435, %broadcast_in_dim3A_1437 : vector<256x128xi1>, vector<256x128xi32>
    %select_n3A_1439 = arith.select %lt3A_1432, %slice3A_1420, %slice3A_1421 : vector<256x128xi1>, vector<256x128xf32>
    %broadcast_in_dim3A_1440 = vector.shape_cast %broadcast_in_dim3A_1425 : vector<1x1xi32> to vector<1x1xi32>
    %broadcast_in_dim3A_1441 = vector.broadcast %broadcast_in_dim3A_1440 : vector<1x1xi32> to vector<256x128xi32>
    %broadcast_in_dim3A_1442 = vector.shape_cast %broadcast_in_dim3A_1427 : vector<1x1xi32> to vector<1x1xi32>
    %broadcast_in_dim3A_1443 = vector.broadcast %broadcast_in_dim3A_1442 : vector<1x1xi32> to vector<256x128xi32>
    %select_n3A_1444 = arith.select %lt3A_1432, %broadcast_in_dim3A_1441, %broadcast_in_dim3A_1443 : vector<256x128xi1>, vector<256x128xi32>
    %lt3A_1445 = arith.cmpf olt, %slice3A_1423, %slice3A_1422 : vector<256x128xf32>
    %select_n3A_1446 = arith.select %lt3A_1445, %slice3A_1423, %slice3A_1422 : vector<256x128xi1>, vector<256x128xf32>
    %broadcast_in_dim3A_1447 = vector.shape_cast %broadcast_in_dim3A_1431 : vector<1x1xi32> to vector<1x1xi32>
    %broadcast_in_dim3A_1448 = vector.broadcast %broadcast_in_dim3A_1447 : vector<1x1xi32> to vector<256x128xi32>
    %broadcast_in_dim3A_1449 = vector.shape_cast %broadcast_in_dim3A_1429 : vector<1x1xi32> to vector<1x1xi32>
    %broadcast_in_dim3A_1450 = vector.broadcast %broadcast_in_dim3A_1449 : vector<1x1xi32> to vector<256x128xi32>
    %select_n3A_1451 = arith.select %lt3A_1445, %broadcast_in_dim3A_1448, %broadcast_in_dim3A_1450 : vector<256x128xi1>, vector<256x128xi32>
    %select_n3A_1452 = arith.select %lt3A_1445, %slice3A_1422, %slice3A_1423 : vector<256x128xi1>, vector<256x128xf32>
    %broadcast_in_dim3A_1453 = vector.shape_cast %broadcast_in_dim3A_1429 : vector<1x1xi32> to vector<1x1xi32>
    %broadcast_in_dim3A_1454 = vector.broadcast %broadcast_in_dim3A_1453 : vector<1x1xi32> to vector<256x128xi32>
    %broadcast_in_dim3A_1455 = vector.shape_cast %broadcast_in_dim3A_1431 : vector<1x1xi32> to vector<1x1xi32>
    %broadcast_in_dim3A_1456 = vector.broadcast %broadcast_in_dim3A_1455 : vector<1x1xi32> to vector<256x128xi32>
    %select_n3A_1457 = arith.select %lt3A_1445, %broadcast_in_dim3A_1454, %broadcast_in_dim3A_1456 : vector<256x128xi1>, vector<256x128xi32>
    %lt3A_1458 = arith.cmpf olt, %select_n3A_1446, %select_n3A_1433 : vector<256x128xf32>
    %select_n3A_1459 = arith.select %lt3A_1458, %select_n3A_1446, %select_n3A_1433 : vector<256x128xi1>, vector<256x128xf32>
    %select_n3A_1460 = arith.select %lt3A_1458, %select_n3A_1451, %select_n3A_1438 : vector<256x128xi1>, vector<256x128xi32>
    %select_n3A_1461 = arith.select %lt3A_1458, %select_n3A_1433, %select_n3A_1446 : vector<256x128xi1>, vector<256x128xf32>
    %select_n3A_1462 = arith.select %lt3A_1458, %select_n3A_1438, %select_n3A_1451 : vector<256x128xi1>, vector<256x128xi32>
    %lt3A_1463 = arith.cmpf olt, %select_n3A_1452, %select_n3A_1439 : vector<256x128xf32>
    %select_n3A_1464 = arith.select %lt3A_1463, %select_n3A_1452, %select_n3A_1439 : vector<256x128xi1>, vector<256x128xf32>
    %select_n3A_1465 = arith.select %lt3A_1463, %select_n3A_1457, %select_n3A_1444 : vector<256x128xi1>, vector<256x128xi32>
    %select_n3A_1466 = arith.select %lt3A_1463, %select_n3A_1439, %select_n3A_1452 : vector<256x128xi1>, vector<256x128xf32>
    %select_n3A_1467 = arith.select %lt3A_1463, %select_n3A_1444, %select_n3A_1457 : vector<256x128xi1>, vector<256x128xi32>
    %lt3A_1468 = arith.cmpf olt, %select_n3A_1461, %select_n3A_1464 : vector<256x128xf32>
    %select_n3A_1469 = arith.select %lt3A_1468, %select_n3A_1461, %select_n3A_1464 : vector<256x128xi1>, vector<256x128xf32>
    %select_n3A_1470 = arith.select %lt3A_1468, %select_n3A_1462, %select_n3A_1465 : vector<256x128xi1>, vector<256x128xi32>
    %select_n3A_1471 = arith.select %lt3A_1468, %select_n3A_1464, %select_n3A_1461 : vector<256x128xi1>, vector<256x128xf32>
    %select_n3A_1472 = arith.select %lt3A_1468, %select_n3A_1465, %select_n3A_1462 : vector<256x128xi1>, vector<256x128xi32>
    %lt3A_1473 = arith.cmpf olt, %select_n3A_1466, %select_n3A_1411 : vector<256x128xf32>
    %select_n3A_1474 = arith.select %lt3A_1473, %select_n3A_1466, %select_n3A_1411 : vector<256x128xi1>, vector<256x128xf32>
    %select_n3A_1475 = arith.select %lt3A_1473, %select_n3A_1467, %select_n3A_1412 : vector<256x128xi1>, vector<256x128xi32>
    %select_n3A_1476 = arith.select %lt3A_1473, %select_n3A_1411, %select_n3A_1466 : vector<256x128xi1>, vector<256x128xf32>
    %lt3A_1477 = arith.cmpf olt, %select_n3A_1471, %select_n3A_1413 : vector<256x128xf32>
    %select_n3A_1478 = arith.select %lt3A_1477, %select_n3A_1471, %select_n3A_1413 : vector<256x128xi1>, vector<256x128xf32>
    %select_n3A_1479 = arith.select %lt3A_1477, %select_n3A_1472, %select_n3A_1414 : vector<256x128xi1>, vector<256x128xi32>
    %select_n3A_1480 = arith.select %lt3A_1477, %select_n3A_1413, %select_n3A_1471 : vector<256x128xi1>, vector<256x128xf32>
    %lt3A_1481 = arith.cmpf olt, %select_n3A_1469, %select_n3A_1416 : vector<256x128xf32>
    %select_n3A_1482 = arith.select %lt3A_1481, %select_n3A_1469, %select_n3A_1416 : vector<256x128xi1>, vector<256x128xf32>
    %select_n3A_1483 = arith.select %lt3A_1481, %select_n3A_1470, %select_n3A_1417 : vector<256x128xi1>, vector<256x128xi32>
    %select_n3A_1484 = arith.select %lt3A_1481, %select_n3A_1416, %select_n3A_1469 : vector<256x128xi1>, vector<256x128xf32>
    %lt3A_1485 = arith.cmpf olt, %select_n3A_1459, %select_n3A_1418 : vector<256x128xf32>
    %select_n3A_1486 = arith.select %lt3A_1485, %select_n3A_1459, %select_n3A_1418 : vector<256x128xi1>, vector<256x128xf32>
    %select_n3A_1487 = arith.select %lt3A_1485, %select_n3A_1460, %select_n3A_1419 : vector<256x128xi1>, vector<256x128xi32>
    %select_n3A_1488 = arith.select %lt3A_1485, %select_n3A_1418, %select_n3A_1459 : vector<256x128xi1>, vector<256x128xf32>
    %min3A_1489 = arith.minimumf %select_n3A_1476, %select_n3A_1480 : vector<256x128xf32>
    %min3A_1490 = arith.minimumf %select_n3A_1484, %select_n3A_1488 : vector<256x128xf32>
    %min3A_1491 = arith.minimumf %min3A_1489, %min3A_1490 : vector<256x128xf32>
    %min3A_1492 = arith.minimumf %min3A_1399, %min3A_1491 : vector<256x128xf32>
    %lt3A_1493 = arith.cmpf olt, %select_n3A_1482, %select_n3A_1474 : vector<256x128xf32>
    %select_n3A_1494 = arith.select %lt3A_1493, %select_n3A_1482, %select_n3A_1474 : vector<256x128xi1>, vector<256x128xf32>
    %select_n3A_1495 = arith.select %lt3A_1493, %select_n3A_1483, %select_n3A_1475 : vector<256x128xi1>, vector<256x128xi32>
    %select_n3A_1496 = arith.select %lt3A_1493, %select_n3A_1474, %select_n3A_1482 : vector<256x128xi1>, vector<256x128xf32>
    %select_n3A_1497 = arith.select %lt3A_1493, %select_n3A_1475, %select_n3A_1483 : vector<256x128xi1>, vector<256x128xi32>
    %lt3A_1498 = arith.cmpf olt, %select_n3A_1486, %select_n3A_1478 : vector<256x128xf32>
    %select_n3A_1499 = arith.select %lt3A_1498, %select_n3A_1486, %select_n3A_1478 : vector<256x128xi1>, vector<256x128xf32>
    %select_n3A_1500 = arith.select %lt3A_1498, %select_n3A_1487, %select_n3A_1479 : vector<256x128xi1>, vector<256x128xi32>
    %select_n3A_1501 = arith.select %lt3A_1498, %select_n3A_1478, %select_n3A_1486 : vector<256x128xi1>, vector<256x128xf32>
    %select_n3A_1502 = arith.select %lt3A_1498, %select_n3A_1479, %select_n3A_1487 : vector<256x128xi1>, vector<256x128xi32>
    %lt3A_1503 = arith.cmpf olt, %select_n3A_1499, %select_n3A_1494 : vector<256x128xf32>
    %select_n3A_1504 = arith.select %lt3A_1503, %select_n3A_1499, %select_n3A_1494 : vector<256x128xi1>, vector<256x128xf32>
    %select_n3A_1505 = arith.select %lt3A_1503, %select_n3A_1500, %select_n3A_1495 : vector<256x128xi1>, vector<256x128xi32>
    %select_n3A_1506 = arith.select %lt3A_1503, %select_n3A_1494, %select_n3A_1499 : vector<256x128xi1>, vector<256x128xf32>
    %select_n3A_1507 = arith.select %lt3A_1503, %select_n3A_1495, %select_n3A_1500 : vector<256x128xi1>, vector<256x128xi32>
    %lt3A_1508 = arith.cmpf olt, %select_n3A_1501, %select_n3A_1496 : vector<256x128xf32>
    %select_n3A_1509 = arith.select %lt3A_1508, %select_n3A_1501, %select_n3A_1496 : vector<256x128xi1>, vector<256x128xf32>
    %select_n3A_1510 = arith.select %lt3A_1508, %select_n3A_1502, %select_n3A_1497 : vector<256x128xi1>, vector<256x128xi32>
    %select_n3A_1511 = arith.select %lt3A_1508, %select_n3A_1496, %select_n3A_1501 : vector<256x128xi1>, vector<256x128xf32>
    %select_n3A_1512 = arith.select %lt3A_1508, %select_n3A_1497, %select_n3A_1502 : vector<256x128xi1>, vector<256x128xi32>
    %mul3A_1513 = arith.constant 128 : i32
    %mul3A_1514 = vector.broadcast %mul3A_1513 : i32 to vector<256x128xi32>
    %mul3A_1515 = arith.muli %select_n3A_1505, %mul3A_1514 : vector<256x128xi32>
    %add3A = vector.broadcast %iota3A : vector<1x128xi32> to vector<256x128xi32>
    %add3A_1516 = arith.addi %mul3A_1515, %add3A : vector<256x128xi32>
    %mul3A_1517 = arith.constant 128 : i32
    %mul3A_1518 = vector.broadcast %mul3A_1517 : i32 to vector<256x128xi32>
    %mul3A_1519 = arith.muli %select_n3A_1507, %mul3A_1518 : vector<256x128xi32>
    %add3A_1520 = vector.broadcast %iota3A : vector<1x128xi32> to vector<256x128xi32>
    %add3A_1521 = arith.addi %mul3A_1519, %add3A_1520 : vector<256x128xi32>
    %mul3A_1522 = arith.constant 128 : i32
    %mul3A_1523 = vector.broadcast %mul3A_1522 : i32 to vector<256x128xi32>
    %mul3A_1524 = arith.muli %select_n3A_1510, %mul3A_1523 : vector<256x128xi32>
    %add3A_1525 = vector.broadcast %iota3A : vector<1x128xi32> to vector<256x128xi32>
    %add3A_1526 = arith.addi %mul3A_1524, %add3A_1525 : vector<256x128xi32>
    %mul3A_1527 = arith.constant 128 : i32
    %mul3A_1528 = vector.broadcast %mul3A_1527 : i32 to vector<256x128xi32>
    %mul3A_1529 = arith.muli %select_n3A_1512, %mul3A_1528 : vector<256x128xi32>
    %add3A_1530 = vector.broadcast %iota3A : vector<1x128xi32> to vector<256x128xi32>
    %add3A_1531 = arith.addi %mul3A_1529, %add3A_1530 : vector<256x128xi32>
    %concatenate3A = tpu.concatenate %select_n3A_1504, %select_n3A_1506, %select_n3A_1509, %select_n3A_1511 in 1 : vector<256x128xf32>, vector<256x128xf32>, vector<256x128xf32>, vector<256x128xf32> -> vector<256x512xf32>
    %concatenate3A_1532 = tpu.concatenate %add3A_1516, %add3A_1521, %add3A_1526, %add3A_1531 in 1 : vector<256x128xi32>, vector<256x128xi32>, vector<256x128xi32>, vector<256x128xi32> -> vector<256x512xi32>
    %transpose3A = tpu.transpose %concatenate3A, [1, 0] : vector<256x512xf32> -> vector<512x256xf32>
    %transpose3A_1533 = tpu.transpose %concatenate3A_1532, [1, 0] : vector<256x512xi32> -> vector<512x256xi32>
    %reduce_min3A = arith.constant dense<0x7F800000> : vector<256xf32>
    %reduce_min3A_1534 = vector.multi_reduction <minimumf>, %transpose3A, %reduce_min3A [0] : vector<512x256xf32> to vector<256xf32>
    %broadcast_in_dim3A_1535 = vector.shape_cast %reduce_min3A_1534 : vector<256xf32> to vector<1x256xf32>
    %eq3A = vector.broadcast %broadcast_in_dim3A_1535 : vector<1x256xf32> to vector<512x256xf32>
    %eq3A_1536 = arith.cmpf oeq, %transpose3A, %eq3A : vector<512x256xf32>
    %jit3A = arith.constant 1073741824 : i32
    %broadcast_in_dim3A_1537 = vector.broadcast %jit3A : i32 to vector<512x256xi32>
    %select_n3A_1538 = arith.select %eq3A_1536, %transpose3A_1533, %broadcast_in_dim3A_1537 : vector<512x256xi1>, vector<512x256xi32>
    %reduce_min3A_1539 = arith.constant dense<2147483647> : vector<256xi32>
    %reduce_min3A_1540 = vector.multi_reduction <minsi>, %select_n3A_1538, %reduce_min3A_1539 [0] : vector<512x256xi32> to vector<256xi32>
    %broadcast_in_dim3A_1541 = vector.shape_cast %reduce_min3A_1540 : vector<256xi32> to vector<1x256xi32>
    %eq3A_1542 = vector.broadcast %broadcast_in_dim3A_1541 : vector<1x256xi32> to vector<512x256xi32>
    %eq3A_1543 = arith.cmpi eq, %transpose3A_1533, %eq3A_1542 : vector<512x256xi32>
    %jit3A_1544 = arith.constant 0x7F800000 : f32
    %broadcast_in_dim3A_1545 = vector.broadcast %jit3A_1544 : f32 to vector<512x256xf32>
    %select_n3A_1546 = arith.select %eq3A_1543, %broadcast_in_dim3A_1545, %transpose3A : vector<512x256xi1>, vector<512x256xf32>
    %reduce_min3A_1547 = arith.constant dense<0x7F800000> : vector<256xf32>
    %reduce_min3A_1548 = vector.multi_reduction <minimumf>, %select_n3A_1546, %reduce_min3A_1547 [0] : vector<512x256xf32> to vector<256xf32>
    %broadcast_in_dim3A_1549 = vector.shape_cast %reduce_min3A_1548 : vector<256xf32> to vector<1x256xf32>
    %eq3A_1550 = vector.broadcast %broadcast_in_dim3A_1549 : vector<1x256xf32> to vector<512x256xf32>
    %eq3A_1551 = arith.cmpf oeq, %select_n3A_1546, %eq3A_1550 : vector<512x256xf32>
    %jit3A_1552 = arith.constant 1073741824 : i32
    %broadcast_in_dim3A_1553 = vector.broadcast %jit3A_1552 : i32 to vector<512x256xi32>
    %select_n3A_1554 = arith.select %eq3A_1551, %transpose3A_1533, %broadcast_in_dim3A_1553 : vector<512x256xi1>, vector<512x256xi32>
    %reduce_min3A_1555 = arith.constant dense<2147483647> : vector<256xi32>
    %reduce_min3A_1556 = vector.multi_reduction <minsi>, %select_n3A_1554, %reduce_min3A_1555 [0] : vector<512x256xi32> to vector<256xi32>
    %broadcast_in_dim3A_1557 = vector.shape_cast %reduce_min3A_1556 : vector<256xi32> to vector<1x256xi32>
    %eq3A_1558 = vector.broadcast %broadcast_in_dim3A_1557 : vector<1x256xi32> to vector<512x256xi32>
    %eq3A_1559 = arith.cmpi eq, %transpose3A_1533, %eq3A_1558 : vector<512x256xi32>
    %jit3A_1560 = arith.constant 0x7F800000 : f32
    %broadcast_in_dim3A_1561 = vector.broadcast %jit3A_1560 : f32 to vector<512x256xf32>
    %select_n3A_1562 = arith.select %eq3A_1559, %broadcast_in_dim3A_1561, %select_n3A_1546 : vector<512x256xi1>, vector<512x256xf32>
    %reduce_min3A_1563 = arith.constant dense<0x7F800000> : vector<256xf32>
    %reduce_min3A_1564 = vector.multi_reduction <minimumf>, %select_n3A_1562, %reduce_min3A_1563 [0] : vector<512x256xf32> to vector<256xf32>
    %broadcast_in_dim3A_1565 = vector.shape_cast %reduce_min3A_1564 : vector<256xf32> to vector<1x256xf32>
    %eq3A_1566 = vector.broadcast %broadcast_in_dim3A_1565 : vector<1x256xf32> to vector<512x256xf32>
    %eq3A_1567 = arith.cmpf oeq, %select_n3A_1562, %eq3A_1566 : vector<512x256xf32>
    %jit3A_1568 = arith.constant 1073741824 : i32
    %broadcast_in_dim3A_1569 = vector.broadcast %jit3A_1568 : i32 to vector<512x256xi32>
    %select_n3A_1570 = arith.select %eq3A_1567, %transpose3A_1533, %broadcast_in_dim3A_1569 : vector<512x256xi1>, vector<512x256xi32>
    %reduce_min3A_1571 = arith.constant dense<2147483647> : vector<256xi32>
    %reduce_min3A_1572 = vector.multi_reduction <minsi>, %select_n3A_1570, %reduce_min3A_1571 [0] : vector<512x256xi32> to vector<256xi32>
    %broadcast_in_dim3A_1573 = vector.shape_cast %reduce_min3A_1572 : vector<256xi32> to vector<1x256xi32>
    %eq3A_1574 = vector.broadcast %broadcast_in_dim3A_1573 : vector<1x256xi32> to vector<512x256xi32>
    %eq3A_1575 = arith.cmpi eq, %transpose3A_1533, %eq3A_1574 : vector<512x256xi32>
    %jit3A_1576 = arith.constant 0x7F800000 : f32
    %broadcast_in_dim3A_1577 = vector.broadcast %jit3A_1576 : f32 to vector<512x256xf32>
    %select_n3A_1578 = arith.select %eq3A_1575, %broadcast_in_dim3A_1577, %select_n3A_1562 : vector<512x256xi1>, vector<512x256xf32>
    %reduce_min3A_1579 = arith.constant dense<0x7F800000> : vector<256xf32>
    %reduce_min3A_1580 = vector.multi_reduction <minimumf>, %select_n3A_1578, %reduce_min3A_1579 [0] : vector<512x256xf32> to vector<256xf32>
    %broadcast_in_dim3A_1581 = vector.shape_cast %reduce_min3A_1580 : vector<256xf32> to vector<1x256xf32>
    %eq3A_1582 = vector.broadcast %broadcast_in_dim3A_1581 : vector<1x256xf32> to vector<512x256xf32>
    %eq3A_1583 = arith.cmpf oeq, %select_n3A_1578, %eq3A_1582 : vector<512x256xf32>
    %jit3A_1584 = arith.constant 1073741824 : i32
    %broadcast_in_dim3A_1585 = vector.broadcast %jit3A_1584 : i32 to vector<512x256xi32>
    %select_n3A_1586 = arith.select %eq3A_1583, %transpose3A_1533, %broadcast_in_dim3A_1585 : vector<512x256xi1>, vector<512x256xi32>
    %reduce_min3A_1587 = arith.constant dense<2147483647> : vector<256xi32>
    %reduce_min3A_1588 = vector.multi_reduction <minsi>, %select_n3A_1586, %reduce_min3A_1587 [0] : vector<512x256xi32> to vector<256xi32>
    %broadcast_in_dim3A_1589 = vector.shape_cast %reduce_min3A_1588 : vector<256xi32> to vector<1x256xi32>
    %eq3A_1590 = vector.broadcast %broadcast_in_dim3A_1589 : vector<1x256xi32> to vector<512x256xi32>
    %eq3A_1591 = arith.cmpi eq, %transpose3A_1533, %eq3A_1590 : vector<512x256xi32>
    %jit3A_1592 = arith.constant 0x7F800000 : f32
    %broadcast_in_dim3A_1593 = vector.broadcast %jit3A_1592 : f32 to vector<512x256xf32>
    %select_n3A_1594 = arith.select %eq3A_1591, %broadcast_in_dim3A_1593, %select_n3A_1578 : vector<512x256xi1>, vector<512x256xf32>
    %reduce_min3A_1595 = arith.constant dense<0x7F800000> : vector<256xf32>
    %reduce_min3A_1596 = vector.multi_reduction <minimumf>, %select_n3A_1594, %reduce_min3A_1595 [0] : vector<512x256xf32> to vector<256xf32>
    %broadcast_in_dim3A_1597 = vector.shape_cast %reduce_min3A_1596 : vector<256xf32> to vector<1x256xf32>
    %eq3A_1598 = vector.broadcast %broadcast_in_dim3A_1597 : vector<1x256xf32> to vector<512x256xf32>
    %eq3A_1599 = arith.cmpf oeq, %select_n3A_1594, %eq3A_1598 : vector<512x256xf32>
    %jit3A_1600 = arith.constant 1073741824 : i32
    %broadcast_in_dim3A_1601 = vector.broadcast %jit3A_1600 : i32 to vector<512x256xi32>
    %select_n3A_1602 = arith.select %eq3A_1599, %transpose3A_1533, %broadcast_in_dim3A_1601 : vector<512x256xi1>, vector<512x256xi32>
    %reduce_min3A_1603 = arith.constant dense<2147483647> : vector<256xi32>
    %reduce_min3A_1604 = vector.multi_reduction <minsi>, %select_n3A_1602, %reduce_min3A_1603 [0] : vector<512x256xi32> to vector<256xi32>
    %broadcast_in_dim3A_1605 = vector.shape_cast %reduce_min3A_1604 : vector<256xi32> to vector<1x256xi32>
    %eq3A_1606 = vector.broadcast %broadcast_in_dim3A_1605 : vector<1x256xi32> to vector<512x256xi32>
    %eq3A_1607 = arith.cmpi eq, %transpose3A_1533, %eq3A_1606 : vector<512x256xi32>
    %jit3A_1608 = arith.constant 0x7F800000 : f32
    %broadcast_in_dim3A_1609 = vector.broadcast %jit3A_1608 : f32 to vector<512x256xf32>
    %select_n3A_1610 = arith.select %eq3A_1607, %broadcast_in_dim3A_1609, %select_n3A_1594 : vector<512x256xi1>, vector<512x256xf32>
    %reduce_min3A_1611 = arith.constant dense<0x7F800000> : vector<256xf32>
    %reduce_min3A_1612 = vector.multi_reduction <minimumf>, %select_n3A_1610, %reduce_min3A_1611 [0] : vector<512x256xf32> to vector<256xf32>
    %broadcast_in_dim3A_1613 = vector.shape_cast %reduce_min3A_1612 : vector<256xf32> to vector<1x256xf32>
    %eq3A_1614 = vector.broadcast %broadcast_in_dim3A_1613 : vector<1x256xf32> to vector<512x256xf32>
    %eq3A_1615 = arith.cmpf oeq, %select_n3A_1610, %eq3A_1614 : vector<512x256xf32>
    %jit3A_1616 = arith.constant 1073741824 : i32
    %broadcast_in_dim3A_1617 = vector.broadcast %jit3A_1616 : i32 to vector<512x256xi32>
    %select_n3A_1618 = arith.select %eq3A_1615, %transpose3A_1533, %broadcast_in_dim3A_1617 : vector<512x256xi1>, vector<512x256xi32>
    %reduce_min3A_1619 = arith.constant dense<2147483647> : vector<256xi32>
    %reduce_min3A_1620 = vector.multi_reduction <minsi>, %select_n3A_1618, %reduce_min3A_1619 [0] : vector<512x256xi32> to vector<256xi32>
    %broadcast_in_dim3A_1621 = vector.shape_cast %reduce_min3A_1620 : vector<256xi32> to vector<1x256xi32>
    %eq3A_1622 = vector.broadcast %broadcast_in_dim3A_1621 : vector<1x256xi32> to vector<512x256xi32>
    %eq3A_1623 = arith.cmpi eq, %transpose3A_1533, %eq3A_1622 : vector<512x256xi32>
    %jit3A_1624 = arith.constant 0x7F800000 : f32
    %broadcast_in_dim3A_1625 = vector.broadcast %jit3A_1624 : f32 to vector<512x256xf32>
    %select_n3A_1626 = arith.select %eq3A_1623, %broadcast_in_dim3A_1625, %select_n3A_1610 : vector<512x256xi1>, vector<512x256xf32>
    %reduce_min3A_1627 = arith.constant dense<0x7F800000> : vector<256xf32>
    %reduce_min3A_1628 = vector.multi_reduction <minimumf>, %select_n3A_1626, %reduce_min3A_1627 [0] : vector<512x256xf32> to vector<256xf32>
    %broadcast_in_dim3A_1629 = vector.shape_cast %reduce_min3A_1628 : vector<256xf32> to vector<1x256xf32>
    %eq3A_1630 = vector.broadcast %broadcast_in_dim3A_1629 : vector<1x256xf32> to vector<512x256xf32>
    %eq3A_1631 = arith.cmpf oeq, %select_n3A_1626, %eq3A_1630 : vector<512x256xf32>
    %jit3A_1632 = arith.constant 1073741824 : i32
    %broadcast_in_dim3A_1633 = vector.broadcast %jit3A_1632 : i32 to vector<512x256xi32>
    %select_n3A_1634 = arith.select %eq3A_1631, %transpose3A_1533, %broadcast_in_dim3A_1633 : vector<512x256xi1>, vector<512x256xi32>
    %reduce_min3A_1635 = arith.constant dense<2147483647> : vector<256xi32>
    %reduce_min3A_1636 = vector.multi_reduction <minsi>, %select_n3A_1634, %reduce_min3A_1635 [0] : vector<512x256xi32> to vector<256xi32>
    %broadcast_in_dim3A_1637 = vector.shape_cast %reduce_min3A_1636 : vector<256xi32> to vector<1x256xi32>
    %eq3A_1638 = vector.broadcast %broadcast_in_dim3A_1637 : vector<1x256xi32> to vector<512x256xi32>
    %eq3A_1639 = arith.cmpi eq, %transpose3A_1533, %eq3A_1638 : vector<512x256xi32>
    %jit3A_1640 = arith.constant 0x7F800000 : f32
    %broadcast_in_dim3A_1641 = vector.broadcast %jit3A_1640 : f32 to vector<512x256xf32>
    %select_n3A_1642 = arith.select %eq3A_1639, %broadcast_in_dim3A_1641, %select_n3A_1626 : vector<512x256xi1>, vector<512x256xf32>
    %reduce_min3A_1643 = arith.constant dense<0x7F800000> : vector<256xf32>
    %reduce_min3A_1644 = vector.multi_reduction <minimumf>, %select_n3A_1642, %reduce_min3A_1643 [0] : vector<512x256xf32> to vector<256xf32>
    %broadcast_in_dim3A_1645 = vector.shape_cast %reduce_min3A_1644 : vector<256xf32> to vector<1x256xf32>
    %eq3A_1646 = vector.broadcast %broadcast_in_dim3A_1645 : vector<1x256xf32> to vector<512x256xf32>
    %eq3A_1647 = arith.cmpf oeq, %select_n3A_1642, %eq3A_1646 : vector<512x256xf32>
    %jit3A_1648 = arith.constant 1073741824 : i32
    %broadcast_in_dim3A_1649 = vector.broadcast %jit3A_1648 : i32 to vector<512x256xi32>
    %select_n3A_1650 = arith.select %eq3A_1647, %transpose3A_1533, %broadcast_in_dim3A_1649 : vector<512x256xi1>, vector<512x256xi32>
    %reduce_min3A_1651 = arith.constant dense<2147483647> : vector<256xi32>
    %reduce_min3A_1652 = vector.multi_reduction <minsi>, %select_n3A_1650, %reduce_min3A_1651 [0] : vector<512x256xi32> to vector<256xi32>
    %broadcast_in_dim3A_1653 = vector.shape_cast %reduce_min3A_1652 : vector<256xi32> to vector<1x256xi32>
    %eq3A_1654 = vector.broadcast %broadcast_in_dim3A_1653 : vector<1x256xi32> to vector<512x256xi32>
    %eq3A_1655 = arith.cmpi eq, %transpose3A_1533, %eq3A_1654 : vector<512x256xi32>
    %jit3A_1656 = arith.constant 0x7F800000 : f32
    %broadcast_in_dim3A_1657 = vector.broadcast %jit3A_1656 : f32 to vector<512x256xf32>
    %select_n3A_1658 = arith.select %eq3A_1655, %broadcast_in_dim3A_1657, %select_n3A_1642 : vector<512x256xi1>, vector<512x256xf32>
    %reduce_min3A_1659 = arith.constant dense<0x7F800000> : vector<256xf32>
    %reduce_min3A_1660 = vector.multi_reduction <minimumf>, %select_n3A_1658, %reduce_min3A_1659 [0] : vector<512x256xf32> to vector<256xf32>
    %broadcast_in_dim3A_1661 = vector.shape_cast %reduce_min3A_1660 : vector<256xf32> to vector<1x256xf32>
    %eq3A_1662 = vector.broadcast %broadcast_in_dim3A_1661 : vector<1x256xf32> to vector<512x256xf32>
    %eq3A_1663 = arith.cmpf oeq, %select_n3A_1658, %eq3A_1662 : vector<512x256xf32>
    %jit3A_1664 = arith.constant 1073741824 : i32
    %broadcast_in_dim3A_1665 = vector.broadcast %jit3A_1664 : i32 to vector<512x256xi32>
    %select_n3A_1666 = arith.select %eq3A_1663, %transpose3A_1533, %broadcast_in_dim3A_1665 : vector<512x256xi1>, vector<512x256xi32>
    %reduce_min3A_1667 = arith.constant dense<2147483647> : vector<256xi32>
    %reduce_min3A_1668 = vector.multi_reduction <minsi>, %select_n3A_1666, %reduce_min3A_1667 [0] : vector<512x256xi32> to vector<256xi32>
    %broadcast_in_dim3A_1669 = vector.shape_cast %reduce_min3A_1668 : vector<256xi32> to vector<1x256xi32>
    %eq3A_1670 = vector.broadcast %broadcast_in_dim3A_1669 : vector<1x256xi32> to vector<512x256xi32>
    %eq3A_1671 = arith.cmpi eq, %transpose3A_1533, %eq3A_1670 : vector<512x256xi32>
    %jit3A_1672 = arith.constant 0x7F800000 : f32
    %broadcast_in_dim3A_1673 = vector.broadcast %jit3A_1672 : f32 to vector<512x256xf32>
    %select_n3A_1674 = arith.select %eq3A_1671, %broadcast_in_dim3A_1673, %select_n3A_1658 : vector<512x256xi1>, vector<512x256xf32>
    %reduce_min3A_1675 = arith.constant dense<0x7F800000> : vector<256xf32>
    %reduce_min3A_1676 = vector.multi_reduction <minimumf>, %select_n3A_1674, %reduce_min3A_1675 [0] : vector<512x256xf32> to vector<256xf32>
    %broadcast_in_dim3A_1677 = vector.shape_cast %reduce_min3A_1676 : vector<256xf32> to vector<1x256xf32>
    %eq3A_1678 = vector.broadcast %broadcast_in_dim3A_1677 : vector<1x256xf32> to vector<512x256xf32>
    %eq3A_1679 = arith.cmpf oeq, %select_n3A_1674, %eq3A_1678 : vector<512x256xf32>
    %jit3A_1680 = arith.constant 1073741824 : i32
    %broadcast_in_dim3A_1681 = vector.broadcast %jit3A_1680 : i32 to vector<512x256xi32>
    %select_n3A_1682 = arith.select %eq3A_1679, %transpose3A_1533, %broadcast_in_dim3A_1681 : vector<512x256xi1>, vector<512x256xi32>
    %reduce_min3A_1683 = arith.constant dense<2147483647> : vector<256xi32>
    %reduce_min3A_1684 = vector.multi_reduction <minsi>, %select_n3A_1682, %reduce_min3A_1683 [0] : vector<512x256xi32> to vector<256xi32>
    %broadcast_in_dim3A_1685 = vector.shape_cast %reduce_min3A_1684 : vector<256xi32> to vector<1x256xi32>
    %transpose3A_1686 = tpu.transpose %min3A_1492, [1, 0] : vector<256x128xf32> -> vector<128x256xf32>
    %reduce_min3A_1687 = arith.constant dense<0x7F800000> : vector<256xf32>
    %reduce_min3A_1688 = vector.multi_reduction <minimumf>, %transpose3A_1686, %reduce_min3A_1687 [0] : vector<128x256xf32> to vector<256xf32>
    %broadcast_in_dim3A_1689 = vector.shape_cast %reduce_min3A_1688 : vector<256xf32> to vector<1x256xf32>
    %le3A = arith.cmpf ole, %broadcast_in_dim3A_1689, %broadcast_in_dim3A_1677 : vector<1x256xf32>
    %convert_element_type3A = arith.extui %le3A : vector<1x256xi1> to vector<1x256xi32>
    %concatenate3A_1690 = tpu.concatenate %broadcast_in_dim3A_1541, %broadcast_in_dim3A_1557, %broadcast_in_dim3A_1573, %broadcast_in_dim3A_1589, %broadcast_in_dim3A_1605, %broadcast_in_dim3A_1621, %broadcast_in_dim3A_1637, %broadcast_in_dim3A_1653, %broadcast_in_dim3A_1669, %broadcast_in_dim3A_1685, %convert_element_type3A, %convert_element_type3A, %convert_element_type3A, %convert_element_type3A, %convert_element_type3A, %convert_element_type3A in 0 : vector<1x256xi32>, vector<1x256xi32>, vector<1x256xi32>, vector<1x256xi32>, vector<1x256xi32>, vector<1x256xi32>, vector<1x256xi32>, vector<1x256xi32>, vector<1x256xi32>, vector<1x256xi32>, vector<1x256xi32>, vector<1x256xi32>, vector<1x256xi32>, vector<1x256xi32>, vector<1x256xi32>, vector<1x256xi32> -> vector<16x256xi32>
    %transpose3A_1691 = tpu.transpose %concatenate3A_1690, [1, 0] : vector<16x256xi32> -> vector<256x16xi32>
    %swap3A = arith.constant 0 : index
    %swap3A_1692 = arith.constant 0 : index
    %swap3A_1693 = vector.load %arg3[%swap3A, %swap3A_1692] : memref<256x16xi32, #tpu.memory_space<vmem>>, vector<256x16xi32>
    tpu.vector_store %arg3[%swap3A, %swap3A_1692], %transpose3A_1691 {strides = array<i32>} : memref<256x16xi32, #tpu.memory_space<vmem>>, vector<256x16xi32>,
    return
  }
  func.func @transform_0(%arg0: i32) -> (i32, i32) {
    %c0_i32 = arith.constant 0 : i32
    %c0_i32_0 = arith.constant 0 : i32
    %c0_i32_1 = arith.constant 0 : i32
    return %c0_i32, %c0_i32_0 : i32, i32
  }
  func.func @transform_1(%arg0: i32) -> (i32, i32) {
    %c0_i32 = arith.constant 0 : i32
    %c0_i32_0 = arith.constant 0 : i32
    return %arg0, %c0_i32 : i32, i32
  }
  func.func @transform_2(%arg0: i32) -> (i32, i32) {
    %c0_i32 = arith.constant 0 : i32
    %c0_i32_0 = arith.constant 0 : i32
    return %arg0, %c0_i32 : i32, i32
  }
}

module attributes {stable_mosaic.version = 14 : i64} {
  func.func @_topk_body(%arg0: i32, %arg1: memref<64x8192xf32, #tpu.memory_space<vmem>>, %arg2: memref<256x64xf32, #tpu.memory_space<vmem>>, %arg3: memref<256x10xi32, #tpu.memory_space<vmem>>) attributes {dimension_semantics = [#tpu.dimension_semantics<arbitrary>], iteration_bounds = array<i64: 32>, scalar_prefetch = 0 : i64, scratch_operands = 0 : i64, tpu.core_type = #tpu.core_type<tc>, window_params = [{pipeline_mode = #tpu.pipeline_mode<synchronous>, transform_indices = @transform_0, window_bounds = array<i64: 64, 8192>}, {transform_indices = @transform_1, window_bounds = array<i64: 256, 64>}, {transform_indices = @transform_2, window_bounds = array<i64: 256, 10>}]} {
    %get3A = arith.constant 0 : index
    %get3A_0 = arith.constant 0 : index
    %get3A_1 = vector.load %arg1[%get3A, %get3A_0] : memref<64x8192xf32, #tpu.memory_space<vmem>>, vector<64x8192xf32>
    %get3A_2 = arith.constant 0 : index
    %get3A_3 = arith.constant 0 : index
    %get3A_4 = vector.load %arg2[%get3A_2, %get3A_3] : memref<256x64xf32, #tpu.memory_space<vmem>>, vector<256x64xf32>
    %mul3A = arith.mulf %get3A_1, %get3A_1 : vector<64x8192xf32>
    %reduce_sum3A = arith.constant dense<0.000000e+00> : vector<8192xf32>
    %reduce_sum3A_5 = vector.multi_reduction <add>, %mul3A, %reduce_sum3A [0] : vector<64x8192xf32> to vector<8192xf32>
    %broadcast_in_dim3A = vector.shape_cast %reduce_sum3A_5 : vector<8192xf32> to vector<1x8192xf32>
    %mul3A_6 = arith.mulf %get3A_4, %get3A_4 : vector<256x64xf32>
    %reduce_sum3A_7 = arith.constant dense<0.000000e+00> : vector<256xf32>
    %reduce_sum3A_8 = vector.multi_reduction <add>, %mul3A_6, %reduce_sum3A_7 [1] : vector<256x64xf32> to vector<256xf32>
    %broadcast_in_dim3A_9 = vector.shape_cast %reduce_sum3A_8 : vector<256xf32> to vector<256x1xf32>
    %dot_general3A = arith.constant dense<0.000000e+00> : vector<256x8192xf32>
    %dot_general3A_10 = tpu.matmul %get3A_4, %get3A_1, %dot_general3A {dimension_numbers = #tpu.dot_dimension_numbers<[1], [0], [0], [1], [0, 0, 1, 1], [], []>, transpose_lhs_hint = false} : vector<256x64xf32>, vector<64x8192xf32>, vector<256x8192xf32> -> vector<256x8192xf32>
    %add3A = vector.broadcast %broadcast_in_dim3A_9 : vector<256x1xf32> to vector<256x8192xf32>
    %add3A_11 = vector.broadcast %broadcast_in_dim3A : vector<1x8192xf32> to vector<256x8192xf32>
    %add3A_12 = arith.addf %add3A, %add3A_11 : vector<256x8192xf32>
    %mul3A_13 = arith.constant 2.000000e+00 : f32
    %mul3A_14 = vector.broadcast %mul3A_13 : f32 to vector<256x8192xf32>
    %mul3A_15 = arith.mulf %mul3A_14, %dot_general3A_10 : vector<256x8192xf32>
    %sub3A = arith.subf %add3A_12, %mul3A_15 : vector<256x8192xf32>
    %iota3A = tpu.iota {dimensions = array<i32: 1>} : vector<1x8192xi32>
    %reduce_min3A = arith.constant dense<0x7F800000> : vector<256xf32>
    %reduce_min3A_16 = vector.multi_reduction <minimumf>, %sub3A, %reduce_min3A [1] : vector<256x8192xf32> to vector<256xf32>
    %broadcast_in_dim3A_17 = vector.shape_cast %reduce_min3A_16 : vector<256xf32> to vector<256x1xf32>
    %eq3A = vector.broadcast %broadcast_in_dim3A_17 : vector<256x1xf32> to vector<256x8192xf32>
    %eq3A_18 = arith.cmpf oeq, %sub3A, %eq3A : vector<256x8192xf32>
    %jit3A = arith.constant 8192 : i32
    %broadcast_in_dim3A_19 = vector.shape_cast %iota3A : vector<1x8192xi32> to vector<1x8192xi32>
    %broadcast_in_dim3A_20 = vector.broadcast %broadcast_in_dim3A_19 : vector<1x8192xi32> to vector<256x8192xi32>
    %broadcast_in_dim3A_21 = vector.broadcast %jit3A : i32 to vector<256x8192xi32>
    %select_n3A = arith.select %eq3A_18, %broadcast_in_dim3A_20, %broadcast_in_dim3A_21 : vector<256x8192xi1>, vector<256x8192xi32>
    %reduce_min3A_22 = arith.constant dense<2147483647> : vector<256xi32>
    %reduce_min3A_23 = vector.multi_reduction <minsi>, %select_n3A, %reduce_min3A_22 [1] : vector<256x8192xi32> to vector<256xi32>
    %broadcast_in_dim3A_24 = vector.shape_cast %reduce_min3A_23 : vector<256xi32> to vector<256x1xi32>
    %eq3A_25 = vector.broadcast %iota3A : vector<1x8192xi32> to vector<256x8192xi32>
    %eq3A_26 = vector.broadcast %broadcast_in_dim3A_24 : vector<256x1xi32> to vector<256x8192xi32>
    %eq3A_27 = arith.cmpi eq, %eq3A_25, %eq3A_26 : vector<256x8192xi32>
    %jit3A_28 = arith.constant 0x7F800000 : f32
    %broadcast_in_dim3A_29 = vector.broadcast %jit3A_28 : f32 to vector<256x8192xf32>
    %select_n3A_30 = arith.select %eq3A_27, %broadcast_in_dim3A_29, %sub3A : vector<256x8192xi1>, vector<256x8192xf32>
    %reduce_min3A_31 = arith.constant dense<0x7F800000> : vector<256xf32>
    %reduce_min3A_32 = vector.multi_reduction <minimumf>, %select_n3A_30, %reduce_min3A_31 [1] : vector<256x8192xf32> to vector<256xf32>
    %broadcast_in_dim3A_33 = vector.shape_cast %reduce_min3A_32 : vector<256xf32> to vector<256x1xf32>
    %eq3A_34 = vector.broadcast %broadcast_in_dim3A_33 : vector<256x1xf32> to vector<256x8192xf32>
    %eq3A_35 = arith.cmpf oeq, %select_n3A_30, %eq3A_34 : vector<256x8192xf32>
    %jit3A_36 = arith.constant 8192 : i32
    %broadcast_in_dim3A_37 = vector.shape_cast %iota3A : vector<1x8192xi32> to vector<1x8192xi32>
    %broadcast_in_dim3A_38 = vector.broadcast %broadcast_in_dim3A_37 : vector<1x8192xi32> to vector<256x8192xi32>
    %broadcast_in_dim3A_39 = vector.broadcast %jit3A_36 : i32 to vector<256x8192xi32>
    %select_n3A_40 = arith.select %eq3A_35, %broadcast_in_dim3A_38, %broadcast_in_dim3A_39 : vector<256x8192xi1>, vector<256x8192xi32>
    %reduce_min3A_41 = arith.constant dense<2147483647> : vector<256xi32>
    %reduce_min3A_42 = vector.multi_reduction <minsi>, %select_n3A_40, %reduce_min3A_41 [1] : vector<256x8192xi32> to vector<256xi32>
    %broadcast_in_dim3A_43 = vector.shape_cast %reduce_min3A_42 : vector<256xi32> to vector<256x1xi32>
    %eq3A_44 = vector.broadcast %iota3A : vector<1x8192xi32> to vector<256x8192xi32>
    %eq3A_45 = vector.broadcast %broadcast_in_dim3A_43 : vector<256x1xi32> to vector<256x8192xi32>
    %eq3A_46 = arith.cmpi eq, %eq3A_44, %eq3A_45 : vector<256x8192xi32>
    %jit3A_47 = arith.constant 0x7F800000 : f32
    %broadcast_in_dim3A_48 = vector.broadcast %jit3A_47 : f32 to vector<256x8192xf32>
    %select_n3A_49 = arith.select %eq3A_46, %broadcast_in_dim3A_48, %select_n3A_30 : vector<256x8192xi1>, vector<256x8192xf32>
    %reduce_min3A_50 = arith.constant dense<0x7F800000> : vector<256xf32>
    %reduce_min3A_51 = vector.multi_reduction <minimumf>, %select_n3A_49, %reduce_min3A_50 [1] : vector<256x8192xf32> to vector<256xf32>
    %broadcast_in_dim3A_52 = vector.shape_cast %reduce_min3A_51 : vector<256xf32> to vector<256x1xf32>
    %eq3A_53 = vector.broadcast %broadcast_in_dim3A_52 : vector<256x1xf32> to vector<256x8192xf32>
    %eq3A_54 = arith.cmpf oeq, %select_n3A_49, %eq3A_53 : vector<256x8192xf32>
    %jit3A_55 = arith.constant 8192 : i32
    %broadcast_in_dim3A_56 = vector.shape_cast %iota3A : vector<1x8192xi32> to vector<1x8192xi32>
    %broadcast_in_dim3A_57 = vector.broadcast %broadcast_in_dim3A_56 : vector<1x8192xi32> to vector<256x8192xi32>
    %broadcast_in_dim3A_58 = vector.broadcast %jit3A_55 : i32 to vector<256x8192xi32>
    %select_n3A_59 = arith.select %eq3A_54, %broadcast_in_dim3A_57, %broadcast_in_dim3A_58 : vector<256x8192xi1>, vector<256x8192xi32>
    %reduce_min3A_60 = arith.constant dense<2147483647> : vector<256xi32>
    %reduce_min3A_61 = vector.multi_reduction <minsi>, %select_n3A_59, %reduce_min3A_60 [1] : vector<256x8192xi32> to vector<256xi32>
    %broadcast_in_dim3A_62 = vector.shape_cast %reduce_min3A_61 : vector<256xi32> to vector<256x1xi32>
    %eq3A_63 = vector.broadcast %iota3A : vector<1x8192xi32> to vector<256x8192xi32>
    %eq3A_64 = vector.broadcast %broadcast_in_dim3A_62 : vector<256x1xi32> to vector<256x8192xi32>
    %eq3A_65 = arith.cmpi eq, %eq3A_63, %eq3A_64 : vector<256x8192xi32>
    %jit3A_66 = arith.constant 0x7F800000 : f32
    %broadcast_in_dim3A_67 = vector.broadcast %jit3A_66 : f32 to vector<256x8192xf32>
    %select_n3A_68 = arith.select %eq3A_65, %broadcast_in_dim3A_67, %select_n3A_49 : vector<256x8192xi1>, vector<256x8192xf32>
    %reduce_min3A_69 = arith.constant dense<0x7F800000> : vector<256xf32>
    %reduce_min3A_70 = vector.multi_reduction <minimumf>, %select_n3A_68, %reduce_min3A_69 [1] : vector<256x8192xf32> to vector<256xf32>
    %broadcast_in_dim3A_71 = vector.shape_cast %reduce_min3A_70 : vector<256xf32> to vector<256x1xf32>
    %eq3A_72 = vector.broadcast %broadcast_in_dim3A_71 : vector<256x1xf32> to vector<256x8192xf32>
    %eq3A_73 = arith.cmpf oeq, %select_n3A_68, %eq3A_72 : vector<256x8192xf32>
    %jit3A_74 = arith.constant 8192 : i32
    %broadcast_in_dim3A_75 = vector.shape_cast %iota3A : vector<1x8192xi32> to vector<1x8192xi32>
    %broadcast_in_dim3A_76 = vector.broadcast %broadcast_in_dim3A_75 : vector<1x8192xi32> to vector<256x8192xi32>
    %broadcast_in_dim3A_77 = vector.broadcast %jit3A_74 : i32 to vector<256x8192xi32>
    %select_n3A_78 = arith.select %eq3A_73, %broadcast_in_dim3A_76, %broadcast_in_dim3A_77 : vector<256x8192xi1>, vector<256x8192xi32>
    %reduce_min3A_79 = arith.constant dense<2147483647> : vector<256xi32>
    %reduce_min3A_80 = vector.multi_reduction <minsi>, %select_n3A_78, %reduce_min3A_79 [1] : vector<256x8192xi32> to vector<256xi32>
    %broadcast_in_dim3A_81 = vector.shape_cast %reduce_min3A_80 : vector<256xi32> to vector<256x1xi32>
    %eq3A_82 = vector.broadcast %iota3A : vector<1x8192xi32> to vector<256x8192xi32>
    %eq3A_83 = vector.broadcast %broadcast_in_dim3A_81 : vector<256x1xi32> to vector<256x8192xi32>
    %eq3A_84 = arith.cmpi eq, %eq3A_82, %eq3A_83 : vector<256x8192xi32>
    %jit3A_85 = arith.constant 0x7F800000 : f32
    %broadcast_in_dim3A_86 = vector.broadcast %jit3A_85 : f32 to vector<256x8192xf32>
    %select_n3A_87 = arith.select %eq3A_84, %broadcast_in_dim3A_86, %select_n3A_68 : vector<256x8192xi1>, vector<256x8192xf32>
    %reduce_min3A_88 = arith.constant dense<0x7F800000> : vector<256xf32>
    %reduce_min3A_89 = vector.multi_reduction <minimumf>, %select_n3A_87, %reduce_min3A_88 [1] : vector<256x8192xf32> to vector<256xf32>
    %broadcast_in_dim3A_90 = vector.shape_cast %reduce_min3A_89 : vector<256xf32> to vector<256x1xf32>
    %eq3A_91 = vector.broadcast %broadcast_in_dim3A_90 : vector<256x1xf32> to vector<256x8192xf32>
    %eq3A_92 = arith.cmpf oeq, %select_n3A_87, %eq3A_91 : vector<256x8192xf32>
    %jit3A_93 = arith.constant 8192 : i32
    %broadcast_in_dim3A_94 = vector.shape_cast %iota3A : vector<1x8192xi32> to vector<1x8192xi32>
    %broadcast_in_dim3A_95 = vector.broadcast %broadcast_in_dim3A_94 : vector<1x8192xi32> to vector<256x8192xi32>
    %broadcast_in_dim3A_96 = vector.broadcast %jit3A_93 : i32 to vector<256x8192xi32>
    %select_n3A_97 = arith.select %eq3A_92, %broadcast_in_dim3A_95, %broadcast_in_dim3A_96 : vector<256x8192xi1>, vector<256x8192xi32>
    %reduce_min3A_98 = arith.constant dense<2147483647> : vector<256xi32>
    %reduce_min3A_99 = vector.multi_reduction <minsi>, %select_n3A_97, %reduce_min3A_98 [1] : vector<256x8192xi32> to vector<256xi32>
    %broadcast_in_dim3A_100 = vector.shape_cast %reduce_min3A_99 : vector<256xi32> to vector<256x1xi32>
    %eq3A_101 = vector.broadcast %iota3A : vector<1x8192xi32> to vector<256x8192xi32>
    %eq3A_102 = vector.broadcast %broadcast_in_dim3A_100 : vector<256x1xi32> to vector<256x8192xi32>
    %eq3A_103 = arith.cmpi eq, %eq3A_101, %eq3A_102 : vector<256x8192xi32>
    %jit3A_104 = arith.constant 0x7F800000 : f32
    %broadcast_in_dim3A_105 = vector.broadcast %jit3A_104 : f32 to vector<256x8192xf32>
    %select_n3A_106 = arith.select %eq3A_103, %broadcast_in_dim3A_105, %select_n3A_87 : vector<256x8192xi1>, vector<256x8192xf32>
    %reduce_min3A_107 = arith.constant dense<0x7F800000> : vector<256xf32>
    %reduce_min3A_108 = vector.multi_reduction <minimumf>, %select_n3A_106, %reduce_min3A_107 [1] : vector<256x8192xf32> to vector<256xf32>
    %broadcast_in_dim3A_109 = vector.shape_cast %reduce_min3A_108 : vector<256xf32> to vector<256x1xf32>
    %eq3A_110 = vector.broadcast %broadcast_in_dim3A_109 : vector<256x1xf32> to vector<256x8192xf32>
    %eq3A_111 = arith.cmpf oeq, %select_n3A_106, %eq3A_110 : vector<256x8192xf32>
    %jit3A_112 = arith.constant 8192 : i32
    %broadcast_in_dim3A_113 = vector.shape_cast %iota3A : vector<1x8192xi32> to vector<1x8192xi32>
    %broadcast_in_dim3A_114 = vector.broadcast %broadcast_in_dim3A_113 : vector<1x8192xi32> to vector<256x8192xi32>
    %broadcast_in_dim3A_115 = vector.broadcast %jit3A_112 : i32 to vector<256x8192xi32>
    %select_n3A_116 = arith.select %eq3A_111, %broadcast_in_dim3A_114, %broadcast_in_dim3A_115 : vector<256x8192xi1>, vector<256x8192xi32>
    %reduce_min3A_117 = arith.constant dense<2147483647> : vector<256xi32>
    %reduce_min3A_118 = vector.multi_reduction <minsi>, %select_n3A_116, %reduce_min3A_117 [1] : vector<256x8192xi32> to vector<256xi32>
    %broadcast_in_dim3A_119 = vector.shape_cast %reduce_min3A_118 : vector<256xi32> to vector<256x1xi32>
    %eq3A_120 = vector.broadcast %iota3A : vector<1x8192xi32> to vector<256x8192xi32>
    %eq3A_121 = vector.broadcast %broadcast_in_dim3A_119 : vector<256x1xi32> to vector<256x8192xi32>
    %eq3A_122 = arith.cmpi eq, %eq3A_120, %eq3A_121 : vector<256x8192xi32>
    %jit3A_123 = arith.constant 0x7F800000 : f32
    %broadcast_in_dim3A_124 = vector.broadcast %jit3A_123 : f32 to vector<256x8192xf32>
    %select_n3A_125 = arith.select %eq3A_122, %broadcast_in_dim3A_124, %select_n3A_106 : vector<256x8192xi1>, vector<256x8192xf32>
    %reduce_min3A_126 = arith.constant dense<0x7F800000> : vector<256xf32>
    %reduce_min3A_127 = vector.multi_reduction <minimumf>, %select_n3A_125, %reduce_min3A_126 [1] : vector<256x8192xf32> to vector<256xf32>
    %broadcast_in_dim3A_128 = vector.shape_cast %reduce_min3A_127 : vector<256xf32> to vector<256x1xf32>
    %eq3A_129 = vector.broadcast %broadcast_in_dim3A_128 : vector<256x1xf32> to vector<256x8192xf32>
    %eq3A_130 = arith.cmpf oeq, %select_n3A_125, %eq3A_129 : vector<256x8192xf32>
    %jit3A_131 = arith.constant 8192 : i32
    %broadcast_in_dim3A_132 = vector.shape_cast %iota3A : vector<1x8192xi32> to vector<1x8192xi32>
    %broadcast_in_dim3A_133 = vector.broadcast %broadcast_in_dim3A_132 : vector<1x8192xi32> to vector<256x8192xi32>
    %broadcast_in_dim3A_134 = vector.broadcast %jit3A_131 : i32 to vector<256x8192xi32>
    %select_n3A_135 = arith.select %eq3A_130, %broadcast_in_dim3A_133, %broadcast_in_dim3A_134 : vector<256x8192xi1>, vector<256x8192xi32>
    %reduce_min3A_136 = arith.constant dense<2147483647> : vector<256xi32>
    %reduce_min3A_137 = vector.multi_reduction <minsi>, %select_n3A_135, %reduce_min3A_136 [1] : vector<256x8192xi32> to vector<256xi32>
    %broadcast_in_dim3A_138 = vector.shape_cast %reduce_min3A_137 : vector<256xi32> to vector<256x1xi32>
    %eq3A_139 = vector.broadcast %iota3A : vector<1x8192xi32> to vector<256x8192xi32>
    %eq3A_140 = vector.broadcast %broadcast_in_dim3A_138 : vector<256x1xi32> to vector<256x8192xi32>
    %eq3A_141 = arith.cmpi eq, %eq3A_139, %eq3A_140 : vector<256x8192xi32>
    %jit3A_142 = arith.constant 0x7F800000 : f32
    %broadcast_in_dim3A_143 = vector.broadcast %jit3A_142 : f32 to vector<256x8192xf32>
    %select_n3A_144 = arith.select %eq3A_141, %broadcast_in_dim3A_143, %select_n3A_125 : vector<256x8192xi1>, vector<256x8192xf32>
    %reduce_min3A_145 = arith.constant dense<0x7F800000> : vector<256xf32>
    %reduce_min3A_146 = vector.multi_reduction <minimumf>, %select_n3A_144, %reduce_min3A_145 [1] : vector<256x8192xf32> to vector<256xf32>
    %broadcast_in_dim3A_147 = vector.shape_cast %reduce_min3A_146 : vector<256xf32> to vector<256x1xf32>
    %eq3A_148 = vector.broadcast %broadcast_in_dim3A_147 : vector<256x1xf32> to vector<256x8192xf32>
    %eq3A_149 = arith.cmpf oeq, %select_n3A_144, %eq3A_148 : vector<256x8192xf32>
    %jit3A_150 = arith.constant 8192 : i32
    %broadcast_in_dim3A_151 = vector.shape_cast %iota3A : vector<1x8192xi32> to vector<1x8192xi32>
    %broadcast_in_dim3A_152 = vector.broadcast %broadcast_in_dim3A_151 : vector<1x8192xi32> to vector<256x8192xi32>
    %broadcast_in_dim3A_153 = vector.broadcast %jit3A_150 : i32 to vector<256x8192xi32>
    %select_n3A_154 = arith.select %eq3A_149, %broadcast_in_dim3A_152, %broadcast_in_dim3A_153 : vector<256x8192xi1>, vector<256x8192xi32>
    %reduce_min3A_155 = arith.constant dense<2147483647> : vector<256xi32>
    %reduce_min3A_156 = vector.multi_reduction <minsi>, %select_n3A_154, %reduce_min3A_155 [1] : vector<256x8192xi32> to vector<256xi32>
    %broadcast_in_dim3A_157 = vector.shape_cast %reduce_min3A_156 : vector<256xi32> to vector<256x1xi32>
    %eq3A_158 = vector.broadcast %iota3A : vector<1x8192xi32> to vector<256x8192xi32>
    %eq3A_159 = vector.broadcast %broadcast_in_dim3A_157 : vector<256x1xi32> to vector<256x8192xi32>
    %eq3A_160 = arith.cmpi eq, %eq3A_158, %eq3A_159 : vector<256x8192xi32>
    %jit3A_161 = arith.constant 0x7F800000 : f32
    %broadcast_in_dim3A_162 = vector.broadcast %jit3A_161 : f32 to vector<256x8192xf32>
    %select_n3A_163 = arith.select %eq3A_160, %broadcast_in_dim3A_162, %select_n3A_144 : vector<256x8192xi1>, vector<256x8192xf32>
    %reduce_min3A_164 = arith.constant dense<0x7F800000> : vector<256xf32>
    %reduce_min3A_165 = vector.multi_reduction <minimumf>, %select_n3A_163, %reduce_min3A_164 [1] : vector<256x8192xf32> to vector<256xf32>
    %broadcast_in_dim3A_166 = vector.shape_cast %reduce_min3A_165 : vector<256xf32> to vector<256x1xf32>
    %eq3A_167 = vector.broadcast %broadcast_in_dim3A_166 : vector<256x1xf32> to vector<256x8192xf32>
    %eq3A_168 = arith.cmpf oeq, %select_n3A_163, %eq3A_167 : vector<256x8192xf32>
    %jit3A_169 = arith.constant 8192 : i32
    %broadcast_in_dim3A_170 = vector.shape_cast %iota3A : vector<1x8192xi32> to vector<1x8192xi32>
    %broadcast_in_dim3A_171 = vector.broadcast %broadcast_in_dim3A_170 : vector<1x8192xi32> to vector<256x8192xi32>
    %broadcast_in_dim3A_172 = vector.broadcast %jit3A_169 : i32 to vector<256x8192xi32>
    %select_n3A_173 = arith.select %eq3A_168, %broadcast_in_dim3A_171, %broadcast_in_dim3A_172 : vector<256x8192xi1>, vector<256x8192xi32>
    %reduce_min3A_174 = arith.constant dense<2147483647> : vector<256xi32>
    %reduce_min3A_175 = vector.multi_reduction <minsi>, %select_n3A_173, %reduce_min3A_174 [1] : vector<256x8192xi32> to vector<256xi32>
    %broadcast_in_dim3A_176 = vector.shape_cast %reduce_min3A_175 : vector<256xi32> to vector<256x1xi32>
    %eq3A_177 = vector.broadcast %iota3A : vector<1x8192xi32> to vector<256x8192xi32>
    %eq3A_178 = vector.broadcast %broadcast_in_dim3A_176 : vector<256x1xi32> to vector<256x8192xi32>
    %eq3A_179 = arith.cmpi eq, %eq3A_177, %eq3A_178 : vector<256x8192xi32>
    %jit3A_180 = arith.constant 0x7F800000 : f32
    %broadcast_in_dim3A_181 = vector.broadcast %jit3A_180 : f32 to vector<256x8192xf32>
    %select_n3A_182 = arith.select %eq3A_179, %broadcast_in_dim3A_181, %select_n3A_163 : vector<256x8192xi1>, vector<256x8192xf32>
    %reduce_min3A_183 = arith.constant dense<0x7F800000> : vector<256xf32>
    %reduce_min3A_184 = vector.multi_reduction <minimumf>, %select_n3A_182, %reduce_min3A_183 [1] : vector<256x8192xf32> to vector<256xf32>
    %broadcast_in_dim3A_185 = vector.shape_cast %reduce_min3A_184 : vector<256xf32> to vector<256x1xf32>
    %eq3A_186 = vector.broadcast %broadcast_in_dim3A_185 : vector<256x1xf32> to vector<256x8192xf32>
    %eq3A_187 = arith.cmpf oeq, %select_n3A_182, %eq3A_186 : vector<256x8192xf32>
    %jit3A_188 = arith.constant 8192 : i32
    %broadcast_in_dim3A_189 = vector.shape_cast %iota3A : vector<1x8192xi32> to vector<1x8192xi32>
    %broadcast_in_dim3A_190 = vector.broadcast %broadcast_in_dim3A_189 : vector<1x8192xi32> to vector<256x8192xi32>
    %broadcast_in_dim3A_191 = vector.broadcast %jit3A_188 : i32 to vector<256x8192xi32>
    %select_n3A_192 = arith.select %eq3A_187, %broadcast_in_dim3A_190, %broadcast_in_dim3A_191 : vector<256x8192xi1>, vector<256x8192xi32>
    %reduce_min3A_193 = arith.constant dense<2147483647> : vector<256xi32>
    %reduce_min3A_194 = vector.multi_reduction <minsi>, %select_n3A_192, %reduce_min3A_193 [1] : vector<256x8192xi32> to vector<256xi32>
    %broadcast_in_dim3A_195 = vector.shape_cast %reduce_min3A_194 : vector<256xi32> to vector<256x1xi32>
    %concatenate3A = tpu.concatenate %broadcast_in_dim3A_24, %broadcast_in_dim3A_43, %broadcast_in_dim3A_62, %broadcast_in_dim3A_81, %broadcast_in_dim3A_100, %broadcast_in_dim3A_119, %broadcast_in_dim3A_138, %broadcast_in_dim3A_157, %broadcast_in_dim3A_176, %broadcast_in_dim3A_195 in 1 : vector<256x1xi32>, vector<256x1xi32>, vector<256x1xi32>, vector<256x1xi32>, vector<256x1xi32>, vector<256x1xi32>, vector<256x1xi32>, vector<256x1xi32>, vector<256x1xi32>, vector<256x1xi32> -> vector<256x10xi32>
    %swap3A = arith.constant 0 : index
    %swap3A_196 = arith.constant 0 : index
    %swap3A_197 = vector.load %arg3[%swap3A, %swap3A_196] : memref<256x10xi32, #tpu.memory_space<vmem>>, vector<256x10xi32>
    tpu.vector_store %arg3[%swap3A, %swap3A_196], %concatenate3A {strides = array<i32>} : memref<256x10xi32, #tpu.memory_space<vmem>>, vector<256x10xi32>,
    return
  }
  func.func @transform_0(%arg0: i32) -> (i32, i32) {
    %c0_i32 = arith.constant 0 : i32
    %c0_i32_0 = arith.constant 0 : i32
    %c0_i32_1 = arith.constant 0 : i32
    return %c0_i32, %c0_i32_0 : i32, i32
  }
  func.func @transform_1(%arg0: i32) -> (i32, i32) {
    %c0_i32 = arith.constant 0 : i32
    %c0_i32_0 = arith.constant 0 : i32
    return %arg0, %c0_i32 : i32, i32
  }
  func.func @transform_2(%arg0: i32) -> (i32, i32) {
    %c0_i32 = arith.constant 0 : i32
    %c0_i32_0 = arith.constant 0 : i32
    return %arg0, %c0_i32 : i32, i32
  }
}

module attributes {stable_mosaic.version = 14 : i64} {
  func.func @_conv_body(%arg0: i32, %arg1: memref<512x640xf32, #tpu.memory_space<vmem>>, %arg2: memref<640x1280xf32, #tpu.memory_space<vmem>>, %arg3: memref<1x128xf32, #tpu.memory_space<vmem>>, %arg4: memref<512x128xf32, #tpu.memory_space<vmem>>) attributes {dimension_semantics = [#tpu.dimension_semantics<arbitrary>], iteration_bounds = array<i64: 16>, scalar_prefetch = 0 : i64, scratch_operands = 0 : i64, tpu.core_type = #tpu.core_type<tc>, window_params = [{transform_indices = @transform_0, window_bounds = array<i64: 512, 640>}, {pipeline_mode = #tpu.pipeline_mode<synchronous>, transform_indices = @transform_1, window_bounds = array<i64: 640, 1280>}, {pipeline_mode = #tpu.pipeline_mode<synchronous>, transform_indices = @transform_2, window_bounds = array<i64: 1, 128>}, {transform_indices = @transform_3, window_bounds = array<i64: 512, 128>}]} {
    %get3A = arith.constant 0 : index
    %get3A_0 = arith.constant 0 : index
    %get3A_1 = vector.load %arg1[%get3A, %get3A_0] : memref<512x640xf32, #tpu.memory_space<vmem>>, vector<512x640xf32>
    %get3A_2 = arith.constant 0 : index
    %get3A_3 = arith.constant 0 : index
    %get3A_4 = vector.load %arg2[%get3A_2, %get3A_3] : memref<640x1280xf32, #tpu.memory_space<vmem>>, vector<640x1280xf32>
    %dot_general3A = arith.constant dense<0.000000e+00> : vector<512x1280xf32>
    %dot_general3A_5 = tpu.matmul %get3A_1, %get3A_4, %dot_general3A {dimension_numbers = #tpu.dot_dimension_numbers<[1], [0], [0], [1], [0, 0, 1, 1], [], []>, transpose_lhs_hint = false} : vector<512x640xf32>, vector<640x1280xf32>, vector<512x1280xf32> -> vector<512x1280xf32>
    %slice3A = vector.extract_strided_slice %dot_general3A_5 {offsets = [0, 0], sizes = [512, 128], strides = [1, 1]} : vector<512x1280xf32> to vector<512x128xf32>
    %slice3A_6 = vector.extract_strided_slice %dot_general3A_5 {offsets = [0, 128], sizes = [512, 128], strides = [1, 1]} : vector<512x1280xf32> to vector<512x128xf32>
    %max3A = arith.maximumf %slice3A, %slice3A_6 : vector<512x128xf32>
    %slice3A_7 = vector.extract_strided_slice %dot_general3A_5 {offsets = [0, 256], sizes = [512, 128], strides = [1, 1]} : vector<512x1280xf32> to vector<512x128xf32>
    %max3A_8 = arith.maximumf %max3A, %slice3A_7 : vector<512x128xf32>
    %slice3A_9 = vector.extract_strided_slice %dot_general3A_5 {offsets = [0, 384], sizes = [512, 128], strides = [1, 1]} : vector<512x1280xf32> to vector<512x128xf32>
    %max3A_10 = arith.maximumf %max3A_8, %slice3A_9 : vector<512x128xf32>
    %slice3A_11 = vector.extract_strided_slice %dot_general3A_5 {offsets = [0, 512], sizes = [512, 128], strides = [1, 1]} : vector<512x1280xf32> to vector<512x128xf32>
    %max3A_12 = arith.maximumf %max3A_10, %slice3A_11 : vector<512x128xf32>
    %slice3A_13 = vector.extract_strided_slice %dot_general3A_5 {offsets = [0, 640], sizes = [512, 128], strides = [1, 1]} : vector<512x1280xf32> to vector<512x128xf32>
    %max3A_14 = arith.maximumf %max3A_12, %slice3A_13 : vector<512x128xf32>
    %slice3A_15 = vector.extract_strided_slice %dot_general3A_5 {offsets = [0, 768], sizes = [512, 128], strides = [1, 1]} : vector<512x1280xf32> to vector<512x128xf32>
    %max3A_16 = arith.maximumf %max3A_14, %slice3A_15 : vector<512x128xf32>
    %slice3A_17 = vector.extract_strided_slice %dot_general3A_5 {offsets = [0, 896], sizes = [512, 128], strides = [1, 1]} : vector<512x1280xf32> to vector<512x128xf32>
    %max3A_18 = arith.maximumf %max3A_16, %slice3A_17 : vector<512x128xf32>
    %slice3A_19 = vector.extract_strided_slice %dot_general3A_5 {offsets = [0, 1024], sizes = [512, 128], strides = [1, 1]} : vector<512x1280xf32> to vector<512x128xf32>
    %max3A_20 = arith.maximumf %max3A_18, %slice3A_19 : vector<512x128xf32>
    %slice3A_21 = vector.extract_strided_slice %dot_general3A_5 {offsets = [0, 1152], sizes = [512, 128], strides = [1, 1]} : vector<512x1280xf32> to vector<512x128xf32>
    %max3A_22 = arith.maximumf %max3A_20, %slice3A_21 : vector<512x128xf32>
    %get3A_23 = arith.constant 0 : index
    %get3A_24 = arith.constant 0 : index
    %get3A_25 = vector.load %arg3[%get3A_23, %get3A_24] : memref<1x128xf32, #tpu.memory_space<vmem>>, vector<1x128xf32>
    %add3A = vector.broadcast %get3A_25 : vector<1x128xf32> to vector<512x128xf32>
    %add3A_26 = arith.addf %max3A_22, %add3A : vector<512x128xf32>
    %swap3A = arith.constant 0 : index
    %swap3A_27 = arith.constant 0 : index
    %swap3A_28 = vector.load %arg4[%swap3A, %swap3A_27] : memref<512x128xf32, #tpu.memory_space<vmem>>, vector<512x128xf32>
    tpu.vector_store %arg4[%swap3A, %swap3A_27], %add3A_26 {strides = array<i32>} : memref<512x128xf32, #tpu.memory_space<vmem>>, vector<512x128xf32>,
    return
  }
  func.func @transform_0(%arg0: i32) -> (i32, i32) {
    %c0_i32 = arith.constant 0 : i32
    %c0_i32_0 = arith.constant 0 : i32
    return %arg0, %c0_i32 : i32, i32
  }
  func.func @transform_1(%arg0: i32) -> (i32, i32) {
    %c0_i32 = arith.constant 0 : i32
    %c0_i32_0 = arith.constant 0 : i32
    %c0_i32_1 = arith.constant 0 : i32
    return %c0_i32, %c0_i32_0 : i32, i32
  }
  func.func @transform_2(%arg0: i32) -> (i32, i32) {
    %c0_i32 = arith.constant 0 : i32
    %c0_i32_0 = arith.constant 0 : i32
    %c0_i32_1 = arith.constant 0 : i32
    return %c0_i32, %c0_i32_0 : i32, i32
  }
  func.func @transform_3(%arg0: i32) -> (i32, i32) {
    %c0_i32 = arith.constant 0 : i32
    %c0_i32_0 = arith.constant 0 : i32
    return %arg0, %c0_i32 : i32, i32
  }
}

</mosaic_0001>

<sc_bundles>
// kernel: kernel.5.cloned.1.call-start
scs
__scs_entry_jumppad:
0x0: {  	(pc) =	sbr.rel $0x88, $3  }
0x1: {  	(tag) =	ssettag $0x0;
	lr =	simm.s32 $0x1  }
0x2: {  	[smem:$0x3F9E] =	sst lr;
	_ =	strace $0xD0000000  }
0x3: {  	_ = 	snop  }
0x4: {  	_ = 	snop  }
0x5: {  	_ = 	snop  }
0x6: {  	_ = 	snop  }
0x7: {  	_ = 	snop  }
__scs_overlays_trampoline_lowered:
0x8: {  	[smem:$0x3FAD] =	sst s0  }
0x9: {  	[smem:$0x3FAE] =	sst s1  }
0xa: {  	[smem:$0x3FAF] =	sst s2  }
0xb: {  	[smem:$0x3FB0] =	sst s3  }
0xc: {  	[smem:$0x3FB1] =	sst s4  }
0xd: {  	[smem:$0x3FB2] =	sst s5  }
0xe: {  	[smem:$0x3FB3] =	sst s6  }
0xf: {  	[smem:$0x3FB4] =	sst s7  }
0x10: {  	[smem:$0x3FB5] =	sst s8  }
0x11: {  	[smem:$0x3FB6] =	sst s9;
	s0 =	simm.s32 @!p0 $0x0  }
0x12: {  	s1 =	sld [smem:$0x3F9C];
	s0 =	simm.s32 @p0 $0x1  }
0x13: {  	[smem:$0x3FB7] =	sst s0;
	s0 =	simm.s32 @!p1 $0x0  }
0x14: {  	s2 =	sld [smem:$0x3F9B];
	s0 =	simm.s32 @p1 $0x1  }
0x15: {  	[smem:$0x3FB8] =	sst s0;
	s0 =	simm.s32 @!p2 $0x0  }
0x16: {  	s3 =	sld [smem:$0x3FDB];
	s0 =	simm.s32 @p2 $0x1  }
0x17: {  	s4 =	simm.s32 $0x1BF5;
	[smem:$0x3FBA] =	sst s0  }
0x18: {  	s0 =	sld [smem:$0x3F9D];
	_ =	swait.ge [sflag:s4], $0x0  }
0x19: {  	s7 =	sld [smem:$0x3F9E]  }
0x1a: {  	s8 =	sadd.s32 $0xFFFFE003, lr  }
0x1b: {  	s9 =	sadd.s32 $0xFFFFFEF7, lr;
	s5 =	simm.s32 $0xFFFFFFFF;
	p2 =	slt.u32 s8, $0xFFFFF086  }
0x1c: {  	p1 =	slt.u32 s9, $0xF7A;
	s5 =	simm.s32 @!p2 $0x0  }
0x1d: {  	s5 =	simm.s32 @p1 $0x1;
	p0 =	seq.s32 s7, s2  }
0x1e: {  	s7 =	smul.u32 @!p0 $0xF7A, s2;
	p2 =	seq.s32 @!p0 s5, $0x0  }
0x1f: {  	s9 =	smul.u32 $0xF7A, s1;
	s8 =	simm.s32 @!p0 $0x1BF5;
	p2 =	por !p2, p0  }
0x20: {  	[sflag:s8] =	ssyncset.s32 @!p0 $0xFFFFF086;
	s6 =	sadd.s32 @!p0 s3, s7;
	s7 =	simm.s32 @!p0 $0x108  }
0x21: {  	s3 =	sadd.s32 s3, s9;
	s6 =	sadd.s32 @!p0 $0x88, s6;
	s7 =	simm.s32 @p2 $0x1082  }
0x22: {  	[simem:s7], [sflag:s8] =	dma.local @!p0 [hbm:s6], $0xF7A  }
0x23: {  	s9 =	sor.u32 $0xD0000000, s2;
	s6 =	simm.s32 $0x108;
	_ =	swait.ge @!p0 [sflag:s8], $0x0  }
0x24: {  	s3 =	sadd.s32 $0x88, s3;
	s6 =	simm.s32 @!p1 $0x1082;
	[sflag:s4] =	ssyncset.s32 $0xFFFFF086  }
0x25: {  	[simem:s6], [sflag:s4] =	dma.local [hbm:s3], $0xF7A  }
0x26: {  	[smem:$0x3F9E] =	sst s1;
	(tag) =	ssettag s2;
	_ =	strace s9  }
0x27: {  	s1 =	sld [smem:$0x3FAE]  }
0x28: {  	s2 =	sld [smem:$0x3FAF]  }
0x29: {  	s4 =	sld [smem:$0x3FB1]  }
0x2a: {  	p0 =	seq.s32 s5, $0x0;
	s5 =	sld [smem:$0x3FB2]  }
0x2b: {  	s6 =	sld [smem:$0x3FB3]  }
0x2c: {  	s7 =	sld [smem:$0x3FB4]  }
0x2d: {  	s3 =	simm.s32 $0x108;
	s8 =	sld [smem:$0x3FB5]  }
0x2e: {  	s3 =	simm.s32 @!p0 $0x1082;
	s9 =	sld [smem:$0x3FB6]  }
0x2f: {  	lr =	sadd.s32 s0, s3;
	s0 =	sld [smem:$0x3FAD]  }
0x30: {  	s3 =	sld [smem:$0x3FB0]  }
0x31: {  	[smem:$0x3FB9] =	sst s10  }
0x32: {  	s10 =	sld [smem:$0x3FB7];
	_ =	sdelay $0x3  }
0x33: {  	p0 =	seq.s32 s10, $0x1;
	s10 =	sld [smem:$0x3FB9];
	_ =	sdelay $0x3  }
0x34: {  	[smem:$0x3FB9] =	sst s10  }
0x35: {  	s10 =	sld [smem:$0x3FB8];
	_ =	sdelay $0x3  }
0x36: {  	p1 =	seq.s32 s10, $0x1;
	s10 =	sld [smem:$0x3FB9];
	_ =	sdelay $0x3  }
0x37: {  	[smem:$0x3FB9] =	sst s10  }
0x38: {  	s10 =	sld [smem:$0x3FBA]  }
0x39: {  	_ = 	snop;
	(pc) =	sbr.ind lr, $3  }
0x3a: {  	_ = 	snop  }
0x3b: {  	_ = 	snop  }
0x3c: {  	p2 =	seq.s32 s10, $0x1;
	s10 =	sld [smem:$0x3FB9]  }
0x3d: {  	_ =	shalt  }
0x3e: {  	_ =	shalt  }
0x3f: {  	_ =	shalt  }
0x40: {  	_ =	shalt  }
0x41: {  	_ =	shalt  }
0x42: {  	_ =	shalt  }
0x43: {  	_ =	shalt  }
0x44: {  	_ =	shalt  }
0x45: {  	_ =	shalt  }
0x46: {  	_ =	shalt  }
0x47: {  	_ =	shalt  }
0x48: {  	_ =	shalt  }
0x49: {  	_ =	shalt  }
0x4a: {  	_ =	shalt  }
0x4b: {  	_ =	shalt  }
0x4c: {  	_ =	shalt  }
0x4d: {  	_ =	shalt  }
0x4e: {  	_ =	shalt  }
0x4f: {  	_ =	shalt  }
0x50: {  	_ =	shalt  }
0x51: {  	_ =	shalt  }
0x52: {  	_ =	shalt  }
0x53: {  	_ =	shalt  }
0x54: {  	_ =	shalt  }
0x55: {  	_ =	shalt  }
0x56: {  	_ =	shalt  }
0x57: {  	_ =	shalt  }
0x58: {  	_ =	shalt  }
0x59: {  	_ =	shalt  }
0x5a: {  	_ =	shalt  }
0x5b: {  	_ =	shalt  }
0x5c: {  	_ =	shalt  }
0x5d: {  	_ =	shalt  }
0x5e: {  	_ =	shalt  }
0x5f: {  	_ =	shalt  }
0x60: {  	_ =	shalt  }
0x61: {  	_ =	shalt  }
0x62: {  	_ =	shalt  }
0x63: {  	_ =	shalt  }
0x64: {  	_ =	shalt  }
0x65: {  	_ =	shalt  }
0x66: {  	_ =	shalt  }
0x67: {  	_ =	shalt  }
0x68: {  	_ =	shalt  }
0x69: {  	_ =	shalt  }
0x6a: {  	_ =	shalt  }
0x6b: {  	_ =	shalt  }
0x6c: {  	_ =	shalt  }
0x6d: {  	_ =	shalt  }
0x6e: {  	_ =	shalt  }
0x6f: {  	_ =	shalt  }
0x70: {  	_ =	shalt  }
0x71: {  	_ =	shalt  }
0x72: {  	_ =	shalt  }
0x73: {  	_ =	shalt  }
0x74: {  	_ =	shalt  }
0x75: {  	_ =	shalt  }
0x76: {  	_ =	shalt  }
0x77: {  	_ =	shalt  }
0x78: {  	_ =	shalt  }
0x79: {  	_ =	shalt  }
0x7a: {  	_ =	shalt  }
0x7b: {  	_ =	shalt  }
0x7c: {  	_ =	shalt  }
0x7d: {  	_ =	shalt  }
0x7e: {  	_ =	shalt  }
0x7f: {  	_ =	shalt  }
0x80: {  	_ =	shalt  }
0x81: {  	_ =	shalt  }
0x82: {  	_ =	shalt  }
0x83: {  	_ =	shalt  }
0x84: {  	_ =	shalt  }
0x85: {  	_ =	shalt  }
0x86: {  	_ =	shalt  }
0x87: {  	_ =	shalt  }
.Lfunc_end0:
.L_simem_size_0:
called_computation_lowered:
.L_overlay_start_0:
0x88: {  	s2 =	sld [smem:$0x3FD9]  }
0x89: {  	s3 =	sld [smem:$0x3FFE];
	_ =	sdelay $0x1  }
0x8a: {  	s1 =	srdreg.scid  }
0x8b: {  	s0 =	sand.u32 $0x1, s1  }
0x8c: {  	s17 =	sshll.u32 s0, $0xA;
	s2 =	sadd.s32 s3, s2  }
0x8d: {  	s2 =	sadd.s32 s2, s17  }
0x8e: {  	[smem:$0x3FC5] =	sst s2  }
0x8f: {  	_ = 	snop  }
0x90: {  	s2 =	sld [smem:$0x3FD0];
	(tm) =	ssettm $0x1  }
0x91: {  	s18 =	sld [smem:$0x3FFB];
	_ =	sdelay $0x3  }
0x92: {  	_ =	strace s18  }
0x93: {  	s3 =	sld [smem:$0x3FFC];
	_ =	sdelay $0x3  }
0x94: {  	_ =	strace s3  }
0x95: {  	s3 =	sld [smem:$0x3FFD];
	_ =	sdelay $0x3  }
0x96: {  	_ =	strace s3  }
0x97: {  	_ =	strace $0x8FFFFFFF  }
0x98: {  	s19 =	sld [smem:$0x3FDB];
	_ =	sdelay $0x1  }
0x99: {  	s4 =	simm.s32 $_scs_section_size  }
0x9a: {  	s5 =	simm.s32 $_size__tile_overlayer_lowered;
	s6 =	simm.s32 $_tile_overlayer_lowered  }
0x9b: {  	s22 =	simm.s32 $0x1BFF;
	s21 =	sshll.u32 s6, $0x1;
	s3 =	sadd.s32 s4, s19  }
0x9c: {  	s7 =	simm.s32 $0x0;
	s20 =	sshll.u32 s5, $0x1;
	s5 =	sadd.s32 s21, s3  }
0x9d: {  	[timem:s7], [sflag:s22] =	dma.local [hbm:s5], s20  }
0x9e: {  	_ =	swait.ge [sflag:s22], s20  }
0x9f: {  	s4 =	ssub.s32 $0x0, s20;
	[sflag:s22] =	ssyncset.done $0x0  }
0xa0: {  	[sflag:s22] =	ssyncadd.s32 s4;
	_ =	sdelay $0x1  }
0xa1: {  	s23 =	simm.s32 $0x1B8B  }
0xa2: {  	_ =	swait.ge [sflag:s23], $0x1  }
0xa3: {  	[sflag:s23] =	ssyncset.done $0x0  }
0xa4: {  	s25 =	simm.s32 $0x1B8E;
	s24 =	sld [smem:$0x3FFE];
	[sflag:s23] =	ssyncadd.s32 $0xFFFFFFFF  }
0xa5: {  	s26 =	simm.s32 $execute0_lowered;
	[smem:$0x3FD2] =	sst s25  }
0xa6: {  	s5 =	sshll.u32 s26, $0x1;
	_ =	strace $0x80000046;
	[dreg:$0x1] =	wrdreg $0xFFFFFFFF  }
0xa7: {  	s28 =	simm.s32 $_size_execute0_lowered;
	s3 =	sadd.s32 s3, s5;
	[dreg:$0x0] =	wrdreg $0x0  }
0xa8: {  	s5 =	sshll.u32 s28, $0x1;
	[dreg:$0x2] =	wrdreg s3  }
0xa9: {  	[dreg:$0x3] =	wrdreg s5  }
0xaa: {  	[dreg:$0x4] =	wrdreg $0xC0  }
0xab: {  	_ =	task [dreg:s7], $0x5FFFF  }
0xac: {  	[dreg:$0x1] =	wrdreg $0xFFFFFFFF  }
0xad: {  	[dreg:$0x0] =	wrdreg $0x60  }
0xae: {  	[dreg:$0x2] =	wrdreg s2  }
0xaf: {  	[dreg:$0x3] =	wrdreg s24  }
0xb0: {  	[dreg:$0x4] =	wrdreg $0x9  }
0xb1: {  	_ =	task.clear_ibuf [dreg:s7], $0x5FFFF;
	_ =	strace $0x90000046  }
0xb2: {  	s29 =	simm.s32 $0x9;
	_ =	strace $0x80000048  }
0xb3: {  	_ =	swait.ge [sflag:s29], $0x1  }
0xb4: {  	[sflag:s29] =	ssyncadd.s32 $0xFFFFFFFF  }
0xb5: {  	_ =	strace $0x90000048  }
0xb6: {  	_ =	sfence  }
0xb7: {  	s30 =	sld [smem:$0x0];
	_ =	sdelay $0x2  }
0xb8: {  	s31 =	sshll.u32 s1, $0xD;
	s1 =	sshrl.u32 s1, $0x2  }
0xb9: {  	s3 =	sand.u32 $0x4000, s31;
	s1 =	sadd.s32 s1, s30  }
0xba: {  	s0 =	sor.u32 s3, s0;
	s1 =	sshll.u32 s1, $0x11  }
0xbb: {  	s0 =	sor.u32 s1, s0  }
0xbc: {  	s0 =	sadd.s32 $0x8F2B, s0  }
0xbd: {  	[sflag:s0] =	ssyncadd.remote.s32 $0x1  }
0xbe: {  	_ =	sfence.sel $0xFFFF  }
0xbf: {  	[dreg:$0x0] =	wrdreg $0xFFFFFFFF;
	(pc) =	sbr.abs _section_cstart, $3  }
0xc0: {  	[dreg:$0x1] =	wrdreg $0xFFFFFFFF  }
0xc1: {  	_ =	task.clear_ibuf [dreg:s7], $0x2FFFF;
	_ =	strace $0x9FFFFFFF  }
0xc2: {  	(tm) =	ssettm $0x7FFFFFFF  }
0xc3: {  	_ =	shalt  }
tec
execute0_lowered:
.L_overlay_start_1:
0x0: {  	(tag) =	ssettag $0x1  }
0x1: {  	s1 =	srdreg.scid;
	s0 =	stileid.u32  }
0x2: {  	s10 =	sand.u32 $0x1, s1;
	s26 =	sshll.u32 s0, $0x1  }
0x3: {  	s2 =	rddreg [dreg:$0x0];
	s8 =	sor.u32 s10, s26  }
0x4: {  	s9 =	rddreg [dreg:$0x1];
	s11 =	smul.u32 $0xA00, s8  }
0x5: {  	s3 =	simm.s32 $0x0;
	s1 =	rddreg [dreg:$0x2]  }
0x6: {  	[smem:$0x7FF] =	sst s3;
	s12 =	sadd.s32 $0xC00, s9;
	s4 =	sshrl.u32 s11, $0x3  }
0x7: {  	_ =	strace $0x80000047;
	s5 =	sadd.s32 s12, s4;
	s4 =	simm.s32 $0x2  }
0x8: {  	[tilespmem:s3], [sflag:$0x2] =	stream.linear.gather [hbm4b:s5+s3], $0x500, $0x38;
	[tilespmem:$0x14500] =	vst v63  }
0x9: {  	_ =	swait.ge [sflag:s4], $0x500  }
0xa: {  	[sflag:s4] =	ssyncset.done $0x0  }
0xb: {  	s6 =	simm.s32 $0x500;
	s7 =	simm.s32 $0x1;
	[sflag:s4] =	ssyncadd.s32 $0xFFFFFB00  }
0xc: {  	[tilespmem:s6], [sflag:$0x1] =	stream.indirect.gather [hbm4b:s2+s6], $0x40, s3, s6, $0xb8;
	[tilespmem:$0x14500] =	vst v63  }
0xd: {  	s8 =	smul.u32 $0x5000, s8;
	_ =	swait.ge [sflag:s7], $0x14000  }
0xe: {  	s13 =	sadd.s32 $0x3400, s9;
	[sflag:s7] =	ssyncset.done $0x0  }
0xf: {  	s8 =	sadd.s32 s13, s8;
	[sflag:s7] =	ssyncadd.s32 $0xFFFEC000  }
0x10: {  	[hbm4b:s8+s3] =	stream.linear.scatter [tilespmem:s6], [sflag:$0x2], $0x14000, $0x38;
	[tilespmem:$0x14500] =	vst v63  }
0x11: {  	s11 =	sadd.s32 $0x500, s11;
	_ =	swait.ge [sflag:s4], $0x14000  }
0x12: {  	s28 =	sshrl.u32 s11, $0x3;
	[sflag:s4] =	ssyncset.done $0x0  }
0x13: {  	s10 =	ssub.s32 $0x2, s10;
	s9 =	sadd.s32 s12, s28;
	[sflag:s4] =	ssyncadd.s32 $0xFFFEC000  }
0x14: {  	[tilespmem:s3], [sflag:$0x2] =	stream.linear.gather [hbm4b:s9+s3], $0x500, $0x38;
	[tilespmem:$0x14500] =	vst v63  }
0x15: {  	s29 =	sshrl.u32 s10, $0x1;
	_ =	swait.ge [sflag:s4], $0x500  }
0x16: {  	s12 =	ssub.s32 s10, s29;
	[sflag:s4] =	ssyncset.done $0x0  }
0x17: {  	s31 =	smax.u32 s12, $0x1;
	[sflag:s4] =	ssyncadd.s32 $0xFFFFFB00  }
0x18: {  	[tilespmem:s6], [sflag:$0x1] =	stream.indirect.gather [hbm4b:s2+s6], $0x40, s3, s6, $0xb8;
	[tilespmem:$0x14500] =	vst v63  }
0x19: {  	p0 =	sne.s32 s31, $0x1;
	_ =	swait.ge [sflag:s7], $0x14000  }
.Ltmp0:
0x1a: {  	s30 =	sshll.u32 s11, $0x3;
	[sflag:s7] =	ssyncset.done $0x0;
	(pc) =	sbr.rel @!p0 .LBB2_2-.Ltmp0, $4  }
0x1b: {  	s10 =	sadd.s32 s13, s30;
	[sflag:s7] =	ssyncadd.s32 $0xFFFEC000  }
0x1c: {  	[hbm4b:s10+s3] =	stream.linear.scatter [tilespmem:s6], [sflag:$0x2], $0x14000, $0x38;
	[tilespmem:$0x14500] =	vst v63  }
0x1d: {  	_ =	swait.ge [sflag:s4], $0x14000  }
0x1e: {  	s11 =	sadd.s32 $0xFFFFFFFF, s31;
	[sflag:s4] =	ssyncset.done $0x0  }
.LBB2_1:
0x1f: {  	p0 =	sne.s32 s11, $0x1;
	s11 =	sadd.s32 $0xFFFFFFFF, s11;
	[sflag:s4] =	ssyncadd.s32 $0xFFFEC000  }
0x20: {  	[tilespmem:s3], [sflag:$0x2] =	stream.linear.gather [hbm4b:s5+s3], $0x500, $0x38;
	[tilespmem:$0x14500] =	vst v63  }
0x21: {  	_ =	swait.ge [sflag:s4], $0x500  }
0x22: {  	[sflag:s4] =	ssyncset.done $0x0  }
0x23: {  	[sflag:s4] =	ssyncadd.s32 $0xFFFFFB00  }
0x24: {  	[tilespmem:s6], [sflag:$0x1] =	stream.indirect.gather [hbm4b:s2+s6], $0x40, s3, s6, $0xb8;
	[tilespmem:$0x14500] =	vst v63  }
0x25: {  	_ =	swait.ge [sflag:s7], $0x14000  }
0x26: {  	[sflag:s7] =	ssyncset.done $0x0  }
0x27: {  	[sflag:s7] =	ssyncadd.s32 $0xFFFEC000  }
0x28: {  	[hbm4b:s8+s3] =	stream.linear.scatter [tilespmem:s6], [sflag:$0x2], $0x14000, $0x38;
	[tilespmem:$0x14500] =	vst v63  }
0x29: {  	_ =	swait.ge [sflag:s4], $0x14000  }
0x2a: {  	[sflag:s4] =	ssyncset.done $0x0  }
0x2b: {  	[sflag:s4] =	ssyncadd.s32 $0xFFFEC000  }
0x2c: {  	[tilespmem:s3], [sflag:$0x2] =	stream.linear.gather [hbm4b:s9+s3], $0x500, $0x38;
	[tilespmem:$0x14500] =	vst v63  }
0x2d: {  	_ =	swait.ge [sflag:s4], $0x500  }
0x2e: {  	[sflag:s4] =	ssyncset.done $0x0  }
0x2f: {  	[sflag:s4] =	ssyncadd.s32 $0xFFFFFB00  }
0x30: {  	[tilespmem:s6], [sflag:$0x1] =	stream.indirect.gather [hbm4b:s2+s6], $0x40, s3, s6, $0xb8;
	[tilespmem:$0x14500] =	vst v63  }
0x31: {  	_ =	swait.ge [sflag:s7], $0x14000  }
.Ltmp1:
0x32: {  	[sflag:s7] =	ssyncset.done $0x0;
	(pc) =	sbr.rel @p0 .LBB2_1-.Ltmp1, $4  }
0x33: {  	[sflag:s7] =	ssyncadd.s32 $0xFFFEC000  }
0x34: {  	[hbm4b:s10+s3] =	stream.linear.scatter [tilespmem:s6], [sflag:$0x2], $0x14000, $0x38;
	[tilespmem:$0x14500] =	vst v63  }
0x35: {  	_ =	swait.ge [sflag:s4], $0x14000  }
0x36: {  	[sflag:s4] =	ssyncset.done $0x0  }
.LBB2_2:
0x37: {  	[sflag:s4] =	ssyncadd.s32 $0xFFFEC000  }
0x38: {  	_ =	sfence.sel $0x180000  }
0x39: {  	[bflag:$0x0] =	sbarrier.arrive $0xFFFF  }
0x3a: {  	p0 =	sne.s32 s0, $0x0;
	_ =	strace $0x90000047  }
0x3b: {  	s0 =	sadd.s32 @!p0 $0x100000, s1;
	[bflag:$0x2] =	sbarrier.arrive $0xFFFF  }
0x3c: {  	[sflag:s0] =	ssyncadd.tile.s32 @!p0 $0x1;
	_ =	shalt  }
.Lfunc_end2:
_tile_overlayer_lowered:
.L_overlay_start_2:
0x3d: {  	(tag) =	ssettag $0x2  }
0x3e: {  	s0 =	rddreg [dreg:$0x0];
	s2 =	stileid.u32  }
0x3f: {  	s1 =	rddreg [dreg:$0x1];
	p0 =	sne.s32 s2, $0x0  }
0x40: {  	s3 =	rddreg [dreg:$0x2];
	[bflag:$0x3] =	sbarrier.arrive $0xFFFF;
	s2 =	simm.s32 @!p0 $0x1C02  }
0x41: {  	[timem:s3], [sflag:s2] =	dma.local @!p0 [hbm:s0], s1  }
0x42: {  	s0 =	simm.s32 @!p0 $0x2  }
0x43: {  	_ =	swait.ge @!p0 [sflag:s0], s1  }
0x44: {  	s1 =	ssub.s32 @!p0 $0x0, s1;
	[sflag:s0] =	ssyncset.done @!p0 $0x0  }
0x45: {  	[sflag:s0] =	ssyncadd.s32 @!p0 s1  }
0x46: {  	[bflag:$0x3] =	sbarrier.arrive $0xFFFF  }
0x47: {  	_ =	shalt  }

</sc_bundles>
